<compile_context>
chip_gen: v7x
topology: tpu7x:2x2x1
jax: 0.10.2.dev20260603
libtpu: 0.0.44.dev20260713+nightly
codegen_flags: <defaults>
</compile_context>

<pallas_src>
import functools

import jax
import jax.numpy as jnp
from jax import lax
from jax.experimental import pallas as pl
from jax.experimental.pallas import tpu as pltpu
from jax.experimental.pallas import tpu_sc as plsc

EMBED_DIM = 64
NUM_ROWS = 16384
ROW_LEN = 50
NUM_CORES = 2
NUM_SUBCORES = 16
NUM_WORKERS = NUM_CORES * NUM_SUBCORES

TOTAL = NUM_ROWS * ROW_LEN
PER_WORKER = TOTAL // NUM_WORKERS
ROWS_PER_WORKER = NUM_ROWS // NUM_WORKERS
ROWS_PER_CHUNK = 4
CHUNK = ROWS_PER_CHUNK * ROW_LEN
NUM_CHUNKS = PER_WORKER // CHUNK
NBUF = 4
LOOKAHEAD = NBUF - 1

_mesh = plsc.VectorSubcoreMesh(core_axis_name="c", subcore_axis_name="s")

I_BLOCK = NUM_ROWS // NUM_WORKERS
_TVECS = (I_BLOCK * ROW_LEN) // 16


@functools.partial(
    pl.kernel,
    mesh=_mesh,
    out_type=jax.ShapeDtypeStruct((TOTAL,), jnp.int32),
    scratch_types=[
        pltpu.VMEM((ROW_LEN, I_BLOCK), jnp.int32),
        pltpu.VMEM((I_BLOCK * ROW_LEN,), jnp.int32),
    ],
    compiler_params=pltpu.CompilerParams(needs_layout_passes=False),
)
def _detile_kernel(idxT_hbm, out_hbm, src_v, dst_v):
    wid = lax.axis_index("s") * NUM_CORES + lax.axis_index("c")
    i0 = wid * I_BLOCK
    pltpu.sync_copy(idxT_hbm.at[:, pl.ds(i0, I_BLOCK)], src_v)

    lane = jnp.arange(16, dtype=jnp.int32)

    def body(v, _):
        q = v * 16 + lane
        j = q % ROW_LEN
        il = q // ROW_LEN
        vals = plsc.load_gather(src_v, [j, il])
        dst_v[pl.ds(v * 16, 16)] = vals
        return 0

    lax.fori_loop(0, _TVECS, body, 0)
    pltpu.sync_copy(dst_v, out_hbm.at[pl.ds(wid * PER_WORKER, PER_WORKER)])


@functools.partial(
    pl.kernel,
    mesh=_mesh,
    out_type=jax.ShapeDtypeStruct((NUM_ROWS, ROW_LEN, EMBED_DIM), jnp.float32),
    scratch_types=[
        pltpu.VMEM((PER_WORKER,), jnp.int32),
        pltpu.VMEM((NBUF, CHUNK, EMBED_DIM), jnp.float32),
        pltpu.SemaphoreType.DMA,
        pltpu.SemaphoreType.DMA,
        pltpu.SemaphoreType.DMA,
        pltpu.SemaphoreType.DMA,
        pltpu.SemaphoreType.DMA,
        pltpu.SemaphoreType.DMA,
        pltpu.SemaphoreType.DMA,
        pltpu.SemaphoreType.DMA,
    ],
    compiler_params=pltpu.CompilerParams(use_tc_tiling_on_sc=False),
)
def _gather_kernel(idx_hbm, table_hbm, out_hbm, idx_v, rows_v,
                   sg0, sg1, sg2, sg3, sw0, sw1, sw2, sw3):
    sems_g = [sg0, sg1, sg2, sg3]
    sems_w = [sw0, sw1, sw2, sw3]
    wid = lax.axis_index("s") * NUM_CORES + lax.axis_index("c")
    base = wid * PER_WORKER
    base_row = wid * ROWS_PER_WORKER

    pltpu.sync_copy(idx_hbm.at[pl.ds(base, PER_WORKER)], idx_v)

    def start_gather(g, b):
        idx_slice = idx_v.at[pl.ds(pl.multiple_of(g * CHUNK, CHUNK), CHUNK)]
        pltpu.async_copy(table_hbm.at[idx_slice], rows_v.at[b], sems_g[b])

    def wait_gather(g, b):
        idx_slice = idx_v.at[pl.ds(pl.multiple_of(g * CHUNK, CHUNK), CHUNK)]
        pltpu.make_async_copy(table_hbm.at[idx_slice], rows_v.at[b],
                              sems_g[b]).wait()

    def start_wb(g, b):
        row0 = base_row + g * ROWS_PER_CHUNK
        for jr in range(ROWS_PER_CHUNK):
            src = rows_v.at[b].at[pl.ds(jr * ROW_LEN, ROW_LEN)]
            pltpu.async_copy(src, out_hbm.at[row0 + jr], sems_w[b])

    def wait_wb(g, b):
        row0 = base_row + g * ROWS_PER_CHUNK
        for jr in range(ROWS_PER_CHUNK):
            src = rows_v.at[b].at[pl.ds(jr * ROW_LEN, ROW_LEN)]
            pltpu.make_async_copy(src, out_hbm.at[row0 + jr],
                                  sems_w[b]).wait()

    for j in range(LOOKAHEAD):
        start_gather(j, j)

    start_gather(LOOKAHEAD, LOOKAHEAD % NBUF)
    wait_gather(0, 0)
    start_wb(0, 0)

    steady = NUM_CHUNKS - 1 - LOOKAHEAD
    groups = steady // NBUF

    def body(i, _):
        g0 = 1 + i * NBUF
        for db in range(NBUF):
            g = g0 + db
            b = (1 + db) % NBUF
            bj = (b + LOOKAHEAD) % NBUF
            wait_wb(g - 1, bj)
            start_gather(g + LOOKAHEAD, bj)
            wait_gather(g, b)
            start_wb(g, b)
        return 0

    lax.fori_loop(0, groups, body, 0)

    for g in range(NUM_CHUNKS - LOOKAHEAD, NUM_CHUNKS):
        b = g % NBUF
        wait_gather(g, b)
        start_wb(g, b)

    for g in range(NUM_CHUNKS - NBUF, NUM_CHUNKS):
        wait_wb(g, g % NBUF)


def kernel(input, table):
    flat_idx = _detile_kernel(input.astype(jnp.int32).T)
    return _gather_kernel(flat_idx, table)

# --- scband reference (transcript-rebuilt; emitter-appended) ---
"""Pipeline reference for scband-skip-gram-31052613550207 (READ-ONLY COPY).

The authoritative reference and input builder live on the scoring server;
editing this copy changes nothing except your own understanding.
"""

import jax, jax.numpy as jnp
import numpy as np

VOCAB_SIZE = 1000000
EMBED_DIM = 64

def setup_inputs(seed: int = 0) -> dict:
    key = jax.random.key(seed)
    k1, k2 = jax.random.split(key)
    indices = jax.random.randint(k1, (16384, 50), 0, VOCAB_SIZE, dtype=jnp.int64 if jax.config.jax_enable_x64 else jnp.int32)
    # Embedding table, uniform initializer like keras default (-0.05, 0.05)
    table = jax.random.uniform(k2, (VOCAB_SIZE, EMBED_DIM), dtype=jnp.float32, minval=-0.05, maxval=0.05)
    return {"input": indices, "table": table}

def reference(input, table):
    # SkipGram.call: embedding lookup
    x = jnp.take(table, input, axis=0)
    return x

if __name__ == "__main__":
    import jax
    _d = setup_inputs()
    print(jax.jit(kernel)(*tuple(_d.values())))

</pallas_src>

<mosaic_0001>
#map = affine_map<(d0, d1) -> (0, 0)>
#map1 = affine_map<(d0, d1) -> (0)>
module attributes {stable_mosaic.version = 14 : i64} {
  func.func @_detile_kernel(%arg0: i32, %arg1: i32, %arg2: memref<50x16384xi32, #tpu.memory_space<hbm>>, %arg3: memref<819200xi32, #tpu.memory_space<hbm>>, %arg4: memref<50x512xi32, #tpu.memory_space<vmem>>, %arg5: memref<25600xi32, #tpu.memory_space<vmem>>) attributes {dimension_semantics = [#tpu.dimension_semantics<core_parallel>, #tpu.dimension_semantics<subcore_parallel>], iteration_bounds = array<i64: 2, 16>, scalar_prefetch = 0 : i64, scratch_operands = 2 : i64, tpu.core_type = #tpu.core_type<sc_vector_subcore>, window_params = [{transform_indices = #map}, {transform_indices = #map1}]} {
    %mul3A = arith.constant 2 : i32
    %mul3A_0 = arith.muli %arg1, %mul3A : i32
    %add3A = arith.addi %mul3A_0, %arg0 : i32
    %mul3A_1 = arith.constant 512 : i32
    %mul3A_2 = arith.muli %add3A, %mul3A_1 : i32
    "tpu.region"() ({
      %run_scoped3A = tpu.sem_alloc : memref<!tpu.dma_semaphore, #tpu.memory_space<semaphore_mem>>
      %dma_start3A = arith.constant 0 : i32
      %dma_start3A_11 = tpu.memref_slice %arg2[%dma_start3A, %mul3A_2] : memref<50x16384xi32, #tpu.memory_space<hbm>> -> memref<50x512xi32, #tpu.memory_space<hbm>>
      %dma_start3A_12 = arith.constant 0 : i32
      %dma_start3A_13 = tpu.memref_slice %arg2[%dma_start3A_12, %mul3A_2] : memref<50x16384xi32, #tpu.memory_space<hbm>> -> memref<50x512xi32, #tpu.memory_space<hbm>>
      tpu.enqueue_dma source(%dma_start3A_13 : memref<50x512xi32, #tpu.memory_space<hbm>>) target(%arg4 : memref<50x512xi32, #tpu.memory_space<vmem>>) target_semaphore(%run_scoped3A : memref<!tpu.dma_semaphore, #tpu.memory_space<semaphore_mem>>)
      %dma_wait3A = arith.constant 0 : i32
      %dma_wait3A_14 = tpu.memref_slice %arg2[%dma_wait3A, %mul3A_2] : memref<50x16384xi32, #tpu.memory_space<hbm>> -> memref<50x512xi32, #tpu.memory_space<hbm>>
      %dma_wait3A_15 = arith.constant 0 : i32
      %dma_wait3A_16 = tpu.memref_slice %arg2[%dma_wait3A_15, %mul3A_2] : memref<50x16384xi32, #tpu.memory_space<hbm>> -> memref<50x512xi32, #tpu.memory_space<hbm>>
      tpu.wait_dma2 semaphore(%run_scoped3A : memref<!tpu.dma_semaphore, #tpu.memory_space<semaphore_mem>>) src(%dma_wait3A_16 : memref<50x512xi32, #tpu.memory_space<hbm>>) dst(%arg4 : memref<50x512xi32, #tpu.memory_space<vmem>>)
      tpu.yield
    }) : () -> ()
    %iota3A = tpu.iota {dimensions = array<i32: 0>} : vector<16xi32>
    %scan3A = arith.constant 0 : i32
    %scan3A_3 = arith.constant 0 : i32
    %scan3A_4 = arith.constant 1600 : i32
    %scan3A_5 = arith.addi %scan3A_3, %scan3A_4 : i32
    %scan3A_6 = arith.constant 1 : i32
    %scan3A_7 = scf.for %scan3A_11 = %scan3A_3 to %scan3A_5 step %scan3A_6 iter_args(%scan3A_12 = %scan3A) -> (i32)  : i32 {
      %mul3A_13 = arith.constant 16 : i32
      %mul3A_14 = arith.muli %scan3A_11, %mul3A_13 : i32
      %add3A_15 = vector.broadcast %mul3A_14 : i32 to vector<16xi32>
      %add3A_16 = arith.addi %add3A_15, %iota3A : vector<16xi32>
      %jit3A = arith.constant 50 : i32
      %eq3A = arith.constant 0 : i32
      %eq3A_17 = arith.cmpi eq, %jit3A, %eq3A : i32
      %jit3A_18 = arith.constant 1 : i32
      %select_n3A = arith.select %eq3A_17, %jit3A_18, %jit3A : i32
      %rem3A = vector.broadcast %select_n3A : i32 to vector<16xi32>
      %rem3A_19 = arith.remsi %add3A_16, %rem3A : vector<16xi32>
      %ne3A = arith.constant 0 : i32
      %ne3A_20 = vector.broadcast %ne3A : i32 to vector<16xi32>
      %ne3A_21 = arith.cmpi ne, %rem3A_19, %ne3A_20 : vector<16xi32>
      %lt3A = arith.constant 0 : i32
      %lt3A_22 = vector.broadcast %lt3A : i32 to vector<16xi32>
      %lt3A_23 = arith.cmpi slt, %rem3A_19, %lt3A_22 : vector<16xi32>
      %lt3A_24 = arith.constant 0 : i32
      %lt3A_25 = arith.cmpi slt, %select_n3A, %lt3A_24 : i32
      %ne3A_26 = vector.broadcast %lt3A_25 : i1 to vector<16xi1>
      %ne3A_27 = vector.broadcast %ne3A_26 : vector<16xi1> to vector<16xi1>
      %ne3A_28 = arith.xori %lt3A_23, %ne3A_27 : vector<16xi1>
      %and3A = arith.andi %ne3A_28, %ne3A_21 : vector<16xi1>
      %add3A_29 = vector.broadcast %select_n3A : i32 to vector<16xi32>
      %add3A_30 = arith.addi %rem3A_19, %add3A_29 : vector<16xi32>
      %select_n3A_31 = arith.select %and3A, %add3A_30, %rem3A_19 : vector<16xi1>, vector<16xi32>
      %jit3A_32 = arith.constant 50 : i32
      %div3A = vector.broadcast %jit3A_32 : i32 to vector<16xi32>
      %div3A_33 = arith.divsi %add3A_16, %div3A : vector<16xi32>
      %sign3A = arith.constant 0 : i32
      %sign3A_34 = vector.broadcast %sign3A : i32 to vector<16xi32>
      %sign3A_35 = arith.cmpi sgt, %add3A_16, %sign3A_34 : vector<16xi32>
      %sign3A_36 = arith.extui %sign3A_35 : vector<16xi1> to vector<16xi32>
      %sign3A_37 = arith.constant 0 : i32
      %sign3A_38 = vector.broadcast %sign3A_37 : i32 to vector<16xi32>
      %sign3A_39 = arith.cmpi slt, %add3A_16, %sign3A_38 : vector<16xi32>
      %sign3A_40 = arith.extui %sign3A_39 : vector<16xi1> to vector<16xi32>
      %sign3A_41 = arith.subi %sign3A_36, %sign3A_40 : vector<16xi32>
      %sign3A_42 = arith.constant 0 : i32
      %sign3A_43 = arith.cmpi sgt, %jit3A_32, %sign3A_42 : i32
      %sign3A_44 = arith.extui %sign3A_43 : i1 to i32
      %sign3A_45 = arith.constant 0 : i32
      %sign3A_46 = arith.cmpi slt, %jit3A_32, %sign3A_45 : i32
      %sign3A_47 = arith.extui %sign3A_46 : i1 to i32
      %sign3A_48 = arith.subi %sign3A_44, %sign3A_47 : i32
      %ne3A_49 = vector.broadcast %sign3A_48 : i32 to vector<16xi32>
      %ne3A_50 = arith.cmpi ne, %sign3A_41, %ne3A_49 : vector<16xi32>
      %rem3A_51 = vector.broadcast %jit3A_32 : i32 to vector<16xi32>
      %rem3A_52 = arith.remsi %add3A_16, %rem3A_51 : vector<16xi32>
      %ne3A_53 = arith.constant 0 : i32
      %ne3A_54 = vector.broadcast %ne3A_53 : i32 to vector<16xi32>
      %ne3A_55 = arith.cmpi ne, %rem3A_52, %ne3A_54 : vector<16xi32>
      %and3A_56 = arith.andi %ne3A_50, %ne3A_55 : vector<16xi1>
      %sub3A = arith.constant 1 : i32
      %sub3A_57 = vector.broadcast %sub3A : i32 to vector<16xi32>
      %sub3A_58 = arith.subi %div3A_33, %sub3A_57 : vector<16xi32>
      %select_n3A_59 = arith.select %and3A_56, %sub3A_58, %div3A_33 : vector<16xi1>, vector<16xi32>
      %gather3A = tpu.vector_load_idx %arg4[%select_n3A_31, %select_n3A_59] : memref<50x512xi32, #tpu.memory_space<vmem>>[vector<16xi32>, vector<16xi32>], vector<16xi32>,
      %mul3A_60 = arith.constant 16 : i32
      %mul3A_61 = arith.muli %scan3A_11, %mul3A_60 : i32
      %swap3A = arith.index_cast %mul3A_61 : i32 to index
      %swap3A_62 = tpu.vector_load %arg5[%swap3A] {strides = array<i32>} : memref<25600xi32, #tpu.memory_space<vmem>>, vector<16xi32>,
      tpu.vector_store %arg5[%swap3A], %gather3A {strides = array<i32>} : memref<25600xi32, #tpu.memory_space<vmem>>, vector<16xi32>,
      %scan3A_63 = arith.constant 0 : i32
      scf.yield %scan3A_63 : i32
    }
    %scan3A_8 = arith.constant 1600 : i32
    %mul3A_9 = arith.constant 25600 : i32
    %mul3A_10 = arith.muli %add3A, %mul3A_9 : i32
    "tpu.region"() ({
      %run_scoped3A = tpu.sem_alloc : memref<!tpu.dma_semaphore, #tpu.memory_space<semaphore_mem>>
      %dma_start3A = tpu.memref_slice %arg3[%mul3A_10] : memref<819200xi32, #tpu.memory_space<hbm>> -> memref<25600xi32, #tpu.memory_space<hbm>>
      %dma_start3A_11 = tpu.memref_slice %arg3[%mul3A_10] : memref<819200xi32, #tpu.memory_space<hbm>> -> memref<25600xi32, #tpu.memory_space<hbm>>
      tpu.enqueue_dma source(%arg5 : memref<25600xi32, #tpu.memory_space<vmem>>) target(%dma_start3A_11 : memref<25600xi32, #tpu.memory_space<hbm>>) target_semaphore(%run_scoped3A : memref<!tpu.dma_semaphore, #tpu.memory_space<semaphore_mem>>)
      %dma_wait3A = tpu.memref_slice %arg3[%mul3A_10] : memref<819200xi32, #tpu.memory_space<hbm>> -> memref<25600xi32, #tpu.memory_space<hbm>>
      %dma_wait3A_12 = tpu.memref_slice %arg3[%mul3A_10] : memref<819200xi32, #tpu.memory_space<hbm>> -> memref<25600xi32, #tpu.memory_space<hbm>>
      tpu.wait_dma2 semaphore(%run_scoped3A : memref<!tpu.dma_semaphore, #tpu.memory_space<semaphore_mem>>) src(%arg5 : memref<25600xi32, #tpu.memory_space<vmem>>) dst(%dma_wait3A_12 : memref<25600xi32, #tpu.memory_space<hbm>>)
      tpu.yield
    }) : () -> ()
    return
  }
}

#map = affine_map<(d0, d1) -> (0)>
#map1 = affine_map<(d0, d1) -> (0, 0)>
#map2 = affine_map<(d0, d1) -> (0, 0, 0)>
module attributes {stable_mosaic.version = 14 : i64} {
  func.func @_gather_kernel(%arg0: i32, %arg1: i32, %arg2: memref<819200xi32, #tpu.memory_space<hbm>>, %arg3: memref<1000000x64xf32, #tpu.memory_space<hbm>>, %arg4: memref<16384x50x64xf32, #tpu.memory_space<hbm>>, %arg5: memref<25600xi32, #tpu.memory_space<vmem>>, %arg6: memref<4x200x64xf32, #tpu.memory_space<vmem>>, %arg7: memref<!tpu.dma_semaphore, #tpu.memory_space<semaphore_mem>>, %arg8: memref<!tpu.dma_semaphore, #tpu.memory_space<semaphore_mem>>, %arg9: memref<!tpu.dma_semaphore, #tpu.memory_space<semaphore_mem>>, %arg10: memref<!tpu.dma_semaphore, #tpu.memory_space<semaphore_mem>>, %arg11: memref<!tpu.dma_semaphore, #tpu.memory_space<semaphore_mem>>, %arg12: memref<!tpu.dma_semaphore, #tpu.memory_space<semaphore_mem>>, %arg13: memref<!tpu.dma_semaphore, #tpu.memory_space<semaphore_mem>>, %arg14: memref<!tpu.dma_semaphore, #tpu.memory_space<semaphore_mem>>) attributes {dimension_semantics = [#tpu.dimension_semantics<core_parallel>, #tpu.dimension_semantics<subcore_parallel>], iteration_bounds = array<i64: 2, 16>, scalar_prefetch = 0 : i64, scratch_operands = 10 : i64, tpu.core_type = #tpu.core_type<sc_vector_subcore>, window_params = [{transform_indices = #map}, {transform_indices = #map1}, {transform_indices = #map2}]} {
    %mul3A = arith.constant 2 : i32
    %mul3A_0 = arith.muli %arg1, %mul3A : i32
    %add3A = arith.addi %mul3A_0, %arg0 : i32
    %mul3A_1 = arith.constant 25600 : i32
    %mul3A_2 = arith.muli %add3A, %mul3A_1 : i32
    %mul3A_3 = arith.constant 512 : i32
    %mul3A_4 = arith.muli %add3A, %mul3A_3 : i32
    "tpu.region"() ({
      %run_scoped3A = tpu.sem_alloc : memref<!tpu.dma_semaphore, #tpu.memory_space<semaphore_mem>>
      %dma_start3A_912 = tpu.memref_slice %arg2[%mul3A_2] : memref<819200xi32, #tpu.memory_space<hbm>> -> memref<25600xi32, #tpu.memory_space<hbm>>
      %dma_start3A_913 = tpu.memref_slice %arg2[%mul3A_2] : memref<819200xi32, #tpu.memory_space<hbm>> -> memref<25600xi32, #tpu.memory_space<hbm>>
      tpu.enqueue_dma source(%dma_start3A_913 : memref<25600xi32, #tpu.memory_space<hbm>>) target(%arg5 : memref<25600xi32, #tpu.memory_space<vmem>>) target_semaphore(%run_scoped3A : memref<!tpu.dma_semaphore, #tpu.memory_space<semaphore_mem>>)
      %dma_wait3A_914 = tpu.memref_slice %arg2[%mul3A_2] : memref<819200xi32, #tpu.memory_space<hbm>> -> memref<25600xi32, #tpu.memory_space<hbm>>
      %dma_wait3A_915 = tpu.memref_slice %arg2[%mul3A_2] : memref<819200xi32, #tpu.memory_space<hbm>> -> memref<25600xi32, #tpu.memory_space<hbm>>
      tpu.wait_dma2 semaphore(%run_scoped3A : memref<!tpu.dma_semaphore, #tpu.memory_space<semaphore_mem>>) src(%dma_wait3A_915 : memref<25600xi32, #tpu.memory_space<hbm>>) dst(%arg5 : memref<25600xi32, #tpu.memory_space<vmem>>)
      tpu.yield
    }) : () -> ()
    %multiple_of3A = arith.constant 0 : i32
    %multiple_of3A_5 = tpu.assume_multiple %multiple_of3A, 200 : i32
    %dma_start3A = arith.constant 0 : i32
    %dma_start3A_6 = arith.constant 0 : i32
    %dma_start3A_7 = arith.constant 0 : i32
    %dma_start3A_8 = tpu.memref_slice %arg6[%dma_start3A, %dma_start3A_6, %dma_start3A_7] : memref<4x200x64xf32, #tpu.memory_space<vmem>> -> memref<1x200x64xf32, #tpu.memory_space<vmem>>
    %dma_start3A_9 = tpu.memref_squeeze %dma_start3A_8 : memref<1x200x64xf32, #tpu.memory_space<vmem>> -> memref<200x64xf32, #tpu.memory_space<vmem>>
    %dma_start3A_10 = tpu.memref_slice %arg5[%multiple_of3A_5] : memref<25600xi32, #tpu.memory_space<vmem>> -> memref<200xi32, #tpu.memory_space<vmem>>
    %dma_start3A_11 = arith.constant 0 : i32
    %dma_start3A_12 = arith.constant 0 : i32
    %dma_start3A_13 = tpu.memref_slice %arg3[%dma_start3A_11, %dma_start3A_12] : memref<1000000x64xf32, #tpu.memory_space<hbm>> -> memref<1000000x64xf32, #tpu.memory_space<hbm>>
    tpu.enqueue_indirect_dma source(%dma_start3A_13 : memref<1000000x64xf32, #tpu.memory_space<hbm>>) target(%dma_start3A_9 : memref<200x64xf32, #tpu.memory_space<vmem>>) offsets(%dma_start3A_10 : memref<200xi32, #tpu.memory_space<vmem>>) semaphore(%arg7 : memref<!tpu.dma_semaphore, #tpu.memory_space<semaphore_mem>>)
    %multiple_of3A_14 = arith.constant 200 : i32
    %multiple_of3A_15 = tpu.assume_multiple %multiple_of3A_14, 200 : i32
    %dma_start3A_16 = arith.constant 1 : i32
    %dma_start3A_17 = arith.constant 0 : i32
    %dma_start3A_18 = arith.constant 0 : i32
    %dma_start3A_19 = tpu.memref_slice %arg6[%dma_start3A_16, %dma_start3A_17, %dma_start3A_18] : memref<4x200x64xf32, #tpu.memory_space<vmem>> -> memref<1x200x64xf32, #tpu.memory_space<vmem>>
    %dma_start3A_20 = tpu.memref_squeeze %dma_start3A_19 : memref<1x200x64xf32, #tpu.memory_space<vmem>> -> memref<200x64xf32, #tpu.memory_space<vmem>>
    %dma_start3A_21 = tpu.memref_slice %arg5[%multiple_of3A_15] : memref<25600xi32, #tpu.memory_space<vmem>> -> memref<200xi32, #tpu.memory_space<vmem>>
    %dma_start3A_22 = arith.constant 0 : i32
    %dma_start3A_23 = arith.constant 0 : i32
    %dma_start3A_24 = tpu.memref_slice %arg3[%dma_start3A_22, %dma_start3A_23] : memref<1000000x64xf32, #tpu.memory_space<hbm>> -> memref<1000000x64xf32, #tpu.memory_space<hbm>>
    tpu.enqueue_indirect_dma source(%dma_start3A_24 : memref<1000000x64xf32, #tpu.memory_space<hbm>>) target(%dma_start3A_20 : memref<200x64xf32, #tpu.memory_space<vmem>>) offsets(%dma_start3A_21 : memref<200xi32, #tpu.memory_space<vmem>>) semaphore(%arg8 : memref<!tpu.dma_semaphore, #tpu.memory_space<semaphore_mem>>)
    %multiple_of3A_25 = arith.constant 400 : i32
    %multiple_of3A_26 = tpu.assume_multiple %multiple_of3A_25, 200 : i32
    %dma_start3A_27 = arith.constant 2 : i32
    %dma_start3A_28 = arith.constant 0 : i32
    %dma_start3A_29 = arith.constant 0 : i32
    %dma_start3A_30 = tpu.memref_slice %arg6[%dma_start3A_27, %dma_start3A_28, %dma_start3A_29] : memref<4x200x64xf32, #tpu.memory_space<vmem>> -> memref<1x200x64xf32, #tpu.memory_space<vmem>>
    %dma_start3A_31 = tpu.memref_squeeze %dma_start3A_30 : memref<1x200x64xf32, #tpu.memory_space<vmem>> -> memref<200x64xf32, #tpu.memory_space<vmem>>
    %dma_start3A_32 = tpu.memref_slice %arg5[%multiple_of3A_26] : memref<25600xi32, #tpu.memory_space<vmem>> -> memref<200xi32, #tpu.memory_space<vmem>>
    %dma_start3A_33 = arith.constant 0 : i32
    %dma_start3A_34 = arith.constant 0 : i32
    %dma_start3A_35 = tpu.memref_slice %arg3[%dma_start3A_33, %dma_start3A_34] : memref<1000000x64xf32, #tpu.memory_space<hbm>> -> memref<1000000x64xf32, #tpu.memory_space<hbm>>
    tpu.enqueue_indirect_dma source(%dma_start3A_35 : memref<1000000x64xf32, #tpu.memory_space<hbm>>) target(%dma_start3A_31 : memref<200x64xf32, #tpu.memory_space<vmem>>) offsets(%dma_start3A_32 : memref<200xi32, #tpu.memory_space<vmem>>) semaphore(%arg9 : memref<!tpu.dma_semaphore, #tpu.memory_space<semaphore_mem>>)
    %multiple_of3A_36 = arith.constant 600 : i32
    %multiple_of3A_37 = tpu.assume_multiple %multiple_of3A_36, 200 : i32
    %dma_start3A_38 = arith.constant 3 : i32
    %dma_start3A_39 = arith.constant 0 : i32
    %dma_start3A_40 = arith.constant 0 : i32
    %dma_start3A_41 = tpu.memref_slice %arg6[%dma_start3A_38, %dma_start3A_39, %dma_start3A_40] : memref<4x200x64xf32, #tpu.memory_space<vmem>> -> memref<1x200x64xf32, #tpu.memory_space<vmem>>
    %dma_start3A_42 = tpu.memref_squeeze %dma_start3A_41 : memref<1x200x64xf32, #tpu.memory_space<vmem>> -> memref<200x64xf32, #tpu.memory_space<vmem>>
    %dma_start3A_43 = tpu.memref_slice %arg5[%multiple_of3A_37] : memref<25600xi32, #tpu.memory_space<vmem>> -> memref<200xi32, #tpu.memory_space<vmem>>
    %dma_start3A_44 = arith.constant 0 : i32
    %dma_start3A_45 = arith.constant 0 : i32
    %dma_start3A_46 = tpu.memref_slice %arg3[%dma_start3A_44, %dma_start3A_45] : memref<1000000x64xf32, #tpu.memory_space<hbm>> -> memref<1000000x64xf32, #tpu.memory_space<hbm>>
    tpu.enqueue_indirect_dma source(%dma_start3A_46 : memref<1000000x64xf32, #tpu.memory_space<hbm>>) target(%dma_start3A_42 : memref<200x64xf32, #tpu.memory_space<vmem>>) offsets(%dma_start3A_43 : memref<200xi32, #tpu.memory_space<vmem>>) semaphore(%arg10 : memref<!tpu.dma_semaphore, #tpu.memory_space<semaphore_mem>>)
    %multiple_of3A_47 = arith.constant 0 : i32
    %multiple_of3A_48 = tpu.assume_multiple %multiple_of3A_47, 200 : i32
    %dma_wait3A = arith.constant 0 : i32
    %dma_wait3A_49 = arith.constant 0 : i32
    %dma_wait3A_50 = arith.constant 0 : i32
    %dma_wait3A_51 = tpu.memref_slice %arg6[%dma_wait3A, %dma_wait3A_49, %dma_wait3A_50] : memref<4x200x64xf32, #tpu.memory_space<vmem>> -> memref<1x200x64xf32, #tpu.memory_space<vmem>>
    %dma_wait3A_52 = tpu.memref_squeeze %dma_wait3A_51 : memref<1x200x64xf32, #tpu.memory_space<vmem>> -> memref<200x64xf32, #tpu.memory_space<vmem>>
    %dma_wait3A_53 = tpu.memref_slice %arg5[%multiple_of3A_48] : memref<25600xi32, #tpu.memory_space<vmem>> -> memref<200xi32, #tpu.memory_space<vmem>>
    %dma_wait3A_54 = arith.constant 0 : i32
    %dma_wait3A_55 = arith.constant 0 : i32
    %dma_wait3A_56 = tpu.memref_slice %arg3[%dma_wait3A_54, %dma_wait3A_55] : memref<1000000x64xf32, #tpu.memory_space<hbm>> -> memref<1000000x64xf32, #tpu.memory_space<hbm>>
    tpu.wait_indirect_dma semaphore(%arg7 : memref<!tpu.dma_semaphore, #tpu.memory_space<semaphore_mem>>) src(%dma_wait3A_56 : memref<1000000x64xf32, #tpu.memory_space<hbm>>) dst(%dma_wait3A_52 : memref<200x64xf32, #tpu.memory_space<vmem>>)
    %add3A_57 = arith.constant 0 : i32
    %add3A_58 = arith.addi %mul3A_4, %add3A_57 : i32
    %add3A_59 = arith.constant 0 : i32
    %add3A_60 = arith.addi %add3A_58, %add3A_59 : i32
    %dma_start3A_61 = arith.constant 0 : i32
    %dma_start3A_62 = arith.constant 0 : i32
    %dma_start3A_63 = arith.constant 0 : i32
    %dma_start3A_64 = tpu.memref_slice %arg6[%dma_start3A_61, %dma_start3A_62, %dma_start3A_63] : memref<4x200x64xf32, #tpu.memory_space<vmem>> -> memref<1x200x64xf32, #tpu.memory_space<vmem>>
    %dma_start3A_65 = tpu.memref_squeeze %dma_start3A_64 : memref<1x200x64xf32, #tpu.memory_space<vmem>> -> memref<200x64xf32, #tpu.memory_space<vmem>>
    %dma_start3A_66 = arith.constant 0 : i32
    %dma_start3A_67 = arith.constant 0 : i32
    %dma_start3A_68 = tpu.memref_slice %dma_start3A_65[%dma_start3A_66, %dma_start3A_67] : memref<200x64xf32, #tpu.memory_space<vmem>> -> memref<50x64xf32, #tpu.memory_space<vmem>>
    %dma_start3A_69 = arith.constant 0 : i32
    %dma_start3A_70 = arith.constant 0 : i32
    %dma_start3A_71 = tpu.memref_slice %arg4[%add3A_60, %dma_start3A_69, %dma_start3A_70] : memref<16384x50x64xf32, #tpu.memory_space<hbm>> -> memref<1x50x64xf32, #tpu.memory_space<hbm>>
    %dma_start3A_72 = tpu.memref_squeeze %dma_start3A_71 : memref<1x50x64xf32, #tpu.memory_space<hbm>> -> memref<50x64xf32, #tpu.memory_space<hbm>>
    %dma_start3A_73 = arith.constant 0 : i32
    %dma_start3A_74 = arith.constant 0 : i32
    %dma_start3A_75 = tpu.memref_slice %arg4[%add3A_60, %dma_start3A_73, %dma_start3A_74] : memref<16384x50x64xf32, #tpu.memory_space<hbm>> -> memref<1x50x64xf32, #tpu.memory_space<hbm>>
    %dma_start3A_76 = tpu.memref_squeeze %dma_start3A_75 : memref<1x50x64xf32, #tpu.memory_space<hbm>> -> memref<50x64xf32, #tpu.memory_space<hbm>>
    %dma_start3A_77 = arith.constant 0 : i32
    %dma_start3A_78 = arith.constant 0 : i32
    %dma_start3A_79 = tpu.memref_slice %arg6[%dma_start3A_61, %dma_start3A_77, %dma_start3A_78] : memref<4x200x64xf32, #tpu.memory_space<vmem>> -> memref<1x200x64xf32, #tpu.memory_space<vmem>>
    %dma_start3A_80 = tpu.memref_squeeze %dma_start3A_79 : memref<1x200x64xf32, #tpu.memory_space<vmem>> -> memref<200x64xf32, #tpu.memory_space<vmem>>
    %dma_start3A_81 = arith.constant 0 : i32
    %dma_start3A_82 = arith.constant 0 : i32
    %dma_start3A_83 = tpu.memref_slice %dma_start3A_80[%dma_start3A_81, %dma_start3A_82] : memref<200x64xf32, #tpu.memory_space<vmem>> -> memref<50x64xf32, #tpu.memory_space<vmem>>
    tpu.enqueue_dma source(%dma_start3A_83 : memref<50x64xf32, #tpu.memory_space<vmem>>) target(%dma_start3A_76 : memref<50x64xf32, #tpu.memory_space<hbm>>) target_semaphore(%arg11 : memref<!tpu.dma_semaphore, #tpu.memory_space<semaphore_mem>>)
    %add3A_84 = arith.constant 1 : i32
    %add3A_85 = arith.addi %add3A_58, %add3A_84 : i32
    %dma_start3A_86 = arith.constant 0 : i32
    %dma_start3A_87 = arith.constant 0 : i32
    %dma_start3A_88 = arith.constant 0 : i32
    %dma_start3A_89 = tpu.memref_slice %arg6[%dma_start3A_86, %dma_start3A_87, %dma_start3A_88] : memref<4x200x64xf32, #tpu.memory_space<vmem>> -> memref<1x200x64xf32, #tpu.memory_space<vmem>>
    %dma_start3A_90 = tpu.memref_squeeze %dma_start3A_89 : memref<1x200x64xf32, #tpu.memory_space<vmem>> -> memref<200x64xf32, #tpu.memory_space<vmem>>
    %dma_start3A_91 = arith.constant 50 : i32
    %dma_start3A_92 = arith.constant 0 : i32
    %dma_start3A_93 = tpu.memref_slice %dma_start3A_90[%dma_start3A_91, %dma_start3A_92] : memref<200x64xf32, #tpu.memory_space<vmem>> -> memref<50x64xf32, #tpu.memory_space<vmem>>
    %dma_start3A_94 = arith.constant 0 : i32
    %dma_start3A_95 = arith.constant 0 : i32
    %dma_start3A_96 = tpu.memref_slice %arg4[%add3A_85, %dma_start3A_94, %dma_start3A_95] : memref<16384x50x64xf32, #tpu.memory_space<hbm>> -> memref<1x50x64xf32, #tpu.memory_space<hbm>>
    %dma_start3A_97 = tpu.memref_squeeze %dma_start3A_96 : memref<1x50x64xf32, #tpu.memory_space<hbm>> -> memref<50x64xf32, #tpu.memory_space<hbm>>
    %dma_start3A_98 = arith.constant 0 : i32
    %dma_start3A_99 = arith.constant 0 : i32
    %dma_start3A_100 = tpu.memref_slice %arg4[%add3A_85, %dma_start3A_98, %dma_start3A_99] : memref<16384x50x64xf32, #tpu.memory_space<hbm>> -> memref<1x50x64xf32, #tpu.memory_space<hbm>>
    %dma_start3A_101 = tpu.memref_squeeze %dma_start3A_100 : memref<1x50x64xf32, #tpu.memory_space<hbm>> -> memref<50x64xf32, #tpu.memory_space<hbm>>
    %dma_start3A_102 = arith.constant 0 : i32
    %dma_start3A_103 = arith.constant 0 : i32
    %dma_start3A_104 = tpu.memref_slice %arg6[%dma_start3A_86, %dma_start3A_102, %dma_start3A_103] : memref<4x200x64xf32, #tpu.memory_space<vmem>> -> memref<1x200x64xf32, #tpu.memory_space<vmem>>
    %dma_start3A_105 = tpu.memref_squeeze %dma_start3A_104 : memref<1x200x64xf32, #tpu.memory_space<vmem>> -> memref<200x64xf32, #tpu.memory_space<vmem>>
    %dma_start3A_106 = arith.constant 50 : i32
    %dma_start3A_107 = arith.constant 0 : i32
    %dma_start3A_108 = tpu.memref_slice %dma_start3A_105[%dma_start3A_106, %dma_start3A_107] : memref<200x64xf32, #tpu.memory_space<vmem>> -> memref<50x64xf32, #tpu.memory_space<vmem>>
    tpu.enqueue_dma source(%dma_start3A_108 : memref<50x64xf32, #tpu.memory_space<vmem>>) target(%dma_start3A_101 : memref<50x64xf32, #tpu.memory_space<hbm>>) target_semaphore(%arg11 : memref<!tpu.dma_semaphore, #tpu.memory_space<semaphore_mem>>)
    %add3A_109 = arith.constant 2 : i32
    %add3A_110 = arith.addi %add3A_58, %add3A_109 : i32
    %dma_start3A_111 = arith.constant 0 : i32
    %dma_start3A_112 = arith.constant 0 : i32
    %dma_start3A_113 = arith.constant 0 : i32
    %dma_start3A_114 = tpu.memref_slice %arg6[%dma_start3A_111, %dma_start3A_112, %dma_start3A_113] : memref<4x200x64xf32, #tpu.memory_space<vmem>> -> memref<1x200x64xf32, #tpu.memory_space<vmem>>
    %dma_start3A_115 = tpu.memref_squeeze %dma_start3A_114 : memref<1x200x64xf32, #tpu.memory_space<vmem>> -> memref<200x64xf32, #tpu.memory_space<vmem>>
    %dma_start3A_116 = arith.constant 100 : i32
    %dma_start3A_117 = arith.constant 0 : i32
    %dma_start3A_118 = tpu.memref_slice %dma_start3A_115[%dma_start3A_116, %dma_start3A_117] : memref<200x64xf32, #tpu.memory_space<vmem>> -> memref<50x64xf32, #tpu.memory_space<vmem>>
    %dma_start3A_119 = arith.constant 0 : i32
    %dma_start3A_120 = arith.constant 0 : i32
    %dma_start3A_121 = tpu.memref_slice %arg4[%add3A_110, %dma_start3A_119, %dma_start3A_120] : memref<16384x50x64xf32, #tpu.memory_space<hbm>> -> memref<1x50x64xf32, #tpu.memory_space<hbm>>
    %dma_start3A_122 = tpu.memref_squeeze %dma_start3A_121 : memref<1x50x64xf32, #tpu.memory_space<hbm>> -> memref<50x64xf32, #tpu.memory_space<hbm>>
    %dma_start3A_123 = arith.constant 0 : i32
    %dma_start3A_124 = arith.constant 0 : i32
    %dma_start3A_125 = tpu.memref_slice %arg4[%add3A_110, %dma_start3A_123, %dma_start3A_124] : memref<16384x50x64xf32, #tpu.memory_space<hbm>> -> memref<1x50x64xf32, #tpu.memory_space<hbm>>
    %dma_start3A_126 = tpu.memref_squeeze %dma_start3A_125 : memref<1x50x64xf32, #tpu.memory_space<hbm>> -> memref<50x64xf32, #tpu.memory_space<hbm>>
    %dma_start3A_127 = arith.constant 0 : i32
    %dma_start3A_128 = arith.constant 0 : i32
    %dma_start3A_129 = tpu.memref_slice %arg6[%dma_start3A_111, %dma_start3A_127, %dma_start3A_128] : memref<4x200x64xf32, #tpu.memory_space<vmem>> -> memref<1x200x64xf32, #tpu.memory_space<vmem>>
    %dma_start3A_130 = tpu.memref_squeeze %dma_start3A_129 : memref<1x200x64xf32, #tpu.memory_space<vmem>> -> memref<200x64xf32, #tpu.memory_space<vmem>>
    %dma_start3A_131 = arith.constant 100 : i32
    %dma_start3A_132 = arith.constant 0 : i32
    %dma_start3A_133 = tpu.memref_slice %dma_start3A_130[%dma_start3A_131, %dma_start3A_132] : memref<200x64xf32, #tpu.memory_space<vmem>> -> memref<50x64xf32, #tpu.memory_space<vmem>>
    tpu.enqueue_dma source(%dma_start3A_133 : memref<50x64xf32, #tpu.memory_space<vmem>>) target(%dma_start3A_126 : memref<50x64xf32, #tpu.memory_space<hbm>>) target_semaphore(%arg11 : memref<!tpu.dma_semaphore, #tpu.memory_space<semaphore_mem>>)
    %add3A_134 = arith.constant 3 : i32
    %add3A_135 = arith.addi %add3A_58, %add3A_134 : i32
    %dma_start3A_136 = arith.constant 0 : i32
    %dma_start3A_137 = arith.constant 0 : i32
    %dma_start3A_138 = arith.constant 0 : i32
    %dma_start3A_139 = tpu.memref_slice %arg6[%dma_start3A_136, %dma_start3A_137, %dma_start3A_138] : memref<4x200x64xf32, #tpu.memory_space<vmem>> -> memref<1x200x64xf32, #tpu.memory_space<vmem>>
    %dma_start3A_140 = tpu.memref_squeeze %dma_start3A_139 : memref<1x200x64xf32, #tpu.memory_space<vmem>> -> memref<200x64xf32, #tpu.memory_space<vmem>>
    %dma_start3A_141 = arith.constant 150 : i32
    %dma_start3A_142 = arith.constant 0 : i32
    %dma_start3A_143 = tpu.memref_slice %dma_start3A_140[%dma_start3A_141, %dma_start3A_142] : memref<200x64xf32, #tpu.memory_space<vmem>> -> memref<50x64xf32, #tpu.memory_space<vmem>>
    %dma_start3A_144 = arith.constant 0 : i32
    %dma_start3A_145 = arith.constant 0 : i32
    %dma_start3A_146 = tpu.memref_slice %arg4[%add3A_135, %dma_start3A_144, %dma_start3A_145] : memref<16384x50x64xf32, #tpu.memory_space<hbm>> -> memref<1x50x64xf32, #tpu.memory_space<hbm>>
    %dma_start3A_147 = tpu.memref_squeeze %dma_start3A_146 : memref<1x50x64xf32, #tpu.memory_space<hbm>> -> memref<50x64xf32, #tpu.memory_space<hbm>>
    %dma_start3A_148 = arith.constant 0 : i32
    %dma_start3A_149 = arith.constant 0 : i32
    %dma_start3A_150 = tpu.memref_slice %arg4[%add3A_135, %dma_start3A_148, %dma_start3A_149] : memref<16384x50x64xf32, #tpu.memory_space<hbm>> -> memref<1x50x64xf32, #tpu.memory_space<hbm>>
    %dma_start3A_151 = tpu.memref_squeeze %dma_start3A_150 : memref<1x50x64xf32, #tpu.memory_space<hbm>> -> memref<50x64xf32, #tpu.memory_space<hbm>>
    %dma_start3A_152 = arith.constant 0 : i32
    %dma_start3A_153 = arith.constant 0 : i32
    %dma_start3A_154 = tpu.memref_slice %arg6[%dma_start3A_136, %dma_start3A_152, %dma_start3A_153] : memref<4x200x64xf32, #tpu.memory_space<vmem>> -> memref<1x200x64xf32, #tpu.memory_space<vmem>>
    %dma_start3A_155 = tpu.memref_squeeze %dma_start3A_154 : memref<1x200x64xf32, #tpu.memory_space<vmem>> -> memref<200x64xf32, #tpu.memory_space<vmem>>
    %dma_start3A_156 = arith.constant 150 : i32
    %dma_start3A_157 = arith.constant 0 : i32
    %dma_start3A_158 = tpu.memref_slice %dma_start3A_155[%dma_start3A_156, %dma_start3A_157] : memref<200x64xf32, #tpu.memory_space<vmem>> -> memref<50x64xf32, #tpu.memory_space<vmem>>
    tpu.enqueue_dma source(%dma_start3A_158 : memref<50x64xf32, #tpu.memory_space<vmem>>) target(%dma_start3A_151 : memref<50x64xf32, #tpu.memory_space<hbm>>) target_semaphore(%arg11 : memref<!tpu.dma_semaphore, #tpu.memory_space<semaphore_mem>>)
    %scan3A = arith.constant 0 : i32
    %scan3A_159 = arith.constant 0 : i32
    %scan3A_160 = arith.constant 31 : i32
    %scan3A_161 = arith.addi %scan3A_159, %scan3A_160 : i32
    %scan3A_162 = arith.constant 1 : i32
    %scan3A_163 = scf.for %scan3A_912 = %scan3A_159 to %scan3A_161 step %scan3A_162 iter_args(%scan3A_913 = %scan3A) -> (i32)  : i32 {
      %mul3A_914 = arith.constant 4 : i32
      %mul3A_915 = arith.muli %scan3A_912, %mul3A_914 : i32
      %add3A_916 = arith.constant 1 : i32
      %add3A_917 = arith.addi %add3A_916, %mul3A_915 : i32
      %add3A_918 = arith.constant 0 : i32
      %add3A_919 = arith.addi %add3A_917, %add3A_918 : i32
      %sub3A = arith.constant 1 : i32
      %sub3A_920 = arith.subi %add3A_919, %sub3A : i32
      %mul3A_921 = arith.constant 4 : i32
      %mul3A_922 = arith.muli %sub3A_920, %mul3A_921 : i32
      %add3A_923 = arith.addi %mul3A_4, %mul3A_922 : i32
      %add3A_924 = arith.constant 0 : i32
      %add3A_925 = arith.addi %add3A_923, %add3A_924 : i32
      %dma_wait3A_926 = arith.constant 0 : i32
      %dma_wait3A_927 = arith.constant 0 : i32
      %dma_wait3A_928 = arith.constant 0 : i32
      %dma_wait3A_929 = tpu.memref_slice %arg6[%dma_wait3A_926, %dma_wait3A_927, %dma_wait3A_928] : memref<4x200x64xf32, #tpu.memory_space<vmem>> -> memref<1x200x64xf32, #tpu.memory_space<vmem>>
      %dma_wait3A_930 = tpu.memref_squeeze %dma_wait3A_929 : memref<1x200x64xf32, #tpu.memory_space<vmem>> -> memref<200x64xf32, #tpu.memory_space<vmem>>
      %dma_wait3A_931 = arith.constant 0 : i32
      %dma_wait3A_932 = arith.constant 0 : i32
      %dma_wait3A_933 = tpu.memref_slice %dma_wait3A_930[%dma_wait3A_931, %dma_wait3A_932] : memref<200x64xf32, #tpu.memory_space<vmem>> -> memref<50x64xf32, #tpu.memory_space<vmem>>
      %dma_wait3A_934 = arith.constant 0 : i32
      %dma_wait3A_935 = arith.constant 0 : i32
      %dma_wait3A_936 = tpu.memref_slice %arg4[%add3A_925, %dma_wait3A_934, %dma_wait3A_935] : memref<16384x50x64xf32, #tpu.memory_space<hbm>> -> memref<1x50x64xf32, #tpu.memory_space<hbm>>
      %dma_wait3A_937 = tpu.memref_squeeze %dma_wait3A_936 : memref<1x50x64xf32, #tpu.memory_space<hbm>> -> memref<50x64xf32, #tpu.memory_space<hbm>>
      %dma_wait3A_938 = arith.constant 0 : i32
      %dma_wait3A_939 = arith.constant 0 : i32
      %dma_wait3A_940 = tpu.memref_slice %arg4[%add3A_925, %dma_wait3A_938, %dma_wait3A_939] : memref<16384x50x64xf32, #tpu.memory_space<hbm>> -> memref<1x50x64xf32, #tpu.memory_space<hbm>>
      %dma_wait3A_941 = tpu.memref_squeeze %dma_wait3A_940 : memref<1x50x64xf32, #tpu.memory_space<hbm>> -> memref<50x64xf32, #tpu.memory_space<hbm>>
      %dma_wait3A_942 = arith.constant 0 : i32
      %dma_wait3A_943 = arith.constant 0 : i32
      %dma_wait3A_944 = tpu.memref_slice %arg6[%dma_wait3A_926, %dma_wait3A_942, %dma_wait3A_943] : memref<4x200x64xf32, #tpu.memory_space<vmem>> -> memref<1x200x64xf32, #tpu.memory_space<vmem>>
      %dma_wait3A_945 = tpu.memref_squeeze %dma_wait3A_944 : memref<1x200x64xf32, #tpu.memory_space<vmem>> -> memref<200x64xf32, #tpu.memory_space<vmem>>
      %dma_wait3A_946 = arith.constant 0 : i32
      %dma_wait3A_947 = arith.constant 0 : i32
      %dma_wait3A_948 = tpu.memref_slice %dma_wait3A_945[%dma_wait3A_946, %dma_wait3A_947] : memref<200x64xf32, #tpu.memory_space<vmem>> -> memref<50x64xf32, #tpu.memory_space<vmem>>
      tpu.wait_dma2 semaphore(%arg11 : memref<!tpu.dma_semaphore, #tpu.memory_space<semaphore_mem>>) src(%dma_wait3A_948 : memref<50x64xf32, #tpu.memory_space<vmem>>) dst(%dma_wait3A_941 : memref<50x64xf32, #tpu.memory_space<hbm>>)
      %add3A_949 = arith.constant 1 : i32
      %add3A_950 = arith.addi %add3A_923, %add3A_949 : i32
      %dma_wait3A_951 = arith.constant 0 : i32
      %dma_wait3A_952 = arith.constant 0 : i32
      %dma_wait3A_953 = arith.constant 0 : i32
      %dma_wait3A_954 = tpu.memref_slice %arg6[%dma_wait3A_951, %dma_wait3A_952, %dma_wait3A_953] : memref<4x200x64xf32, #tpu.memory_space<vmem>> -> memref<1x200x64xf32, #tpu.memory_space<vmem>>
      %dma_wait3A_955 = tpu.memref_squeeze %dma_wait3A_954 : memref<1x200x64xf32, #tpu.memory_space<vmem>> -> memref<200x64xf32, #tpu.memory_space<vmem>>
      %dma_wait3A_956 = arith.constant 50 : i32
      %dma_wait3A_957 = arith.constant 0 : i32
      %dma_wait3A_958 = tpu.memref_slice %dma_wait3A_955[%dma_wait3A_956, %dma_wait3A_957] : memref<200x64xf32, #tpu.memory_space<vmem>> -> memref<50x64xf32, #tpu.memory_space<vmem>>
      %dma_wait3A_959 = arith.constant 0 : i32
      %dma_wait3A_960 = arith.constant 0 : i32
      %dma_wait3A_961 = tpu.memref_slice %arg4[%add3A_950, %dma_wait3A_959, %dma_wait3A_960] : memref<16384x50x64xf32, #tpu.memory_space<hbm>> -> memref<1x50x64xf32, #tpu.memory_space<hbm>>
      %dma_wait3A_962 = tpu.memref_squeeze %dma_wait3A_961 : memref<1x50x64xf32, #tpu.memory_space<hbm>> -> memref<50x64xf32, #tpu.memory_space<hbm>>
      %dma_wait3A_963 = arith.constant 0 : i32
      %dma_wait3A_964 = arith.constant 0 : i32
      %dma_wait3A_965 = tpu.memref_slice %arg4[%add3A_950, %dma_wait3A_963, %dma_wait3A_964] : memref<16384x50x64xf32, #tpu.memory_space<hbm>> -> memref<1x50x64xf32, #tpu.memory_space<hbm>>
      %dma_wait3A_966 = tpu.memref_squeeze %dma_wait3A_965 : memref<1x50x64xf32, #tpu.memory_space<hbm>> -> memref<50x64xf32, #tpu.memory_space<hbm>>
      %dma_wait3A_967 = arith.constant 0 : i32
      %dma_wait3A_968 = arith.constant 0 : i32
      %dma_wait3A_969 = tpu.memref_slice %arg6[%dma_wait3A_951, %dma_wait3A_967, %dma_wait3A_968] : memref<4x200x64xf32, #tpu.memory_space<vmem>> -> memref<1x200x64xf32, #tpu.memory_space<vmem>>
      %dma_wait3A_970 = tpu.memref_squeeze %dma_wait3A_969 : memref<1x200x64xf32, #tpu.memory_space<vmem>> -> memref<200x64xf32, #tpu.memory_space<vmem>>
      %dma_wait3A_971 = arith.constant 50 : i32
      %dma_wait3A_972 = arith.constant 0 : i32
      %dma_wait3A_973 = tpu.memref_slice %dma_wait3A_970[%dma_wait3A_971, %dma_wait3A_972] : memref<200x64xf32, #tpu.memory_space<vmem>> -> memref<50x64xf32, #tpu.memory_space<vmem>>
      tpu.wait_dma2 semaphore(%arg11 : memref<!tpu.dma_semaphore, #tpu.memory_space<semaphore_mem>>) src(%dma_wait3A_973 : memref<50x64xf32, #tpu.memory_space<vmem>>) dst(%dma_wait3A_966 : memref<50x64xf32, #tpu.memory_space<hbm>>)
      %add3A_974 = arith.constant 2 : i32
      %add3A_975 = arith.addi %add3A_923, %add3A_974 : i32
      %dma_wait3A_976 = arith.constant 0 : i32
      %dma_wait3A_977 = arith.constant 0 : i32
      %dma_wait3A_978 = arith.constant 0 : i32
      %dma_wait3A_979 = tpu.memref_slice %arg6[%dma_wait3A_976, %dma_wait3A_977, %dma_wait3A_978] : memref<4x200x64xf32, #tpu.memory_space<vmem>> -> memref<1x200x64xf32, #tpu.memory_space<vmem>>
      %dma_wait3A_980 = tpu.memref_squeeze %dma_wait3A_979 : memref<1x200x64xf32, #tpu.memory_space<vmem>> -> memref<200x64xf32, #tpu.memory_space<vmem>>
      %dma_wait3A_981 = arith.constant 100 : i32
      %dma_wait3A_982 = arith.constant 0 : i32
      %dma_wait3A_983 = tpu.memref_slice %dma_wait3A_980[%dma_wait3A_981, %dma_wait3A_982] : memref<200x64xf32, #tpu.memory_space<vmem>> -> memref<50x64xf32, #tpu.memory_space<vmem>>
      %dma_wait3A_984 = arith.constant 0 : i32
      %dma_wait3A_985 = arith.constant 0 : i32
      %dma_wait3A_986 = tpu.memref_slice %arg4[%add3A_975, %dma_wait3A_984, %dma_wait3A_985] : memref<16384x50x64xf32, #tpu.memory_space<hbm>> -> memref<1x50x64xf32, #tpu.memory_space<hbm>>
      %dma_wait3A_987 = tpu.memref_squeeze %dma_wait3A_986 : memref<1x50x64xf32, #tpu.memory_space<hbm>> -> memref<50x64xf32, #tpu.memory_space<hbm>>
      %dma_wait3A_988 = arith.constant 0 : i32
      %dma_wait3A_989 = arith.constant 0 : i32
      %dma_wait3A_990 = tpu.memref_slice %arg4[%add3A_975, %dma_wait3A_988, %dma_wait3A_989] : memref<16384x50x64xf32, #tpu.memory_space<hbm>> -> memref<1x50x64xf32, #tpu.memory_space<hbm>>
      %dma_wait3A_991 = tpu.memref_squeeze %dma_wait3A_990 : memref<1x50x64xf32, #tpu.memory_space<hbm>> -> memref<50x64xf32, #tpu.memory_space<hbm>>
      %dma_wait3A_992 = arith.constant 0 : i32
      %dma_wait3A_993 = arith.constant 0 : i32
      %dma_wait3A_994 = tpu.memref_slice %arg6[%dma_wait3A_976, %dma_wait3A_992, %dma_wait3A_993] : memref<4x200x64xf32, #tpu.memory_space<vmem>> -> memref<1x200x64xf32, #tpu.memory_space<vmem>>
      %dma_wait3A_995 = tpu.memref_squeeze %dma_wait3A_994 : memref<1x200x64xf32, #tpu.memory_space<vmem>> -> memref<200x64xf32, #tpu.memory_space<vmem>>
      %dma_wait3A_996 = arith.constant 100 : i32
      %dma_wait3A_997 = arith.constant 0 : i32
      %dma_wait3A_998 = tpu.memref_slice %dma_wait3A_995[%dma_wait3A_996, %dma_wait3A_997] : memref<200x64xf32, #tpu.memory_space<vmem>> -> memref<50x64xf32, #tpu.memory_space<vmem>>
      tpu.wait_dma2 semaphore(%arg11 : memref<!tpu.dma_semaphore, #tpu.memory_space<semaphore_mem>>) src(%dma_wait3A_998 : memref<50x64xf32, #tpu.memory_space<vmem>>) dst(%dma_wait3A_991 : memref<50x64xf32, #tpu.memory_space<hbm>>)
      %add3A_999 = arith.constant 3 : i32
      %add3A_1000 = arith.addi %add3A_923, %add3A_999 : i32
      %dma_wait3A_1001 = arith.constant 0 : i32
      %dma_wait3A_1002 = arith.constant 0 : i32
      %dma_wait3A_1003 = arith.constant 0 : i32
      %dma_wait3A_1004 = tpu.memref_slice %arg6[%dma_wait3A_1001, %dma_wait3A_1002, %dma_wait3A_1003] : memref<4x200x64xf32, #tpu.memory_space<vmem>> -> memref<1x200x64xf32, #tpu.memory_space<vmem>>
      %dma_wait3A_1005 = tpu.memref_squeeze %dma_wait3A_1004 : memref<1x200x64xf32, #tpu.memory_space<vmem>> -> memref<200x64xf32, #tpu.memory_space<vmem>>
      %dma_wait3A_1006 = arith.constant 150 : i32
      %dma_wait3A_1007 = arith.constant 0 : i32
      %dma_wait3A_1008 = tpu.memref_slice %dma_wait3A_1005[%dma_wait3A_1006, %dma_wait3A_1007] : memref<200x64xf32, #tpu.memory_space<vmem>> -> memref<50x64xf32, #tpu.memory_space<vmem>>
      %dma_wait3A_1009 = arith.constant 0 : i32
      %dma_wait3A_1010 = arith.constant 0 : i32
      %dma_wait3A_1011 = tpu.memref_slice %arg4[%add3A_1000, %dma_wait3A_1009, %dma_wait3A_1010] : memref<16384x50x64xf32, #tpu.memory_space<hbm>> -> memref<1x50x64xf32, #tpu.memory_space<hbm>>
      %dma_wait3A_1012 = tpu.memref_squeeze %dma_wait3A_1011 : memref<1x50x64xf32, #tpu.memory_space<hbm>> -> memref<50x64xf32, #tpu.memory_space<hbm>>
      %dma_wait3A_1013 = arith.constant 0 : i32
      %dma_wait3A_1014 = arith.constant 0 : i32
      %dma_wait3A_1015 = tpu.memref_slice %arg4[%add3A_1000, %dma_wait3A_1013, %dma_wait3A_1014] : memref<16384x50x64xf32, #tpu.memory_space<hbm>> -> memref<1x50x64xf32, #tpu.memory_space<hbm>>
      %dma_wait3A_1016 = tpu.memref_squeeze %dma_wait3A_1015 : memref<1x50x64xf32, #tpu.memory_space<hbm>> -> memref<50x64xf32, #tpu.memory_space<hbm>>
      %dma_wait3A_1017 = arith.constant 0 : i32
      %dma_wait3A_1018 = arith.constant 0 : i32
      %dma_wait3A_1019 = tpu.memref_slice %arg6[%dma_wait3A_1001, %dma_wait3A_1017, %dma_wait3A_1018] : memref<4x200x64xf32, #tpu.memory_space<vmem>> -> memref<1x200x64xf32, #tpu.memory_space<vmem>>
      %dma_wait3A_1020 = tpu.memref_squeeze %dma_wait3A_1019 : memref<1x200x64xf32, #tpu.memory_space<vmem>> -> memref<200x64xf32, #tpu.memory_space<vmem>>
      %dma_wait3A_1021 = arith.constant 150 : i32
      %dma_wait3A_1022 = arith.constant 0 : i32
      %dma_wait3A_1023 = tpu.memref_slice %dma_wait3A_1020[%dma_wait3A_1021, %dma_wait3A_1022] : memref<200x64xf32, #tpu.memory_space<vmem>> -> memref<50x64xf32, #tpu.memory_space<vmem>>
      tpu.wait_dma2 semaphore(%arg11 : memref<!tpu.dma_semaphore, #tpu.memory_space<semaphore_mem>>) src(%dma_wait3A_1023 : memref<50x64xf32, #tpu.memory_space<vmem>>) dst(%dma_wait3A_1016 : memref<50x64xf32, #tpu.memory_space<hbm>>)
      %add3A_1024 = arith.constant 3 : i32
      %add3A_1025 = arith.addi %add3A_919, %add3A_1024 : i32
      %mul3A_1026 = arith.constant 200 : i32
      %mul3A_1027 = arith.muli %add3A_1025, %mul3A_1026 : i32
      %multiple_of3A_1028 = tpu.assume_multiple %mul3A_1027, 200 : i32
      %dma_start3A_1029 = arith.constant 0 : i32
      %dma_start3A_1030 = arith.constant 0 : i32
      %dma_start3A_1031 = arith.constant 0 : i32
      %dma_start3A_1032 = tpu.memref_slice %arg6[%dma_start3A_1029, %dma_start3A_1030, %dma_start3A_1031] : memref<4x200x64xf32, #tpu.memory_space<vmem>> -> memref<1x200x64xf32, #tpu.memory_space<vmem>>
      %dma_start3A_1033 = tpu.memref_squeeze %dma_start3A_1032 : memref<1x200x64xf32, #tpu.memory_space<vmem>> -> memref<200x64xf32, #tpu.memory_space<vmem>>
      %dma_start3A_1034 = tpu.memref_slice %arg5[%multiple_of3A_1028] : memref<25600xi32, #tpu.memory_space<vmem>> -> memref<200xi32, #tpu.memory_space<vmem>>
      %dma_start3A_1035 = arith.constant 0 : i32
      %dma_start3A_1036 = arith.constant 0 : i32
      %dma_start3A_1037 = tpu.memref_slice %arg3[%dma_start3A_1035, %dma_start3A_1036] : memref<1000000x64xf32, #tpu.memory_space<hbm>> -> memref<1000000x64xf32, #tpu.memory_space<hbm>>
      tpu.enqueue_indirect_dma source(%dma_start3A_1037 : memref<1000000x64xf32, #tpu.memory_space<hbm>>) target(%dma_start3A_1033 : memref<200x64xf32, #tpu.memory_space<vmem>>) offsets(%dma_start3A_1034 : memref<200xi32, #tpu.memory_space<vmem>>) semaphore(%arg7 : memref<!tpu.dma_semaphore, #tpu.memory_space<semaphore_mem>>)
      %mul3A_1038 = arith.constant 200 : i32
      %mul3A_1039 = arith.muli %add3A_919, %mul3A_1038 : i32
      %multiple_of3A_1040 = tpu.assume_multiple %mul3A_1039, 200 : i32
      %dma_wait3A_1041 = arith.constant 1 : i32
      %dma_wait3A_1042 = arith.constant 0 : i32
      %dma_wait3A_1043 = arith.constant 0 : i32
      %dma_wait3A_1044 = tpu.memref_slice %arg6[%dma_wait3A_1041, %dma_wait3A_1042, %dma_wait3A_1043] : memref<4x200x64xf32, #tpu.memory_space<vmem>> -> memref<1x200x64xf32, #tpu.memory_space<vmem>>
      %dma_wait3A_1045 = tpu.memref_squeeze %dma_wait3A_1044 : memref<1x200x64xf32, #tpu.memory_space<vmem>> -> memref<200x64xf32, #tpu.memory_space<vmem>>
      %dma_wait3A_1046 = tpu.memref_slice %arg5[%multiple_of3A_1040] : memref<25600xi32, #tpu.memory_space<vmem>> -> memref<200xi32, #tpu.memory_space<vmem>>
      %dma_wait3A_1047 = arith.constant 0 : i32
      %dma_wait3A_1048 = arith.constant 0 : i32
      %dma_wait3A_1049 = tpu.memref_slice %arg3[%dma_wait3A_1047, %dma_wait3A_1048] : memref<1000000x64xf32, #tpu.memory_space<hbm>> -> memref<1000000x64xf32, #tpu.memory_space<hbm>>
      tpu.wait_indirect_dma semaphore(%arg8 : memref<!tpu.dma_semaphore, #tpu.memory_space<semaphore_mem>>) src(%dma_wait3A_1049 : memref<1000000x64xf32, #tpu.memory_space<hbm>>) dst(%dma_wait3A_1045 : memref<200x64xf32, #tpu.memory_space<vmem>>)
      %mul3A_1050 = arith.constant 4 : i32
      %mul3A_1051 = arith.muli %add3A_919, %mul3A_1050 : i32
      %add3A_1052 = arith.addi %mul3A_4, %mul3A_1051 : i32
      %add3A_1053 = arith.constant 0 : i32
      %add3A_1054 = arith.addi %add3A_1052, %add3A_1053 : i32
      %dma_start3A_1055 = arith.constant 1 : i32
      %dma_start3A_1056 = arith.constant 0 : i32
      %dma_start3A_1057 = arith.constant 0 : i32
      %dma_start3A_1058 = tpu.memref_slice %arg6[%dma_start3A_1055, %dma_start3A_1056, %dma_start3A_1057] : memref<4x200x64xf32, #tpu.memory_space<vmem>> -> memref<1x200x64xf32, #tpu.memory_space<vmem>>
      %dma_start3A_1059 = tpu.memref_squeeze %dma_start3A_1058 : memref<1x200x64xf32, #tpu.memory_space<vmem>> -> memref<200x64xf32, #tpu.memory_space<vmem>>
      %dma_start3A_1060 = arith.constant 0 : i32
      %dma_start3A_1061 = arith.constant 0 : i32
      %dma_start3A_1062 = tpu.memref_slice %dma_start3A_1059[%dma_start3A_1060, %dma_start3A_1061] : memref<200x64xf32, #tpu.memory_space<vmem>> -> memref<50x64xf32, #tpu.memory_space<vmem>>
      %dma_start3A_1063 = arith.constant 0 : i32
      %dma_start3A_1064 = arith.constant 0 : i32
      %dma_start3A_1065 = tpu.memref_slice %arg4[%add3A_1054, %dma_start3A_1063, %dma_start3A_1064] : memref<16384x50x64xf32, #tpu.memory_space<hbm>> -> memref<1x50x64xf32, #tpu.memory_space<hbm>>
      %dma_start3A_1066 = tpu.memref_squeeze %dma_start3A_1065 : memref<1x50x64xf32, #tpu.memory_space<hbm>> -> memref<50x64xf32, #tpu.memory_space<hbm>>
      %dma_start3A_1067 = arith.constant 0 : i32
      %dma_start3A_1068 = arith.constant 0 : i32
      %dma_start3A_1069 = tpu.memref_slice %arg4[%add3A_1054, %dma_start3A_1067, %dma_start3A_1068] : memref<16384x50x64xf32, #tpu.memory_space<hbm>> -> memref<1x50x64xf32, #tpu.memory_space<hbm>>
      %dma_start3A_1070 = tpu.memref_squeeze %dma_start3A_1069 : memref<1x50x64xf32, #tpu.memory_space<hbm>> -> memref<50x64xf32, #tpu.memory_space<hbm>>
      %dma_start3A_1071 = arith.constant 0 : i32
      %dma_start3A_1072 = arith.constant 0 : i32
      %dma_start3A_1073 = tpu.memref_slice %arg6[%dma_start3A_1055, %dma_start3A_1071, %dma_start3A_1072] : memref<4x200x64xf32, #tpu.memory_space<vmem>> -> memref<1x200x64xf32, #tpu.memory_space<vmem>>
      %dma_start3A_1074 = tpu.memref_squeeze %dma_start3A_1073 : memref<1x200x64xf32, #tpu.memory_space<vmem>> -> memref<200x64xf32, #tpu.memory_space<vmem>>
      %dma_start3A_1075 = arith.constant 0 : i32
      %dma_start3A_1076 = arith.constant 0 : i32
      %dma_start3A_1077 = tpu.memref_slice %dma_start3A_1074[%dma_start3A_1075, %dma_start3A_1076] : memref<200x64xf32, #tpu.memory_space<vmem>> -> memref<50x64xf32, #tpu.memory_space<vmem>>
      tpu.enqueue_dma source(%dma_start3A_1077 : memref<50x64xf32, #tpu.memory_space<vmem>>) target(%dma_start3A_1070 : memref<50x64xf32, #tpu.memory_space<hbm>>) target_semaphore(%arg12 : memref<!tpu.dma_semaphore, #tpu.memory_space<semaphore_mem>>)
      %add3A_1078 = arith.constant 1 : i32
      %add3A_1079 = arith.addi %add3A_1052, %add3A_1078 : i32
      %dma_start3A_1080 = arith.constant 1 : i32
      %dma_start3A_1081 = arith.constant 0 : i32
      %dma_start3A_1082 = arith.constant 0 : i32
      %dma_start3A_1083 = tpu.memref_slice %arg6[%dma_start3A_1080, %dma_start3A_1081, %dma_start3A_1082] : memref<4x200x64xf32, #tpu.memory_space<vmem>> -> memref<1x200x64xf32, #tpu.memory_space<vmem>>
      %dma_start3A_1084 = tpu.memref_squeeze %dma_start3A_1083 : memref<1x200x64xf32, #tpu.memory_space<vmem>> -> memref<200x64xf32, #tpu.memory_space<vmem>>
      %dma_start3A_1085 = arith.constant 50 : i32
      %dma_start3A_1086 = arith.constant 0 : i32
      %dma_start3A_1087 = tpu.memref_slice %dma_start3A_1084[%dma_start3A_1085, %dma_start3A_1086] : memref<200x64xf32, #tpu.memory_space<vmem>> -> memref<50x64xf32, #tpu.memory_space<vmem>>
      %dma_start3A_1088 = arith.constant 0 : i32
      %dma_start3A_1089 = arith.constant 0 : i32
      %dma_start3A_1090 = tpu.memref_slice %arg4[%add3A_1079, %dma_start3A_1088, %dma_start3A_1089] : memref<16384x50x64xf32, #tpu.memory_space<hbm>> -> memref<1x50x64xf32, #tpu.memory_space<hbm>>
      %dma_start3A_1091 = tpu.memref_squeeze %dma_start3A_1090 : memref<1x50x64xf32, #tpu.memory_space<hbm>> -> memref<50x64xf32, #tpu.memory_space<hbm>>
      %dma_start3A_1092 = arith.constant 0 : i32
      %dma_start3A_1093 = arith.constant 0 : i32
      %dma_start3A_1094 = tpu.memref_slice %arg4[%add3A_1079, %dma_start3A_1092, %dma_start3A_1093] : memref<16384x50x64xf32, #tpu.memory_space<hbm>> -> memref<1x50x64xf32, #tpu.memory_space<hbm>>
      %dma_start3A_1095 = tpu.memref_squeeze %dma_start3A_1094 : memref<1x50x64xf32, #tpu.memory_space<hbm>> -> memref<50x64xf32, #tpu.memory_space<hbm>>
      %dma_start3A_1096 = arith.constant 0 : i32
      %dma_start3A_1097 = arith.constant 0 : i32
      %dma_start3A_1098 = tpu.memref_slice %arg6[%dma_start3A_1080, %dma_start3A_1096, %dma_start3A_1097] : memref<4x200x64xf32, #tpu.memory_space<vmem>> -> memref<1x200x64xf32, #tpu.memory_space<vmem>>
      %dma_start3A_1099 = tpu.memref_squeeze %dma_start3A_1098 : memref<1x200x64xf32, #tpu.memory_space<vmem>> -> memref<200x64xf32, #tpu.memory_space<vmem>>
      %dma_start3A_1100 = arith.constant 50 : i32
      %dma_start3A_1101 = arith.constant 0 : i32
      %dma_start3A_1102 = tpu.memref_slice %dma_start3A_1099[%dma_start3A_1100, %dma_start3A_1101] : memref<200x64xf32, #tpu.memory_space<vmem>> -> memref<50x64xf32, #tpu.memory_space<vmem>>
      tpu.enqueue_dma source(%dma_start3A_1102 : memref<50x64xf32, #tpu.memory_space<vmem>>) target(%dma_start3A_1095 : memref<50x64xf32, #tpu.memory_space<hbm>>) target_semaphore(%arg12 : memref<!tpu.dma_semaphore, #tpu.memory_space<semaphore_mem>>)
      %add3A_1103 = arith.constant 2 : i32
      %add3A_1104 = arith.addi %add3A_1052, %add3A_1103 : i32
      %dma_start3A_1105 = arith.constant 1 : i32
      %dma_start3A_1106 = arith.constant 0 : i32
      %dma_start3A_1107 = arith.constant 0 : i32
      %dma_start3A_1108 = tpu.memref_slice %arg6[%dma_start3A_1105, %dma_start3A_1106, %dma_start3A_1107] : memref<4x200x64xf32, #tpu.memory_space<vmem>> -> memref<1x200x64xf32, #tpu.memory_space<vmem>>
      %dma_start3A_1109 = tpu.memref_squeeze %dma_start3A_1108 : memref<1x200x64xf32, #tpu.memory_space<vmem>> -> memref<200x64xf32, #tpu.memory_space<vmem>>
      %dma_start3A_1110 = arith.constant 100 : i32
      %dma_start3A_1111 = arith.constant 0 : i32
      %dma_start3A_1112 = tpu.memref_slice %dma_start3A_1109[%dma_start3A_1110, %dma_start3A_1111] : memref<200x64xf32, #tpu.memory_space<vmem>> -> memref<50x64xf32, #tpu.memory_space<vmem>>
      %dma_start3A_1113 = arith.constant 0 : i32
      %dma_start3A_1114 = arith.constant 0 : i32
      %dma_start3A_1115 = tpu.memref_slice %arg4[%add3A_1104, %dma_start3A_1113, %dma_start3A_1114] : memref<16384x50x64xf32, #tpu.memory_space<hbm>> -> memref<1x50x64xf32, #tpu.memory_space<hbm>>
      %dma_start3A_1116 = tpu.memref_squeeze %dma_start3A_1115 : memref<1x50x64xf32, #tpu.memory_space<hbm>> -> memref<50x64xf32, #tpu.memory_space<hbm>>
      %dma_start3A_1117 = arith.constant 0 : i32
      %dma_start3A_1118 = arith.constant 0 : i32
      %dma_start3A_1119 = tpu.memref_slice %arg4[%add3A_1104, %dma_start3A_1117, %dma_start3A_1118] : memref<16384x50x64xf32, #tpu.memory_space<hbm>> -> memref<1x50x64xf32, #tpu.memory_space<hbm>>
      %dma_start3A_1120 = tpu.memref_squeeze %dma_start3A_1119 : memref<1x50x64xf32, #tpu.memory_space<hbm>> -> memref<50x64xf32, #tpu.memory_space<hbm>>
      %dma_start3A_1121 = arith.constant 0 : i32
      %dma_start3A_1122 = arith.constant 0 : i32
      %dma_start3A_1123 = tpu.memref_slice %arg6[%dma_start3A_1105, %dma_start3A_1121, %dma_start3A_1122] : memref<4x200x64xf32, #tpu.memory_space<vmem>> -> memref<1x200x64xf32, #tpu.memory_space<vmem>>
      %dma_start3A_1124 = tpu.memref_squeeze %dma_start3A_1123 : memref<1x200x64xf32, #tpu.memory_space<vmem>> -> memref<200x64xf32, #tpu.memory_space<vmem>>
      %dma_start3A_1125 = arith.constant 100 : i32
      %dma_start3A_1126 = arith.constant 0 : i32
      %dma_start3A_1127 = tpu.memref_slice %dma_start3A_1124[%dma_start3A_1125, %dma_start3A_1126] : memref<200x64xf32, #tpu.memory_space<vmem>> -> memref<50x64xf32, #tpu.memory_space<vmem>>
      tpu.enqueue_dma source(%dma_start3A_1127 : memref<50x64xf32, #tpu.memory_space<vmem>>) target(%dma_start3A_1120 : memref<50x64xf32, #tpu.memory_space<hbm>>) target_semaphore(%arg12 : memref<!tpu.dma_semaphore, #tpu.memory_space<semaphore_mem>>)
      %add3A_1128 = arith.constant 3 : i32
      %add3A_1129 = arith.addi %add3A_1052, %add3A_1128 : i32
      %dma_start3A_1130 = arith.constant 1 : i32
      %dma_start3A_1131 = arith.constant 0 : i32
      %dma_start3A_1132 = arith.constant 0 : i32
      %dma_start3A_1133 = tpu.memref_slice %arg6[%dma_start3A_1130, %dma_start3A_1131, %dma_start3A_1132] : memref<4x200x64xf32, #tpu.memory_space<vmem>> -> memref<1x200x64xf32, #tpu.memory_space<vmem>>
      %dma_start3A_1134 = tpu.memref_squeeze %dma_start3A_1133 : memref<1x200x64xf32, #tpu.memory_space<vmem>> -> memref<200x64xf32, #tpu.memory_space<vmem>>
      %dma_start3A_1135 = arith.constant 150 : i32
      %dma_start3A_1136 = arith.constant 0 : i32
      %dma_start3A_1137 = tpu.memref_slice %dma_start3A_1134[%dma_start3A_1135, %dma_start3A_1136] : memref<200x64xf32, #tpu.memory_space<vmem>> -> memref<50x64xf32, #tpu.memory_space<vmem>>
      %dma_start3A_1138 = arith.constant 0 : i32
      %dma_start3A_1139 = arith.constant 0 : i32
      %dma_start3A_1140 = tpu.memref_slice %arg4[%add3A_1129, %dma_start3A_1138, %dma_start3A_1139] : memref<16384x50x64xf32, #tpu.memory_space<hbm>> -> memref<1x50x64xf32, #tpu.memory_space<hbm>>
      %dma_start3A_1141 = tpu.memref_squeeze %dma_start3A_1140 : memref<1x50x64xf32, #tpu.memory_space<hbm>> -> memref<50x64xf32, #tpu.memory_space<hbm>>
      %dma_start3A_1142 = arith.constant 0 : i32
      %dma_start3A_1143 = arith.constant 0 : i32
      %dma_start3A_1144 = tpu.memref_slice %arg4[%add3A_1129, %dma_start3A_1142, %dma_start3A_1143] : memref<16384x50x64xf32, #tpu.memory_space<hbm>> -> memref<1x50x64xf32, #tpu.memory_space<hbm>>
      %dma_start3A_1145 = tpu.memref_squeeze %dma_start3A_1144 : memref<1x50x64xf32, #tpu.memory_space<hbm>> -> memref<50x64xf32, #tpu.memory_space<hbm>>
      %dma_start3A_1146 = arith.constant 0 : i32
      %dma_start3A_1147 = arith.constant 0 : i32
      %dma_start3A_1148 = tpu.memref_slice %arg6[%dma_start3A_1130, %dma_start3A_1146, %dma_start3A_1147] : memref<4x200x64xf32, #tpu.memory_space<vmem>> -> memref<1x200x64xf32, #tpu.memory_space<vmem>>
      %dma_start3A_1149 = tpu.memref_squeeze %dma_start3A_1148 : memref<1x200x64xf32, #tpu.memory_space<vmem>> -> memref<200x64xf32, #tpu.memory_space<vmem>>
      %dma_start3A_1150 = arith.constant 150 : i32
      %dma_start3A_1151 = arith.constant 0 : i32
      %dma_start3A_1152 = tpu.memref_slice %dma_start3A_1149[%dma_start3A_1150, %dma_start3A_1151] : memref<200x64xf32, #tpu.memory_space<vmem>> -> memref<50x64xf32, #tpu.memory_space<vmem>>
      tpu.enqueue_dma source(%dma_start3A_1152 : memref<50x64xf32, #tpu.memory_space<vmem>>) target(%dma_start3A_1145 : memref<50x64xf32, #tpu.memory_space<hbm>>) target_semaphore(%arg12 : memref<!tpu.dma_semaphore, #tpu.memory_space<semaphore_mem>>)
      %add3A_1153 = arith.constant 1 : i32
      %add3A_1154 = arith.addi %add3A_917, %add3A_1153 : i32
      %sub3A_1155 = arith.constant 1 : i32
      %sub3A_1156 = arith.subi %add3A_1154, %sub3A_1155 : i32
      %mul3A_1157 = arith.constant 4 : i32
      %mul3A_1158 = arith.muli %sub3A_1156, %mul3A_1157 : i32
      %add3A_1159 = arith.addi %mul3A_4, %mul3A_1158 : i32
      %add3A_1160 = arith.constant 0 : i32
      %add3A_1161 = arith.addi %add3A_1159, %add3A_1160 : i32
      %dma_wait3A_1162 = arith.constant 1 : i32
      %dma_wait3A_1163 = arith.constant 0 : i32
      %dma_wait3A_1164 = arith.constant 0 : i32
      %dma_wait3A_1165 = tpu.memref_slice %arg6[%dma_wait3A_1162, %dma_wait3A_1163, %dma_wait3A_1164] : memref<4x200x64xf32, #tpu.memory_space<vmem>> -> memref<1x200x64xf32, #tpu.memory_space<vmem>>
      %dma_wait3A_1166 = tpu.memref_squeeze %dma_wait3A_1165 : memref<1x200x64xf32, #tpu.memory_space<vmem>> -> memref<200x64xf32, #tpu.memory_space<vmem>>
      %dma_wait3A_1167 = arith.constant 0 : i32
      %dma_wait3A_1168 = arith.constant 0 : i32
      %dma_wait3A_1169 = tpu.memref_slice %dma_wait3A_1166[%dma_wait3A_1167, %dma_wait3A_1168] : memref<200x64xf32, #tpu.memory_space<vmem>> -> memref<50x64xf32, #tpu.memory_space<vmem>>
      %dma_wait3A_1170 = arith.constant 0 : i32
      %dma_wait3A_1171 = arith.constant 0 : i32
      %dma_wait3A_1172 = tpu.memref_slice %arg4[%add3A_1161, %dma_wait3A_1170, %dma_wait3A_1171] : memref<16384x50x64xf32, #tpu.memory_space<hbm>> -> memref<1x50x64xf32, #tpu.memory_space<hbm>>
      %dma_wait3A_1173 = tpu.memref_squeeze %dma_wait3A_1172 : memref<1x50x64xf32, #tpu.memory_space<hbm>> -> memref<50x64xf32, #tpu.memory_space<hbm>>
      %dma_wait3A_1174 = arith.constant 0 : i32
      %dma_wait3A_1175 = arith.constant 0 : i32
      %dma_wait3A_1176 = tpu.memref_slice %arg4[%add3A_1161, %dma_wait3A_1174, %dma_wait3A_1175] : memref<16384x50x64xf32, #tpu.memory_space<hbm>> -> memref<1x50x64xf32, #tpu.memory_space<hbm>>
      %dma_wait3A_1177 = tpu.memref_squeeze %dma_wait3A_1176 : memref<1x50x64xf32, #tpu.memory_space<hbm>> -> memref<50x64xf32, #tpu.memory_space<hbm>>
      %dma_wait3A_1178 = arith.constant 0 : i32
      %dma_wait3A_1179 = arith.constant 0 : i32
      %dma_wait3A_1180 = tpu.memref_slice %arg6[%dma_wait3A_1162, %dma_wait3A_1178, %dma_wait3A_1179] : memref<4x200x64xf32, #tpu.memory_space<vmem>> -> memref<1x200x64xf32, #tpu.memory_space<vmem>>
      %dma_wait3A_1181 = tpu.memref_squeeze %dma_wait3A_1180 : memref<1x200x64xf32, #tpu.memory_space<vmem>> -> memref<200x64xf32, #tpu.memory_space<vmem>>
      %dma_wait3A_1182 = arith.constant 0 : i32
      %dma_wait3A_1183 = arith.constant 0 : i32
      %dma_wait3A_1184 = tpu.memref_slice %dma_wait3A_1181[%dma_wait3A_1182, %dma_wait3A_1183] : memref<200x64xf32, #tpu.memory_space<vmem>> -> memref<50x64xf32, #tpu.memory_space<vmem>>
      tpu.wait_dma2 semaphore(%arg12 : memref<!tpu.dma_semaphore, #tpu.memory_space<semaphore_mem>>) src(%dma_wait3A_1184 : memref<50x64xf32, #tpu.memory_space<vmem>>) dst(%dma_wait3A_1177 : memref<50x64xf32, #tpu.memory_space<hbm>>)
      %add3A_1185 = arith.constant 1 : i32
      %add3A_1186 = arith.addi %add3A_1159, %add3A_1185 : i32
      %dma_wait3A_1187 = arith.constant 1 : i32
      %dma_wait3A_1188 = arith.constant 0 : i32
      %dma_wait3A_1189 = arith.constant 0 : i32
      %dma_wait3A_1190 = tpu.memref_slice %arg6[%dma_wait3A_1187, %dma_wait3A_1188, %dma_wait3A_1189] : memref<4x200x64xf32, #tpu.memory_space<vmem>> -> memref<1x200x64xf32, #tpu.memory_space<vmem>>
      %dma_wait3A_1191 = tpu.memref_squeeze %dma_wait3A_1190 : memref<1x200x64xf32, #tpu.memory_space<vmem>> -> memref<200x64xf32, #tpu.memory_space<vmem>>
      %dma_wait3A_1192 = arith.constant 50 : i32
      %dma_wait3A_1193 = arith.constant 0 : i32
      %dma_wait3A_1194 = tpu.memref_slice %dma_wait3A_1191[%dma_wait3A_1192, %dma_wait3A_1193] : memref<200x64xf32, #tpu.memory_space<vmem>> -> memref<50x64xf32, #tpu.memory_space<vmem>>
      %dma_wait3A_1195 = arith.constant 0 : i32
      %dma_wait3A_1196 = arith.constant 0 : i32
      %dma_wait3A_1197 = tpu.memref_slice %arg4[%add3A_1186, %dma_wait3A_1195, %dma_wait3A_1196] : memref<16384x50x64xf32, #tpu.memory_space<hbm>> -> memref<1x50x64xf32, #tpu.memory_space<hbm>>
      %dma_wait3A_1198 = tpu.memref_squeeze %dma_wait3A_1197 : memref<1x50x64xf32, #tpu.memory_space<hbm>> -> memref<50x64xf32, #tpu.memory_space<hbm>>
      %dma_wait3A_1199 = arith.constant 0 : i32
      %dma_wait3A_1200 = arith.constant 0 : i32
      %dma_wait3A_1201 = tpu.memref_slice %arg4[%add3A_1186, %dma_wait3A_1199, %dma_wait3A_1200] : memref<16384x50x64xf32, #tpu.memory_space<hbm>> -> memref<1x50x64xf32, #tpu.memory_space<hbm>>
      %dma_wait3A_1202 = tpu.memref_squeeze %dma_wait3A_1201 : memref<1x50x64xf32, #tpu.memory_space<hbm>> -> memref<50x64xf32, #tpu.memory_space<hbm>>
      %dma_wait3A_1203 = arith.constant 0 : i32
      %dma_wait3A_1204 = arith.constant 0 : i32
      %dma_wait3A_1205 = tpu.memref_slice %arg6[%dma_wait3A_1187, %dma_wait3A_1203, %dma_wait3A_1204] : memref<4x200x64xf32, #tpu.memory_space<vmem>> -> memref<1x200x64xf32, #tpu.memory_space<vmem>>
      %dma_wait3A_1206 = tpu.memref_squeeze %dma_wait3A_1205 : memref<1x200x64xf32, #tpu.memory_space<vmem>> -> memref<200x64xf32, #tpu.memory_space<vmem>>
      %dma_wait3A_1207 = arith.constant 50 : i32
      %dma_wait3A_1208 = arith.constant 0 : i32
      %dma_wait3A_1209 = tpu.memref_slice %dma_wait3A_1206[%dma_wait3A_1207, %dma_wait3A_1208] : memref<200x64xf32, #tpu.memory_space<vmem>> -> memref<50x64xf32, #tpu.memory_space<vmem>>
      tpu.wait_dma2 semaphore(%arg12 : memref<!tpu.dma_semaphore, #tpu.memory_space<semaphore_mem>>) src(%dma_wait3A_1209 : memref<50x64xf32, #tpu.memory_space<vmem>>) dst(%dma_wait3A_1202 : memref<50x64xf32, #tpu.memory_space<hbm>>)
      %add3A_1210 = arith.constant 2 : i32
      %add3A_1211 = arith.addi %add3A_1159, %add3A_1210 : i32
      %dma_wait3A_1212 = arith.constant 1 : i32
      %dma_wait3A_1213 = arith.constant 0 : i32
      %dma_wait3A_1214 = arith.constant 0 : i32
      %dma_wait3A_1215 = tpu.memref_slice %arg6[%dma_wait3A_1212, %dma_wait3A_1213, %dma_wait3A_1214] : memref<4x200x64xf32, #tpu.memory_space<vmem>> -> memref<1x200x64xf32, #tpu.memory_space<vmem>>
      %dma_wait3A_1216 = tpu.memref_squeeze %dma_wait3A_1215 : memref<1x200x64xf32, #tpu.memory_space<vmem>> -> memref<200x64xf32, #tpu.memory_space<vmem>>
      %dma_wait3A_1217 = arith.constant 100 : i32
      %dma_wait3A_1218 = arith.constant 0 : i32
      %dma_wait3A_1219 = tpu.memref_slice %dma_wait3A_1216[%dma_wait3A_1217, %dma_wait3A_1218] : memref<200x64xf32, #tpu.memory_space<vmem>> -> memref<50x64xf32, #tpu.memory_space<vmem>>
      %dma_wait3A_1220 = arith.constant 0 : i32
      %dma_wait3A_1221 = arith.constant 0 : i32
      %dma_wait3A_1222 = tpu.memref_slice %arg4[%add3A_1211, %dma_wait3A_1220, %dma_wait3A_1221] : memref<16384x50x64xf32, #tpu.memory_space<hbm>> -> memref<1x50x64xf32, #tpu.memory_space<hbm>>
      %dma_wait3A_1223 = tpu.memref_squeeze %dma_wait3A_1222 : memref<1x50x64xf32, #tpu.memory_space<hbm>> -> memref<50x64xf32, #tpu.memory_space<hbm>>
      %dma_wait3A_1224 = arith.constant 0 : i32
      %dma_wait3A_1225 = arith.constant 0 : i32
      %dma_wait3A_1226 = tpu.memref_slice %arg4[%add3A_1211, %dma_wait3A_1224, %dma_wait3A_1225] : memref<16384x50x64xf32, #tpu.memory_space<hbm>> -> memref<1x50x64xf32, #tpu.memory_space<hbm>>
      %dma_wait3A_1227 = tpu.memref_squeeze %dma_wait3A_1226 : memref<1x50x64xf32, #tpu.memory_space<hbm>> -> memref<50x64xf32, #tpu.memory_space<hbm>>
      %dma_wait3A_1228 = arith.constant 0 : i32
      %dma_wait3A_1229 = arith.constant 0 : i32
      %dma_wait3A_1230 = tpu.memref_slice %arg6[%dma_wait3A_1212, %dma_wait3A_1228, %dma_wait3A_1229] : memref<4x200x64xf32, #tpu.memory_space<vmem>> -> memref<1x200x64xf32, #tpu.memory_space<vmem>>
      %dma_wait3A_1231 = tpu.memref_squeeze %dma_wait3A_1230 : memref<1x200x64xf32, #tpu.memory_space<vmem>> -> memref<200x64xf32, #tpu.memory_space<vmem>>
      %dma_wait3A_1232 = arith.constant 100 : i32
      %dma_wait3A_1233 = arith.constant 0 : i32
      %dma_wait3A_1234 = tpu.memref_slice %dma_wait3A_1231[%dma_wait3A_1232, %dma_wait3A_1233] : memref<200x64xf32, #tpu.memory_space<vmem>> -> memref<50x64xf32, #tpu.memory_space<vmem>>
      tpu.wait_dma2 semaphore(%arg12 : memref<!tpu.dma_semaphore, #tpu.memory_space<semaphore_mem>>) src(%dma_wait3A_1234 : memref<50x64xf32, #tpu.memory_space<vmem>>) dst(%dma_wait3A_1227 : memref<50x64xf32, #tpu.memory_space<hbm>>)
      %add3A_1235 = arith.constant 3 : i32
      %add3A_1236 = arith.addi %add3A_1159, %add3A_1235 : i32
      %dma_wait3A_1237 = arith.constant 1 : i32
      %dma_wait3A_1238 = arith.constant 0 : i32
      %dma_wait3A_1239 = arith.constant 0 : i32
      %dma_wait3A_1240 = tpu.memref_slice %arg6[%dma_wait3A_1237, %dma_wait3A_1238, %dma_wait3A_1239] : memref<4x200x64xf32, #tpu.memory_space<vmem>> -> memref<1x200x64xf32, #tpu.memory_space<vmem>>
      %dma_wait3A_1241 = tpu.memref_squeeze %dma_wait3A_1240 : memref<1x200x64xf32, #tpu.memory_space<vmem>> -> memref<200x64xf32, #tpu.memory_space<vmem>>
      %dma_wait3A_1242 = arith.constant 150 : i32
      %dma_wait3A_1243 = arith.constant 0 : i32
      %dma_wait3A_1244 = tpu.memref_slice %dma_wait3A_1241[%dma_wait3A_1242, %dma_wait3A_1243] : memref<200x64xf32, #tpu.memory_space<vmem>> -> memref<50x64xf32, #tpu.memory_space<vmem>>
      %dma_wait3A_1245 = arith.constant 0 : i32
      %dma_wait3A_1246 = arith.constant 0 : i32
      %dma_wait3A_1247 = tpu.memref_slice %arg4[%add3A_1236, %dma_wait3A_1245, %dma_wait3A_1246] : memref<16384x50x64xf32, #tpu.memory_space<hbm>> -> memref<1x50x64xf32, #tpu.memory_space<hbm>>
      %dma_wait3A_1248 = tpu.memref_squeeze %dma_wait3A_1247 : memref<1x50x64xf32, #tpu.memory_space<hbm>> -> memref<50x64xf32, #tpu.memory_space<hbm>>
      %dma_wait3A_1249 = arith.constant 0 : i32
      %dma_wait3A_1250 = arith.constant 0 : i32
      %dma_wait3A_1251 = tpu.memref_slice %arg4[%add3A_1236, %dma_wait3A_1249, %dma_wait3A_1250] : memref<16384x50x64xf32, #tpu.memory_space<hbm>> -> memref<1x50x64xf32, #tpu.memory_space<hbm>>
      %dma_wait3A_1252 = tpu.memref_squeeze %dma_wait3A_1251 : memref<1x50x64xf32, #tpu.memory_space<hbm>> -> memref<50x64xf32, #tpu.memory_space<hbm>>
      %dma_wait3A_1253 = arith.constant 0 : i32
      %dma_wait3A_1254 = arith.constant 0 : i32
      %dma_wait3A_1255 = tpu.memref_slice %arg6[%dma_wait3A_1237, %dma_wait3A_1253, %dma_wait3A_1254] : memref<4x200x64xf32, #tpu.memory_space<vmem>> -> memref<1x200x64xf32, #tpu.memory_space<vmem>>
      %dma_wait3A_1256 = tpu.memref_squeeze %dma_wait3A_1255 : memref<1x200x64xf32, #tpu.memory_space<vmem>> -> memref<200x64xf32, #tpu.memory_space<vmem>>
      %dma_wait3A_1257 = arith.constant 150 : i32
      %dma_wait3A_1258 = arith.constant 0 : i32
      %dma_wait3A_1259 = tpu.memref_slice %dma_wait3A_1256[%dma_wait3A_1257, %dma_wait3A_1258] : memref<200x64xf32, #tpu.memory_space<vmem>> -> memref<50x64xf32, #tpu.memory_space<vmem>>
      tpu.wait_dma2 semaphore(%arg12 : memref<!tpu.dma_semaphore, #tpu.memory_space<semaphore_mem>>) src(%dma_wait3A_1259 : memref<50x64xf32, #tpu.memory_space<vmem>>) dst(%dma_wait3A_1252 : memref<50x64xf32, #tpu.memory_space<hbm>>)
      %add3A_1260 = arith.constant 3 : i32
      %add3A_1261 = arith.addi %add3A_1154, %add3A_1260 : i32
      %mul3A_1262 = arith.constant 200 : i32
      %mul3A_1263 = arith.muli %add3A_1261, %mul3A_1262 : i32
      %multiple_of3A_1264 = tpu.assume_multiple %mul3A_1263, 200 : i32
      %dma_start3A_1265 = arith.constant 1 : i32
      %dma_start3A_1266 = arith.constant 0 : i32
      %dma_start3A_1267 = arith.constant 0 : i32
      %dma_start3A_1268 = tpu.memref_slice %arg6[%dma_start3A_1265, %dma_start3A_1266, %dma_start3A_1267] : memref<4x200x64xf32, #tpu.memory_space<vmem>> -> memref<1x200x64xf32, #tpu.memory_space<vmem>>
      %dma_start3A_1269 = tpu.memref_squeeze %dma_start3A_1268 : memref<1x200x64xf32, #tpu.memory_space<vmem>> -> memref<200x64xf32, #tpu.memory_space<vmem>>
      %dma_start3A_1270 = tpu.memref_slice %arg5[%multiple_of3A_1264] : memref<25600xi32, #tpu.memory_space<vmem>> -> memref<200xi32, #tpu.memory_space<vmem>>
      %dma_start3A_1271 = arith.constant 0 : i32
      %dma_start3A_1272 = arith.constant 0 : i32
      %dma_start3A_1273 = tpu.memref_slice %arg3[%dma_start3A_1271, %dma_start3A_1272] : memref<1000000x64xf32, #tpu.memory_space<hbm>> -> memref<1000000x64xf32, #tpu.memory_space<hbm>>
      tpu.enqueue_indirect_dma source(%dma_start3A_1273 : memref<1000000x64xf32, #tpu.memory_space<hbm>>) target(%dma_start3A_1269 : memref<200x64xf32, #tpu.memory_space<vmem>>) offsets(%dma_start3A_1270 : memref<200xi32, #tpu.memory_space<vmem>>) semaphore(%arg8 : memref<!tpu.dma_semaphore, #tpu.memory_space<semaphore_mem>>)
      %mul3A_1274 = arith.constant 200 : i32
      %mul3A_1275 = arith.muli %add3A_1154, %mul3A_1274 : i32
      %multiple_of3A_1276 = tpu.assume_multiple %mul3A_1275, 200 : i32
      %dma_wait3A_1277 = arith.constant 2 : i32
      %dma_wait3A_1278 = arith.constant 0 : i32
      %dma_wait3A_1279 = arith.constant 0 : i32
      %dma_wait3A_1280 = tpu.memref_slice %arg6[%dma_wait3A_1277, %dma_wait3A_1278, %dma_wait3A_1279] : memref<4x200x64xf32, #tpu.memory_space<vmem>> -> memref<1x200x64xf32, #tpu.memory_space<vmem>>
      %dma_wait3A_1281 = tpu.memref_squeeze %dma_wait3A_1280 : memref<1x200x64xf32, #tpu.memory_space<vmem>> -> memref<200x64xf32, #tpu.memory_space<vmem>>
      %dma_wait3A_1282 = tpu.memref_slice %arg5[%multiple_of3A_1276] : memref<25600xi32, #tpu.memory_space<vmem>> -> memref<200xi32, #tpu.memory_space<vmem>>
      %dma_wait3A_1283 = arith.constant 0 : i32
      %dma_wait3A_1284 = arith.constant 0 : i32
      %dma_wait3A_1285 = tpu.memref_slice %arg3[%dma_wait3A_1283, %dma_wait3A_1284] : memref<1000000x64xf32, #tpu.memory_space<hbm>> -> memref<1000000x64xf32, #tpu.memory_space<hbm>>
      tpu.wait_indirect_dma semaphore(%arg9 : memref<!tpu.dma_semaphore, #tpu.memory_space<semaphore_mem>>) src(%dma_wait3A_1285 : memref<1000000x64xf32, #tpu.memory_space<hbm>>) dst(%dma_wait3A_1281 : memref<200x64xf32, #tpu.memory_space<vmem>>)
      %mul3A_1286 = arith.constant 4 : i32
      %mul3A_1287 = arith.muli %add3A_1154, %mul3A_1286 : i32
      %add3A_1288 = arith.addi %mul3A_4, %mul3A_1287 : i32
      %add3A_1289 = arith.constant 0 : i32
      %add3A_1290 = arith.addi %add3A_1288, %add3A_1289 : i32
      %dma_start3A_1291 = arith.constant 2 : i32
      %dma_start3A_1292 = arith.constant 0 : i32
      %dma_start3A_1293 = arith.constant 0 : i32
      %dma_start3A_1294 = tpu.memref_slice %arg6[%dma_start3A_1291, %dma_start3A_1292, %dma_start3A_1293] : memref<4x200x64xf32, #tpu.memory_space<vmem>> -> memref<1x200x64xf32, #tpu.memory_space<vmem>>
      %dma_start3A_1295 = tpu.memref_squeeze %dma_start3A_1294 : memref<1x200x64xf32, #tpu.memory_space<vmem>> -> memref<200x64xf32, #tpu.memory_space<vmem>>
      %dma_start3A_1296 = arith.constant 0 : i32
      %dma_start3A_1297 = arith.constant 0 : i32
      %dma_start3A_1298 = tpu.memref_slice %dma_start3A_1295[%dma_start3A_1296, %dma_start3A_1297] : memref<200x64xf32, #tpu.memory_space<vmem>> -> memref<50x64xf32, #tpu.memory_space<vmem>>
      %dma_start3A_1299 = arith.constant 0 : i32
      %dma_start3A_1300 = arith.constant 0 : i32
      %dma_start3A_1301 = tpu.memref_slice %arg4[%add3A_1290, %dma_start3A_1299, %dma_start3A_1300] : memref<16384x50x64xf32, #tpu.memory_space<hbm>> -> memref<1x50x64xf32, #tpu.memory_space<hbm>>
      %dma_start3A_1302 = tpu.memref_squeeze %dma_start3A_1301 : memref<1x50x64xf32, #tpu.memory_space<hbm>> -> memref<50x64xf32, #tpu.memory_space<hbm>>
      %dma_start3A_1303 = arith.constant 0 : i32
      %dma_start3A_1304 = arith.constant 0 : i32
      %dma_start3A_1305 = tpu.memref_slice %arg4[%add3A_1290, %dma_start3A_1303, %dma_start3A_1304] : memref<16384x50x64xf32, #tpu.memory_space<hbm>> -> memref<1x50x64xf32, #tpu.memory_space<hbm>>
      %dma_start3A_1306 = tpu.memref_squeeze %dma_start3A_1305 : memref<1x50x64xf32, #tpu.memory_space<hbm>> -> memref<50x64xf32, #tpu.memory_space<hbm>>
      %dma_start3A_1307 = arith.constant 0 : i32
      %dma_start3A_1308 = arith.constant 0 : i32
      %dma_start3A_1309 = tpu.memref_slice %arg6[%dma_start3A_1291, %dma_start3A_1307, %dma_start3A_1308] : memref<4x200x64xf32, #tpu.memory_space<vmem>> -> memref<1x200x64xf32, #tpu.memory_space<vmem>>
      %dma_start3A_1310 = tpu.memref_squeeze %dma_start3A_1309 : memref<1x200x64xf32, #tpu.memory_space<vmem>> -> memref<200x64xf32, #tpu.memory_space<vmem>>
      %dma_start3A_1311 = arith.constant 0 : i32
      %dma_start3A_1312 = arith.constant 0 : i32
      %dma_start3A_1313 = tpu.memref_slice %dma_start3A_1310[%dma_start3A_1311, %dma_start3A_1312] : memref<200x64xf32, #tpu.memory_space<vmem>> -> memref<50x64xf32, #tpu.memory_space<vmem>>
      tpu.enqueue_dma source(%dma_start3A_1313 : memref<50x64xf32, #tpu.memory_space<vmem>>) target(%dma_start3A_1306 : memref<50x64xf32, #tpu.memory_space<hbm>>) target_semaphore(%arg13 : memref<!tpu.dma_semaphore, #tpu.memory_space<semaphore_mem>>)
      %add3A_1314 = arith.constant 1 : i32
      %add3A_1315 = arith.addi %add3A_1288, %add3A_1314 : i32
      %dma_start3A_1316 = arith.constant 2 : i32
      %dma_start3A_1317 = arith.constant 0 : i32
      %dma_start3A_1318 = arith.constant 0 : i32
      %dma_start3A_1319 = tpu.memref_slice %arg6[%dma_start3A_1316, %dma_start3A_1317, %dma_start3A_1318] : memref<4x200x64xf32, #tpu.memory_space<vmem>> -> memref<1x200x64xf32, #tpu.memory_space<vmem>>
      %dma_start3A_1320 = tpu.memref_squeeze %dma_start3A_1319 : memref<1x200x64xf32, #tpu.memory_space<vmem>> -> memref<200x64xf32, #tpu.memory_space<vmem>>
      %dma_start3A_1321 = arith.constant 50 : i32
      %dma_start3A_1322 = arith.constant 0 : i32
      %dma_start3A_1323 = tpu.memref_slice %dma_start3A_1320[%dma_start3A_1321, %dma_start3A_1322] : memref<200x64xf32, #tpu.memory_space<vmem>> -> memref<50x64xf32, #tpu.memory_space<vmem>>
      %dma_start3A_1324 = arith.constant 0 : i32
      %dma_start3A_1325 = arith.constant 0 : i32
      %dma_start3A_1326 = tpu.memref_slice %arg4[%add3A_1315, %dma_start3A_1324, %dma_start3A_1325] : memref<16384x50x64xf32, #tpu.memory_space<hbm>> -> memref<1x50x64xf32, #tpu.memory_space<hbm>>
      %dma_start3A_1327 = tpu.memref_squeeze %dma_start3A_1326 : memref<1x50x64xf32, #tpu.memory_space<hbm>> -> memref<50x64xf32, #tpu.memory_space<hbm>>
      %dma_start3A_1328 = arith.constant 0 : i32
      %dma_start3A_1329 = arith.constant 0 : i32
      %dma_start3A_1330 = tpu.memref_slice %arg4[%add3A_1315, %dma_start3A_1328, %dma_start3A_1329] : memref<16384x50x64xf32, #tpu.memory_space<hbm>> -> memref<1x50x64xf32, #tpu.memory_space<hbm>>
      %dma_start3A_1331 = tpu.memref_squeeze %dma_start3A_1330 : memref<1x50x64xf32, #tpu.memory_space<hbm>> -> memref<50x64xf32, #tpu.memory_space<hbm>>
      %dma_start3A_1332 = arith.constant 0 : i32
      %dma_start3A_1333 = arith.constant 0 : i32
      %dma_start3A_1334 = tpu.memref_slice %arg6[%dma_start3A_1316, %dma_start3A_1332, %dma_start3A_1333] : memref<4x200x64xf32, #tpu.memory_space<vmem>> -> memref<1x200x64xf32, #tpu.memory_space<vmem>>
      %dma_start3A_1335 = tpu.memref_squeeze %dma_start3A_1334 : memref<1x200x64xf32, #tpu.memory_space<vmem>> -> memref<200x64xf32, #tpu.memory_space<vmem>>
      %dma_start3A_1336 = arith.constant 50 : i32
      %dma_start3A_1337 = arith.constant 0 : i32
      %dma_start3A_1338 = tpu.memref_slice %dma_start3A_1335[%dma_start3A_1336, %dma_start3A_1337] : memref<200x64xf32, #tpu.memory_space<vmem>> -> memref<50x64xf32, #tpu.memory_space<vmem>>
      tpu.enqueue_dma source(%dma_start3A_1338 : memref<50x64xf32, #tpu.memory_space<vmem>>) target(%dma_start3A_1331 : memref<50x64xf32, #tpu.memory_space<hbm>>) target_semaphore(%arg13 : memref<!tpu.dma_semaphore, #tpu.memory_space<semaphore_mem>>)
      %add3A_1339 = arith.constant 2 : i32
      %add3A_1340 = arith.addi %add3A_1288, %add3A_1339 : i32
      %dma_start3A_1341 = arith.constant 2 : i32
      %dma_start3A_1342 = arith.constant 0 : i32
      %dma_start3A_1343 = arith.constant 0 : i32
      %dma_start3A_1344 = tpu.memref_slice %arg6[%dma_start3A_1341, %dma_start3A_1342, %dma_start3A_1343] : memref<4x200x64xf32, #tpu.memory_space<vmem>> -> memref<1x200x64xf32, #tpu.memory_space<vmem>>
      %dma_start3A_1345 = tpu.memref_squeeze %dma_start3A_1344 : memref<1x200x64xf32, #tpu.memory_space<vmem>> -> memref<200x64xf32, #tpu.memory_space<vmem>>
      %dma_start3A_1346 = arith.constant 100 : i32
      %dma_start3A_1347 = arith.constant 0 : i32
      %dma_start3A_1348 = tpu.memref_slice %dma_start3A_1345[%dma_start3A_1346, %dma_start3A_1347] : memref<200x64xf32, #tpu.memory_space<vmem>> -> memref<50x64xf32, #tpu.memory_space<vmem>>
      %dma_start3A_1349 = arith.constant 0 : i32
      %dma_start3A_1350 = arith.constant 0 : i32
      %dma_start3A_1351 = tpu.memref_slice %arg4[%add3A_1340, %dma_start3A_1349, %dma_start3A_1350] : memref<16384x50x64xf32, #tpu.memory_space<hbm>> -> memref<1x50x64xf32, #tpu.memory_space<hbm>>
      %dma_start3A_1352 = tpu.memref_squeeze %dma_start3A_1351 : memref<1x50x64xf32, #tpu.memory_space<hbm>> -> memref<50x64xf32, #tpu.memory_space<hbm>>
      %dma_start3A_1353 = arith.constant 0 : i32
      %dma_start3A_1354 = arith.constant 0 : i32
      %dma_start3A_1355 = tpu.memref_slice %arg4[%add3A_1340, %dma_start3A_1353, %dma_start3A_1354] : memref<16384x50x64xf32, #tpu.memory_space<hbm>> -> memref<1x50x64xf32, #tpu.memory_space<hbm>>
      %dma_start3A_1356 = tpu.memref_squeeze %dma_start3A_1355 : memref<1x50x64xf32, #tpu.memory_space<hbm>> -> memref<50x64xf32, #tpu.memory_space<hbm>>
      %dma_start3A_1357 = arith.constant 0 : i32
      %dma_start3A_1358 = arith.constant 0 : i32
      %dma_start3A_1359 = tpu.memref_slice %arg6[%dma_start3A_1341, %dma_start3A_1357, %dma_start3A_1358] : memref<4x200x64xf32, #tpu.memory_space<vmem>> -> memref<1x200x64xf32, #tpu.memory_space<vmem>>
      %dma_start3A_1360 = tpu.memref_squeeze %dma_start3A_1359 : memref<1x200x64xf32, #tpu.memory_space<vmem>> -> memref<200x64xf32, #tpu.memory_space<vmem>>
      %dma_start3A_1361 = arith.constant 100 : i32
      %dma_start3A_1362 = arith.constant 0 : i32
      %dma_start3A_1363 = tpu.memref_slice %dma_start3A_1360[%dma_start3A_1361, %dma_start3A_1362] : memref<200x64xf32, #tpu.memory_space<vmem>> -> memref<50x64xf32, #tpu.memory_space<vmem>>
      tpu.enqueue_dma source(%dma_start3A_1363 : memref<50x64xf32, #tpu.memory_space<vmem>>) target(%dma_start3A_1356 : memref<50x64xf32, #tpu.memory_space<hbm>>) target_semaphore(%arg13 : memref<!tpu.dma_semaphore, #tpu.memory_space<semaphore_mem>>)
      %add3A_1364 = arith.constant 3 : i32
      %add3A_1365 = arith.addi %add3A_1288, %add3A_1364 : i32
      %dma_start3A_1366 = arith.constant 2 : i32
      %dma_start3A_1367 = arith.constant 0 : i32
      %dma_start3A_1368 = arith.constant 0 : i32
      %dma_start3A_1369 = tpu.memref_slice %arg6[%dma_start3A_1366, %dma_start3A_1367, %dma_start3A_1368] : memref<4x200x64xf32, #tpu.memory_space<vmem>> -> memref<1x200x64xf32, #tpu.memory_space<vmem>>
      %dma_start3A_1370 = tpu.memref_squeeze %dma_start3A_1369 : memref<1x200x64xf32, #tpu.memory_space<vmem>> -> memref<200x64xf32, #tpu.memory_space<vmem>>
      %dma_start3A_1371 = arith.constant 150 : i32
      %dma_start3A_1372 = arith.constant 0 : i32
      %dma_start3A_1373 = tpu.memref_slice %dma_start3A_1370[%dma_start3A_1371, %dma_start3A_1372] : memref<200x64xf32, #tpu.memory_space<vmem>> -> memref<50x64xf32, #tpu.memory_space<vmem>>
      %dma_start3A_1374 = arith.constant 0 : i32
      %dma_start3A_1375 = arith.constant 0 : i32
      %dma_start3A_1376 = tpu.memref_slice %arg4[%add3A_1365, %dma_start3A_1374, %dma_start3A_1375] : memref<16384x50x64xf32, #tpu.memory_space<hbm>> -> memref<1x50x64xf32, #tpu.memory_space<hbm>>
      %dma_start3A_1377 = tpu.memref_squeeze %dma_start3A_1376 : memref<1x50x64xf32, #tpu.memory_space<hbm>> -> memref<50x64xf32, #tpu.memory_space<hbm>>
      %dma_start3A_1378 = arith.constant 0 : i32
      %dma_start3A_1379 = arith.constant 0 : i32
      %dma_start3A_1380 = tpu.memref_slice %arg4[%add3A_1365, %dma_start3A_1378, %dma_start3A_1379] : memref<16384x50x64xf32, #tpu.memory_space<hbm>> -> memref<1x50x64xf32, #tpu.memory_space<hbm>>
      %dma_start3A_1381 = tpu.memref_squeeze %dma_start3A_1380 : memref<1x50x64xf32, #tpu.memory_space<hbm>> -> memref<50x64xf32, #tpu.memory_space<hbm>>
      %dma_start3A_1382 = arith.constant 0 : i32
      %dma_start3A_1383 = arith.constant 0 : i32
      %dma_start3A_1384 = tpu.memref_slice %arg6[%dma_start3A_1366, %dma_start3A_1382, %dma_start3A_1383] : memref<4x200x64xf32, #tpu.memory_space<vmem>> -> memref<1x200x64xf32, #tpu.memory_space<vmem>>
      %dma_start3A_1385 = tpu.memref_squeeze %dma_start3A_1384 : memref<1x200x64xf32, #tpu.memory_space<vmem>> -> memref<200x64xf32, #tpu.memory_space<vmem>>
      %dma_start3A_1386 = arith.constant 150 : i32
      %dma_start3A_1387 = arith.constant 0 : i32
      %dma_start3A_1388 = tpu.memref_slice %dma_start3A_1385[%dma_start3A_1386, %dma_start3A_1387] : memref<200x64xf32, #tpu.memory_space<vmem>> -> memref<50x64xf32, #tpu.memory_space<vmem>>
      tpu.enqueue_dma source(%dma_start3A_1388 : memref<50x64xf32, #tpu.memory_space<vmem>>) target(%dma_start3A_1381 : memref<50x64xf32, #tpu.memory_space<hbm>>) target_semaphore(%arg13 : memref<!tpu.dma_semaphore, #tpu.memory_space<semaphore_mem>>)
      %add3A_1389 = arith.constant 2 : i32
      %add3A_1390 = arith.addi %add3A_917, %add3A_1389 : i32
      %sub3A_1391 = arith.constant 1 : i32
      %sub3A_1392 = arith.subi %add3A_1390, %sub3A_1391 : i32
      %mul3A_1393 = arith.constant 4 : i32
      %mul3A_1394 = arith.muli %sub3A_1392, %mul3A_1393 : i32
      %add3A_1395 = arith.addi %mul3A_4, %mul3A_1394 : i32
      %add3A_1396 = arith.constant 0 : i32
      %add3A_1397 = arith.addi %add3A_1395, %add3A_1396 : i32
      %dma_wait3A_1398 = arith.constant 2 : i32
      %dma_wait3A_1399 = arith.constant 0 : i32
      %dma_wait3A_1400 = arith.constant 0 : i32
      %dma_wait3A_1401 = tpu.memref_slice %arg6[%dma_wait3A_1398, %dma_wait3A_1399, %dma_wait3A_1400] : memref<4x200x64xf32, #tpu.memory_space<vmem>> -> memref<1x200x64xf32, #tpu.memory_space<vmem>>
      %dma_wait3A_1402 = tpu.memref_squeeze %dma_wait3A_1401 : memref<1x200x64xf32, #tpu.memory_space<vmem>> -> memref<200x64xf32, #tpu.memory_space<vmem>>
      %dma_wait3A_1403 = arith.constant 0 : i32
      %dma_wait3A_1404 = arith.constant 0 : i32
      %dma_wait3A_1405 = tpu.memref_slice %dma_wait3A_1402[%dma_wait3A_1403, %dma_wait3A_1404] : memref<200x64xf32, #tpu.memory_space<vmem>> -> memref<50x64xf32, #tpu.memory_space<vmem>>
      %dma_wait3A_1406 = arith.constant 0 : i32
      %dma_wait3A_1407 = arith.constant 0 : i32
      %dma_wait3A_1408 = tpu.memref_slice %arg4[%add3A_1397, %dma_wait3A_1406, %dma_wait3A_1407] : memref<16384x50x64xf32, #tpu.memory_space<hbm>> -> memref<1x50x64xf32, #tpu.memory_space<hbm>>
      %dma_wait3A_1409 = tpu.memref_squeeze %dma_wait3A_1408 : memref<1x50x64xf32, #tpu.memory_space<hbm>> -> memref<50x64xf32, #tpu.memory_space<hbm>>
      %dma_wait3A_1410 = arith.constant 0 : i32
      %dma_wait3A_1411 = arith.constant 0 : i32
      %dma_wait3A_1412 = tpu.memref_slice %arg4[%add3A_1397, %dma_wait3A_1410, %dma_wait3A_1411] : memref<16384x50x64xf32, #tpu.memory_space<hbm>> -> memref<1x50x64xf32, #tpu.memory_space<hbm>>
      %dma_wait3A_1413 = tpu.memref_squeeze %dma_wait3A_1412 : memref<1x50x64xf32, #tpu.memory_space<hbm>> -> memref<50x64xf32, #tpu.memory_space<hbm>>
      %dma_wait3A_1414 = arith.constant 0 : i32
      %dma_wait3A_1415 = arith.constant 0 : i32
      %dma_wait3A_1416 = tpu.memref_slice %arg6[%dma_wait3A_1398, %dma_wait3A_1414, %dma_wait3A_1415] : memref<4x200x64xf32, #tpu.memory_space<vmem>> -> memref<1x200x64xf32, #tpu.memory_space<vmem>>
      %dma_wait3A_1417 = tpu.memref_squeeze %dma_wait3A_1416 : memref<1x200x64xf32, #tpu.memory_space<vmem>> -> memref<200x64xf32, #tpu.memory_space<vmem>>
      %dma_wait3A_1418 = arith.constant 0 : i32
      %dma_wait3A_1419 = arith.constant 0 : i32
      %dma_wait3A_1420 = tpu.memref_slice %dma_wait3A_1417[%dma_wait3A_1418, %dma_wait3A_1419] : memref<200x64xf32, #tpu.memory_space<vmem>> -> memref<50x64xf32, #tpu.memory_space<vmem>>
      tpu.wait_dma2 semaphore(%arg13 : memref<!tpu.dma_semaphore, #tpu.memory_space<semaphore_mem>>) src(%dma_wait3A_1420 : memref<50x64xf32, #tpu.memory_space<vmem>>) dst(%dma_wait3A_1413 : memref<50x64xf32, #tpu.memory_space<hbm>>)
      %add3A_1421 = arith.constant 1 : i32
      %add3A_1422 = arith.addi %add3A_1395, %add3A_1421 : i32
      %dma_wait3A_1423 = arith.constant 2 : i32
      %dma_wait3A_1424 = arith.constant 0 : i32
      %dma_wait3A_1425 = arith.constant 0 : i32
      %dma_wait3A_1426 = tpu.memref_slice %arg6[%dma_wait3A_1423, %dma_wait3A_1424, %dma_wait3A_1425] : memref<4x200x64xf32, #tpu.memory_space<vmem>> -> memref<1x200x64xf32, #tpu.memory_space<vmem>>
      %dma_wait3A_1427 = tpu.memref_squeeze %dma_wait3A_1426 : memref<1x200x64xf32, #tpu.memory_space<vmem>> -> memref<200x64xf32, #tpu.memory_space<vmem>>
      %dma_wait3A_1428 = arith.constant 50 : i32
      %dma_wait3A_1429 = arith.constant 0 : i32
      %dma_wait3A_1430 = tpu.memref_slice %dma_wait3A_1427[%dma_wait3A_1428, %dma_wait3A_1429] : memref<200x64xf32, #tpu.memory_space<vmem>> -> memref<50x64xf32, #tpu.memory_space<vmem>>
      %dma_wait3A_1431 = arith.constant 0 : i32
      %dma_wait3A_1432 = arith.constant 0 : i32
      %dma_wait3A_1433 = tpu.memref_slice %arg4[%add3A_1422, %dma_wait3A_1431, %dma_wait3A_1432] : memref<16384x50x64xf32, #tpu.memory_space<hbm>> -> memref<1x50x64xf32, #tpu.memory_space<hbm>>
      %dma_wait3A_1434 = tpu.memref_squeeze %dma_wait3A_1433 : memref<1x50x64xf32, #tpu.memory_space<hbm>> -> memref<50x64xf32, #tpu.memory_space<hbm>>
      %dma_wait3A_1435 = arith.constant 0 : i32
      %dma_wait3A_1436 = arith.constant 0 : i32
      %dma_wait3A_1437 = tpu.memref_slice %arg4[%add3A_1422, %dma_wait3A_1435, %dma_wait3A_1436] : memref<16384x50x64xf32, #tpu.memory_space<hbm>> -> memref<1x50x64xf32, #tpu.memory_space<hbm>>
      %dma_wait3A_1438 = tpu.memref_squeeze %dma_wait3A_1437 : memref<1x50x64xf32, #tpu.memory_space<hbm>> -> memref<50x64xf32, #tpu.memory_space<hbm>>
      %dma_wait3A_1439 = arith.constant 0 : i32
      %dma_wait3A_1440 = arith.constant 0 : i32
      %dma_wait3A_1441 = tpu.memref_slice %arg6[%dma_wait3A_1423, %dma_wait3A_1439, %dma_wait3A_1440] : memref<4x200x64xf32, #tpu.memory_space<vmem>> -> memref<1x200x64xf32, #tpu.memory_space<vmem>>
      %dma_wait3A_1442 = tpu.memref_squeeze %dma_wait3A_1441 : memref<1x200x64xf32, #tpu.memory_space<vmem>> -> memref<200x64xf32, #tpu.memory_space<vmem>>
      %dma_wait3A_1443 = arith.constant 50 : i32
      %dma_wait3A_1444 = arith.constant 0 : i32
      %dma_wait3A_1445 = tpu.memref_slice %dma_wait3A_1442[%dma_wait3A_1443, %dma_wait3A_1444] : memref<200x64xf32, #tpu.memory_space<vmem>> -> memref<50x64xf32, #tpu.memory_space<vmem>>
      tpu.wait_dma2 semaphore(%arg13 : memref<!tpu.dma_semaphore, #tpu.memory_space<semaphore_mem>>) src(%dma_wait3A_1445 : memref<50x64xf32, #tpu.memory_space<vmem>>) dst(%dma_wait3A_1438 : memref<50x64xf32, #tpu.memory_space<hbm>>)
      %add3A_1446 = arith.constant 2 : i32
      %add3A_1447 = arith.addi %add3A_1395, %add3A_1446 : i32
      %dma_wait3A_1448 = arith.constant 2 : i32
      %dma_wait3A_1449 = arith.constant 0 : i32
      %dma_wait3A_1450 = arith.constant 0 : i32
      %dma_wait3A_1451 = tpu.memref_slice %arg6[%dma_wait3A_1448, %dma_wait3A_1449, %dma_wait3A_1450] : memref<4x200x64xf32, #tpu.memory_space<vmem>> -> memref<1x200x64xf32, #tpu.memory_space<vmem>>
      %dma_wait3A_1452 = tpu.memref_squeeze %dma_wait3A_1451 : memref<1x200x64xf32, #tpu.memory_space<vmem>> -> memref<200x64xf32, #tpu.memory_space<vmem>>
      %dma_wait3A_1453 = arith.constant 100 : i32
      %dma_wait3A_1454 = arith.constant 0 : i32
      %dma_wait3A_1455 = tpu.memref_slice %dma_wait3A_1452[%dma_wait3A_1453, %dma_wait3A_1454] : memref<200x64xf32, #tpu.memory_space<vmem>> -> memref<50x64xf32, #tpu.memory_space<vmem>>
      %dma_wait3A_1456 = arith.constant 0 : i32
      %dma_wait3A_1457 = arith.constant 0 : i32
      %dma_wait3A_1458 = tpu.memref_slice %arg4[%add3A_1447, %dma_wait3A_1456, %dma_wait3A_1457] : memref<16384x50x64xf32, #tpu.memory_space<hbm>> -> memref<1x50x64xf32, #tpu.memory_space<hbm>>
      %dma_wait3A_1459 = tpu.memref_squeeze %dma_wait3A_1458 : memref<1x50x64xf32, #tpu.memory_space<hbm>> -> memref<50x64xf32, #tpu.memory_space<hbm>>
      %dma_wait3A_1460 = arith.constant 0 : i32
      %dma_wait3A_1461 = arith.constant 0 : i32
      %dma_wait3A_1462 = tpu.memref_slice %arg4[%add3A_1447, %dma_wait3A_1460, %dma_wait3A_1461] : memref<16384x50x64xf32, #tpu.memory_space<hbm>> -> memref<1x50x64xf32, #tpu.memory_space<hbm>>
      %dma_wait3A_1463 = tpu.memref_squeeze %dma_wait3A_1462 : memref<1x50x64xf32, #tpu.memory_space<hbm>> -> memref<50x64xf32, #tpu.memory_space<hbm>>
      %dma_wait3A_1464 = arith.constant 0 : i32
      %dma_wait3A_1465 = arith.constant 0 : i32
      %dma_wait3A_1466 = tpu.memref_slice %arg6[%dma_wait3A_1448, %dma_wait3A_1464, %dma_wait3A_1465] : memref<4x200x64xf32, #tpu.memory_space<vmem>> -> memref<1x200x64xf32, #tpu.memory_space<vmem>>
      %dma_wait3A_1467 = tpu.memref_squeeze %dma_wait3A_1466 : memref<1x200x64xf32, #tpu.memory_space<vmem>> -> memref<200x64xf32, #tpu.memory_space<vmem>>
      %dma_wait3A_1468 = arith.constant 100 : i32
      %dma_wait3A_1469 = arith.constant 0 : i32
      %dma_wait3A_1470 = tpu.memref_slice %dma_wait3A_1467[%dma_wait3A_1468, %dma_wait3A_1469] : memref<200x64xf32, #tpu.memory_space<vmem>> -> memref<50x64xf32, #tpu.memory_space<vmem>>
      tpu.wait_dma2 semaphore(%arg13 : memref<!tpu.dma_semaphore, #tpu.memory_space<semaphore_mem>>) src(%dma_wait3A_1470 : memref<50x64xf32, #tpu.memory_space<vmem>>) dst(%dma_wait3A_1463 : memref<50x64xf32, #tpu.memory_space<hbm>>)
      %add3A_1471 = arith.constant 3 : i32
      %add3A_1472 = arith.addi %add3A_1395, %add3A_1471 : i32
      %dma_wait3A_1473 = arith.constant 2 : i32
      %dma_wait3A_1474 = arith.constant 0 : i32
      %dma_wait3A_1475 = arith.constant 0 : i32
      %dma_wait3A_1476 = tpu.memref_slice %arg6[%dma_wait3A_1473, %dma_wait3A_1474, %dma_wait3A_1475] : memref<4x200x64xf32, #tpu.memory_space<vmem>> -> memref<1x200x64xf32, #tpu.memory_space<vmem>>
      %dma_wait3A_1477 = tpu.memref_squeeze %dma_wait3A_1476 : memref<1x200x64xf32, #tpu.memory_space<vmem>> -> memref<200x64xf32, #tpu.memory_space<vmem>>
      %dma_wait3A_1478 = arith.constant 150 : i32
      %dma_wait3A_1479 = arith.constant 0 : i32
      %dma_wait3A_1480 = tpu.memref_slice %dma_wait3A_1477[%dma_wait3A_1478, %dma_wait3A_1479] : memref<200x64xf32, #tpu.memory_space<vmem>> -> memref<50x64xf32, #tpu.memory_space<vmem>>
      %dma_wait3A_1481 = arith.constant 0 : i32
      %dma_wait3A_1482 = arith.constant 0 : i32
      %dma_wait3A_1483 = tpu.memref_slice %arg4[%add3A_1472, %dma_wait3A_1481, %dma_wait3A_1482] : memref<16384x50x64xf32, #tpu.memory_space<hbm>> -> memref<1x50x64xf32, #tpu.memory_space<hbm>>
      %dma_wait3A_1484 = tpu.memref_squeeze %dma_wait3A_1483 : memref<1x50x64xf32, #tpu.memory_space<hbm>> -> memref<50x64xf32, #tpu.memory_space<hbm>>
      %dma_wait3A_1485 = arith.constant 0 : i32
      %dma_wait3A_1486 = arith.constant 0 : i32
      %dma_wait3A_1487 = tpu.memref_slice %arg4[%add3A_1472, %dma_wait3A_1485, %dma_wait3A_1486] : memref<16384x50x64xf32, #tpu.memory_space<hbm>> -> memref<1x50x64xf32, #tpu.memory_space<hbm>>
      %dma_wait3A_1488 = tpu.memref_squeeze %dma_wait3A_1487 : memref<1x50x64xf32, #tpu.memory_space<hbm>> -> memref<50x64xf32, #tpu.memory_space<hbm>>
      %dma_wait3A_1489 = arith.constant 0 : i32
      %dma_wait3A_1490 = arith.constant 0 : i32
      %dma_wait3A_1491 = tpu.memref_slice %arg6[%dma_wait3A_1473, %dma_wait3A_1489, %dma_wait3A_1490] : memref<4x200x64xf32, #tpu.memory_space<vmem>> -> memref<1x200x64xf32, #tpu.memory_space<vmem>>
      %dma_wait3A_1492 = tpu.memref_squeeze %dma_wait3A_1491 : memref<1x200x64xf32, #tpu.memory_space<vmem>> -> memref<200x64xf32, #tpu.memory_space<vmem>>
      %dma_wait3A_1493 = arith.constant 150 : i32
      %dma_wait3A_1494 = arith.constant 0 : i32
      %dma_wait3A_1495 = tpu.memref_slice %dma_wait3A_1492[%dma_wait3A_1493, %dma_wait3A_1494] : memref<200x64xf32, #tpu.memory_space<vmem>> -> memref<50x64xf32, #tpu.memory_space<vmem>>
      tpu.wait_dma2 semaphore(%arg13 : memref<!tpu.dma_semaphore, #tpu.memory_space<semaphore_mem>>) src(%dma_wait3A_1495 : memref<50x64xf32, #tpu.memory_space<vmem>>) dst(%dma_wait3A_1488 : memref<50x64xf32, #tpu.memory_space<hbm>>)
      %add3A_1496 = arith.constant 3 : i32
      %add3A_1497 = arith.addi %add3A_1390, %add3A_1496 : i32
      %mul3A_1498 = arith.constant 200 : i32
      %mul3A_1499 = arith.muli %add3A_1497, %mul3A_1498 : i32
      %multiple_of3A_1500 = tpu.assume_multiple %mul3A_1499, 200 : i32
      %dma_start3A_1501 = arith.constant 2 : i32
      %dma_start3A_1502 = arith.constant 0 : i32
      %dma_start3A_1503 = arith.constant 0 : i32
      %dma_start3A_1504 = tpu.memref_slice %arg6[%dma_start3A_1501, %dma_start3A_1502, %dma_start3A_1503] : memref<4x200x64xf32, #tpu.memory_space<vmem>> -> memref<1x200x64xf32, #tpu.memory_space<vmem>>
      %dma_start3A_1505 = tpu.memref_squeeze %dma_start3A_1504 : memref<1x200x64xf32, #tpu.memory_space<vmem>> -> memref<200x64xf32, #tpu.memory_space<vmem>>
      %dma_start3A_1506 = tpu.memref_slice %arg5[%multiple_of3A_1500] : memref<25600xi32, #tpu.memory_space<vmem>> -> memref<200xi32, #tpu.memory_space<vmem>>
      %dma_start3A_1507 = arith.constant 0 : i32
      %dma_start3A_1508 = arith.constant 0 : i32
      %dma_start3A_1509 = tpu.memref_slice %arg3[%dma_start3A_1507, %dma_start3A_1508] : memref<1000000x64xf32, #tpu.memory_space<hbm>> -> memref<1000000x64xf32, #tpu.memory_space<hbm>>
      tpu.enqueue_indirect_dma source(%dma_start3A_1509 : memref<1000000x64xf32, #tpu.memory_space<hbm>>) target(%dma_start3A_1505 : memref<200x64xf32, #tpu.memory_space<vmem>>) offsets(%dma_start3A_1506 : memref<200xi32, #tpu.memory_space<vmem>>) semaphore(%arg9 : memref<!tpu.dma_semaphore, #tpu.memory_space<semaphore_mem>>)
      %mul3A_1510 = arith.constant 200 : i32
      %mul3A_1511 = arith.muli %add3A_1390, %mul3A_1510 : i32
      %multiple_of3A_1512 = tpu.assume_multiple %mul3A_1511, 200 : i32
      %dma_wait3A_1513 = arith.constant 3 : i32
      %dma_wait3A_1514 = arith.constant 0 : i32
      %dma_wait3A_1515 = arith.constant 0 : i32
      %dma_wait3A_1516 = tpu.memref_slice %arg6[%dma_wait3A_1513, %dma_wait3A_1514, %dma_wait3A_1515] : memref<4x200x64xf32, #tpu.memory_space<vmem>> -> memref<1x200x64xf32, #tpu.memory_space<vmem>>
      %dma_wait3A_1517 = tpu.memref_squeeze %dma_wait3A_1516 : memref<1x200x64xf32, #tpu.memory_space<vmem>> -> memref<200x64xf32, #tpu.memory_space<vmem>>
      %dma_wait3A_1518 = tpu.memref_slice %arg5[%multiple_of3A_1512] : memref<25600xi32, #tpu.memory_space<vmem>> -> memref<200xi32, #tpu.memory_space<vmem>>
      %dma_wait3A_1519 = arith.constant 0 : i32
      %dma_wait3A_1520 = arith.constant 0 : i32
      %dma_wait3A_1521 = tpu.memref_slice %arg3[%dma_wait3A_1519, %dma_wait3A_1520] : memref<1000000x64xf32, #tpu.memory_space<hbm>> -> memref<1000000x64xf32, #tpu.memory_space<hbm>>
      tpu.wait_indirect_dma semaphore(%arg10 : memref<!tpu.dma_semaphore, #tpu.memory_space<semaphore_mem>>) src(%dma_wait3A_1521 : memref<1000000x64xf32, #tpu.memory_space<hbm>>) dst(%dma_wait3A_1517 : memref<200x64xf32, #tpu.memory_space<vmem>>)
      %mul3A_1522 = arith.constant 4 : i32
      %mul3A_1523 = arith.muli %add3A_1390, %mul3A_1522 : i32
      %add3A_1524 = arith.addi %mul3A_4, %mul3A_1523 : i32
      %add3A_1525 = arith.constant 0 : i32
      %add3A_1526 = arith.addi %add3A_1524, %add3A_1525 : i32
      %dma_start3A_1527 = arith.constant 3 : i32
      %dma_start3A_1528 = arith.constant 0 : i32
      %dma_start3A_1529 = arith.constant 0 : i32
      %dma_start3A_1530 = tpu.memref_slice %arg6[%dma_start3A_1527, %dma_start3A_1528, %dma_start3A_1529] : memref<4x200x64xf32, #tpu.memory_space<vmem>> -> memref<1x200x64xf32, #tpu.memory_space<vmem>>
      %dma_start3A_1531 = tpu.memref_squeeze %dma_start3A_1530 : memref<1x200x64xf32, #tpu.memory_space<vmem>> -> memref<200x64xf32, #tpu.memory_space<vmem>>
      %dma_start3A_1532 = arith.constant 0 : i32
      %dma_start3A_1533 = arith.constant 0 : i32
      %dma_start3A_1534 = tpu.memref_slice %dma_start3A_1531[%dma_start3A_1532, %dma_start3A_1533] : memref<200x64xf32, #tpu.memory_space<vmem>> -> memref<50x64xf32, #tpu.memory_space<vmem>>
      %dma_start3A_1535 = arith.constant 0 : i32
      %dma_start3A_1536 = arith.constant 0 : i32
      %dma_start3A_1537 = tpu.memref_slice %arg4[%add3A_1526, %dma_start3A_1535, %dma_start3A_1536] : memref<16384x50x64xf32, #tpu.memory_space<hbm>> -> memref<1x50x64xf32, #tpu.memory_space<hbm>>
      %dma_start3A_1538 = tpu.memref_squeeze %dma_start3A_1537 : memref<1x50x64xf32, #tpu.memory_space<hbm>> -> memref<50x64xf32, #tpu.memory_space<hbm>>
      %dma_start3A_1539 = arith.constant 0 : i32
      %dma_start3A_1540 = arith.constant 0 : i32
      %dma_start3A_1541 = tpu.memref_slice %arg4[%add3A_1526, %dma_start3A_1539, %dma_start3A_1540] : memref<16384x50x64xf32, #tpu.memory_space<hbm>> -> memref<1x50x64xf32, #tpu.memory_space<hbm>>
      %dma_start3A_1542 = tpu.memref_squeeze %dma_start3A_1541 : memref<1x50x64xf32, #tpu.memory_space<hbm>> -> memref<50x64xf32, #tpu.memory_space<hbm>>
      %dma_start3A_1543 = arith.constant 0 : i32
      %dma_start3A_1544 = arith.constant 0 : i32
      %dma_start3A_1545 = tpu.memref_slice %arg6[%dma_start3A_1527, %dma_start3A_1543, %dma_start3A_1544] : memref<4x200x64xf32, #tpu.memory_space<vmem>> -> memref<1x200x64xf32, #tpu.memory_space<vmem>>
      %dma_start3A_1546 = tpu.memref_squeeze %dma_start3A_1545 : memref<1x200x64xf32, #tpu.memory_space<vmem>> -> memref<200x64xf32, #tpu.memory_space<vmem>>
      %dma_start3A_1547 = arith.constant 0 : i32
      %dma_start3A_1548 = arith.constant 0 : i32
      %dma_start3A_1549 = tpu.memref_slice %dma_start3A_1546[%dma_start3A_1547, %dma_start3A_1548] : memref<200x64xf32, #tpu.memory_space<vmem>> -> memref<50x64xf32, #tpu.memory_space<vmem>>
      tpu.enqueue_dma source(%dma_start3A_1549 : memref<50x64xf32, #tpu.memory_space<vmem>>) target(%dma_start3A_1542 : memref<50x64xf32, #tpu.memory_space<hbm>>) target_semaphore(%arg14 : memref<!tpu.dma_semaphore, #tpu.memory_space<semaphore_mem>>)
      %add3A_1550 = arith.constant 1 : i32
      %add3A_1551 = arith.addi %add3A_1524, %add3A_1550 : i32
      %dma_start3A_1552 = arith.constant 3 : i32
      %dma_start3A_1553 = arith.constant 0 : i32
      %dma_start3A_1554 = arith.constant 0 : i32
      %dma_start3A_1555 = tpu.memref_slice %arg6[%dma_start3A_1552, %dma_start3A_1553, %dma_start3A_1554] : memref<4x200x64xf32, #tpu.memory_space<vmem>> -> memref<1x200x64xf32, #tpu.memory_space<vmem>>
      %dma_start3A_1556 = tpu.memref_squeeze %dma_start3A_1555 : memref<1x200x64xf32, #tpu.memory_space<vmem>> -> memref<200x64xf32, #tpu.memory_space<vmem>>
      %dma_start3A_1557 = arith.constant 50 : i32
      %dma_start3A_1558 = arith.constant 0 : i32
      %dma_start3A_1559 = tpu.memref_slice %dma_start3A_1556[%dma_start3A_1557, %dma_start3A_1558] : memref<200x64xf32, #tpu.memory_space<vmem>> -> memref<50x64xf32, #tpu.memory_space<vmem>>
      %dma_start3A_1560 = arith.constant 0 : i32
      %dma_start3A_1561 = arith.constant 0 : i32
      %dma_start3A_1562 = tpu.memref_slice %arg4[%add3A_1551, %dma_start3A_1560, %dma_start3A_1561] : memref<16384x50x64xf32, #tpu.memory_space<hbm>> -> memref<1x50x64xf32, #tpu.memory_space<hbm>>
      %dma_start3A_1563 = tpu.memref_squeeze %dma_start3A_1562 : memref<1x50x64xf32, #tpu.memory_space<hbm>> -> memref<50x64xf32, #tpu.memory_space<hbm>>
      %dma_start3A_1564 = arith.constant 0 : i32
      %dma_start3A_1565 = arith.constant 0 : i32
      %dma_start3A_1566 = tpu.memref_slice %arg4[%add3A_1551, %dma_start3A_1564, %dma_start3A_1565] : memref<16384x50x64xf32, #tpu.memory_space<hbm>> -> memref<1x50x64xf32, #tpu.memory_space<hbm>>
      %dma_start3A_1567 = tpu.memref_squeeze %dma_start3A_1566 : memref<1x50x64xf32, #tpu.memory_space<hbm>> -> memref<50x64xf32, #tpu.memory_space<hbm>>
      %dma_start3A_1568 = arith.constant 0 : i32
      %dma_start3A_1569 = arith.constant 0 : i32
      %dma_start3A_1570 = tpu.memref_slice %arg6[%dma_start3A_1552, %dma_start3A_1568, %dma_start3A_1569] : memref<4x200x64xf32, #tpu.memory_space<vmem>> -> memref<1x200x64xf32, #tpu.memory_space<vmem>>
      %dma_start3A_1571 = tpu.memref_squeeze %dma_start3A_1570 : memref<1x200x64xf32, #tpu.memory_space<vmem>> -> memref<200x64xf32, #tpu.memory_space<vmem>>
      %dma_start3A_1572 = arith.constant 50 : i32
      %dma_start3A_1573 = arith.constant 0 : i32
      %dma_start3A_1574 = tpu.memref_slice %dma_start3A_1571[%dma_start3A_1572, %dma_start3A_1573] : memref<200x64xf32, #tpu.memory_space<vmem>> -> memref<50x64xf32, #tpu.memory_space<vmem>>
      tpu.enqueue_dma source(%dma_start3A_1574 : memref<50x64xf32, #tpu.memory_space<vmem>>) target(%dma_start3A_1567 : memref<50x64xf32, #tpu.memory_space<hbm>>) target_semaphore(%arg14 : memref<!tpu.dma_semaphore, #tpu.memory_space<semaphore_mem>>)
      %add3A_1575 = arith.constant 2 : i32
      %add3A_1576 = arith.addi %add3A_1524, %add3A_1575 : i32
      %dma_start3A_1577 = arith.constant 3 : i32
      %dma_start3A_1578 = arith.constant 0 : i32
      %dma_start3A_1579 = arith.constant 0 : i32
      %dma_start3A_1580 = tpu.memref_slice %arg6[%dma_start3A_1577, %dma_start3A_1578, %dma_start3A_1579] : memref<4x200x64xf32, #tpu.memory_space<vmem>> -> memref<1x200x64xf32, #tpu.memory_space<vmem>>
      %dma_start3A_1581 = tpu.memref_squeeze %dma_start3A_1580 : memref<1x200x64xf32, #tpu.memory_space<vmem>> -> memref<200x64xf32, #tpu.memory_space<vmem>>
      %dma_start3A_1582 = arith.constant 100 : i32
      %dma_start3A_1583 = arith.constant 0 : i32
      %dma_start3A_1584 = tpu.memref_slice %dma_start3A_1581[%dma_start3A_1582, %dma_start3A_1583] : memref<200x64xf32, #tpu.memory_space<vmem>> -> memref<50x64xf32, #tpu.memory_space<vmem>>
      %dma_start3A_1585 = arith.constant 0 : i32
      %dma_start3A_1586 = arith.constant 0 : i32
      %dma_start3A_1587 = tpu.memref_slice %arg4[%add3A_1576, %dma_start3A_1585, %dma_start3A_1586] : memref<16384x50x64xf32, #tpu.memory_space<hbm>> -> memref<1x50x64xf32, #tpu.memory_space<hbm>>
      %dma_start3A_1588 = tpu.memref_squeeze %dma_start3A_1587 : memref<1x50x64xf32, #tpu.memory_space<hbm>> -> memref<50x64xf32, #tpu.memory_space<hbm>>
      %dma_start3A_1589 = arith.constant 0 : i32
      %dma_start3A_1590 = arith.constant 0 : i32
      %dma_start3A_1591 = tpu.memref_slice %arg4[%add3A_1576, %dma_start3A_1589, %dma_start3A_1590] : memref<16384x50x64xf32, #tpu.memory_space<hbm>> -> memref<1x50x64xf32, #tpu.memory_space<hbm>>
      %dma_start3A_1592 = tpu.memref_squeeze %dma_start3A_1591 : memref<1x50x64xf32, #tpu.memory_space<hbm>> -> memref<50x64xf32, #tpu.memory_space<hbm>>
      %dma_start3A_1593 = arith.constant 0 : i32
      %dma_start3A_1594 = arith.constant 0 : i32
      %dma_start3A_1595 = tpu.memref_slice %arg6[%dma_start3A_1577, %dma_start3A_1593, %dma_start3A_1594] : memref<4x200x64xf32, #tpu.memory_space<vmem>> -> memref<1x200x64xf32, #tpu.memory_space<vmem>>
      %dma_start3A_1596 = tpu.memref_squeeze %dma_start3A_1595 : memref<1x200x64xf32, #tpu.memory_space<vmem>> -> memref<200x64xf32, #tpu.memory_space<vmem>>
      %dma_start3A_1597 = arith.constant 100 : i32
      %dma_start3A_1598 = arith.constant 0 : i32
      %dma_start3A_1599 = tpu.memref_slice %dma_start3A_1596[%dma_start3A_1597, %dma_start3A_1598] : memref<200x64xf32, #tpu.memory_space<vmem>> -> memref<50x64xf32, #tpu.memory_space<vmem>>
      tpu.enqueue_dma source(%dma_start3A_1599 : memref<50x64xf32, #tpu.memory_space<vmem>>) target(%dma_start3A_1592 : memref<50x64xf32, #tpu.memory_space<hbm>>) target_semaphore(%arg14 : memref<!tpu.dma_semaphore, #tpu.memory_space<semaphore_mem>>)
      %add3A_1600 = arith.constant 3 : i32
      %add3A_1601 = arith.addi %add3A_1524, %add3A_1600 : i32
      %dma_start3A_1602 = arith.constant 3 : i32
      %dma_start3A_1603 = arith.constant 0 : i32
      %dma_start3A_1604 = arith.constant 0 : i32
      %dma_start3A_1605 = tpu.memref_slice %arg6[%dma_start3A_1602, %dma_start3A_1603, %dma_start3A_1604] : memref<4x200x64xf32, #tpu.memory_space<vmem>> -> memref<1x200x64xf32, #tpu.memory_space<vmem>>
      %dma_start3A_1606 = tpu.memref_squeeze %dma_start3A_1605 : memref<1x200x64xf32, #tpu.memory_space<vmem>> -> memref<200x64xf32, #tpu.memory_space<vmem>>
      %dma_start3A_1607 = arith.constant 150 : i32
      %dma_start3A_1608 = arith.constant 0 : i32
      %dma_start3A_1609 = tpu.memref_slice %dma_start3A_1606[%dma_start3A_1607, %dma_start3A_1608] : memref<200x64xf32, #tpu.memory_space<vmem>> -> memref<50x64xf32, #tpu.memory_space<vmem>>
      %dma_start3A_1610 = arith.constant 0 : i32
      %dma_start3A_1611 = arith.constant 0 : i32
      %dma_start3A_1612 = tpu.memref_slice %arg4[%add3A_1601, %dma_start3A_1610, %dma_start3A_1611] : memref<16384x50x64xf32, #tpu.memory_space<hbm>> -> memref<1x50x64xf32, #tpu.memory_space<hbm>>
      %dma_start3A_1613 = tpu.memref_squeeze %dma_start3A_1612 : memref<1x50x64xf32, #tpu.memory_space<hbm>> -> memref<50x64xf32, #tpu.memory_space<hbm>>
      %dma_start3A_1614 = arith.constant 0 : i32
      %dma_start3A_1615 = arith.constant 0 : i32
      %dma_start3A_1616 = tpu.memref_slice %arg4[%add3A_1601, %dma_start3A_1614, %dma_start3A_1615] : memref<16384x50x64xf32, #tpu.memory_space<hbm>> -> memref<1x50x64xf32, #tpu.memory_space<hbm>>
      %dma_start3A_1617 = tpu.memref_squeeze %dma_start3A_1616 : memref<1x50x64xf32, #tpu.memory_space<hbm>> -> memref<50x64xf32, #tpu.memory_space<hbm>>
      %dma_start3A_1618 = arith.constant 0 : i32
      %dma_start3A_1619 = arith.constant 0 : i32
      %dma_start3A_1620 = tpu.memref_slice %arg6[%dma_start3A_1602, %dma_start3A_1618, %dma_start3A_1619] : memref<4x200x64xf32, #tpu.memory_space<vmem>> -> memref<1x200x64xf32, #tpu.memory_space<vmem>>
      %dma_start3A_1621 = tpu.memref_squeeze %dma_start3A_1620 : memref<1x200x64xf32, #tpu.memory_space<vmem>> -> memref<200x64xf32, #tpu.memory_space<vmem>>
      %dma_start3A_1622 = arith.constant 150 : i32
      %dma_start3A_1623 = arith.constant 0 : i32
      %dma_start3A_1624 = tpu.memref_slice %dma_start3A_1621[%dma_start3A_1622, %dma_start3A_1623] : memref<200x64xf32, #tpu.memory_space<vmem>> -> memref<50x64xf32, #tpu.memory_space<vmem>>
      tpu.enqueue_dma source(%dma_start3A_1624 : memref<50x64xf32, #tpu.memory_space<vmem>>) target(%dma_start3A_1617 : memref<50x64xf32, #tpu.memory_space<hbm>>) target_semaphore(%arg14 : memref<!tpu.dma_semaphore, #tpu.memory_space<semaphore_mem>>)
      %add3A_1625 = arith.constant 3 : i32
      %add3A_1626 = arith.addi %add3A_917, %add3A_1625 : i32
      %sub3A_1627 = arith.constant 1 : i32
      %sub3A_1628 = arith.subi %add3A_1626, %sub3A_1627 : i32
      %mul3A_1629 = arith.constant 4 : i32
      %mul3A_1630 = arith.muli %sub3A_1628, %mul3A_1629 : i32
      %add3A_1631 = arith.addi %mul3A_4, %mul3A_1630 : i32
      %add3A_1632 = arith.constant 0 : i32
      %add3A_1633 = arith.addi %add3A_1631, %add3A_1632 : i32
      %dma_wait3A_1634 = arith.constant 3 : i32
      %dma_wait3A_1635 = arith.constant 0 : i32
      %dma_wait3A_1636 = arith.constant 0 : i32
      %dma_wait3A_1637 = tpu.memref_slice %arg6[%dma_wait3A_1634, %dma_wait3A_1635, %dma_wait3A_1636] : memref<4x200x64xf32, #tpu.memory_space<vmem>> -> memref<1x200x64xf32, #tpu.memory_space<vmem>>
      %dma_wait3A_1638 = tpu.memref_squeeze %dma_wait3A_1637 : memref<1x200x64xf32, #tpu.memory_space<vmem>> -> memref<200x64xf32, #tpu.memory_space<vmem>>
      %dma_wait3A_1639 = arith.constant 0 : i32
      %dma_wait3A_1640 = arith.constant 0 : i32
      %dma_wait3A_1641 = tpu.memref_slice %dma_wait3A_1638[%dma_wait3A_1639, %dma_wait3A_1640] : memref<200x64xf32, #tpu.memory_space<vmem>> -> memref<50x64xf32, #tpu.memory_space<vmem>>
      %dma_wait3A_1642 = arith.constant 0 : i32
      %dma_wait3A_1643 = arith.constant 0 : i32
      %dma_wait3A_1644 = tpu.memref_slice %arg4[%add3A_1633, %dma_wait3A_1642, %dma_wait3A_1643] : memref<16384x50x64xf32, #tpu.memory_space<hbm>> -> memref<1x50x64xf32, #tpu.memory_space<hbm>>
      %dma_wait3A_1645 = tpu.memref_squeeze %dma_wait3A_1644 : memref<1x50x64xf32, #tpu.memory_space<hbm>> -> memref<50x64xf32, #tpu.memory_space<hbm>>
      %dma_wait3A_1646 = arith.constant 0 : i32
      %dma_wait3A_1647 = arith.constant 0 : i32
      %dma_wait3A_1648 = tpu.memref_slice %arg4[%add3A_1633, %dma_wait3A_1646, %dma_wait3A_1647] : memref<16384x50x64xf32, #tpu.memory_space<hbm>> -> memref<1x50x64xf32, #tpu.memory_space<hbm>>
      %dma_wait3A_1649 = tpu.memref_squeeze %dma_wait3A_1648 : memref<1x50x64xf32, #tpu.memory_space<hbm>> -> memref<50x64xf32, #tpu.memory_space<hbm>>
      %dma_wait3A_1650 = arith.constant 0 : i32
      %dma_wait3A_1651 = arith.constant 0 : i32
      %dma_wait3A_1652 = tpu.memref_slice %arg6[%dma_wait3A_1634, %dma_wait3A_1650, %dma_wait3A_1651] : memref<4x200x64xf32, #tpu.memory_space<vmem>> -> memref<1x200x64xf32, #tpu.memory_space<vmem>>
      %dma_wait3A_1653 = tpu.memref_squeeze %dma_wait3A_1652 : memref<1x200x64xf32, #tpu.memory_space<vmem>> -> memref<200x64xf32, #tpu.memory_space<vmem>>
      %dma_wait3A_1654 = arith.constant 0 : i32
      %dma_wait3A_1655 = arith.constant 0 : i32
      %dma_wait3A_1656 = tpu.memref_slice %dma_wait3A_1653[%dma_wait3A_1654, %dma_wait3A_1655] : memref<200x64xf32, #tpu.memory_space<vmem>> -> memref<50x64xf32, #tpu.memory_space<vmem>>
      tpu.wait_dma2 semaphore(%arg14 : memref<!tpu.dma_semaphore, #tpu.memory_space<semaphore_mem>>) src(%dma_wait3A_1656 : memref<50x64xf32, #tpu.memory_space<vmem>>) dst(%dma_wait3A_1649 : memref<50x64xf32, #tpu.memory_space<hbm>>)
      %add3A_1657 = arith.constant 1 : i32
      %add3A_1658 = arith.addi %add3A_1631, %add3A_1657 : i32
      %dma_wait3A_1659 = arith.constant 3 : i32
      %dma_wait3A_1660 = arith.constant 0 : i32
      %dma_wait3A_1661 = arith.constant 0 : i32
      %dma_wait3A_1662 = tpu.memref_slice %arg6[%dma_wait3A_1659, %dma_wait3A_1660, %dma_wait3A_1661] : memref<4x200x64xf32, #tpu.memory_space<vmem>> -> memref<1x200x64xf32, #tpu.memory_space<vmem>>
      %dma_wait3A_1663 = tpu.memref_squeeze %dma_wait3A_1662 : memref<1x200x64xf32, #tpu.memory_space<vmem>> -> memref<200x64xf32, #tpu.memory_space<vmem>>
      %dma_wait3A_1664 = arith.constant 50 : i32
      %dma_wait3A_1665 = arith.constant 0 : i32
      %dma_wait3A_1666 = tpu.memref_slice %dma_wait3A_1663[%dma_wait3A_1664, %dma_wait3A_1665] : memref<200x64xf32, #tpu.memory_space<vmem>> -> memref<50x64xf32, #tpu.memory_space<vmem>>
      %dma_wait3A_1667 = arith.constant 0 : i32
      %dma_wait3A_1668 = arith.constant 0 : i32
      %dma_wait3A_1669 = tpu.memref_slice %arg4[%add3A_1658, %dma_wait3A_1667, %dma_wait3A_1668] : memref<16384x50x64xf32, #tpu.memory_space<hbm>> -> memref<1x50x64xf32, #tpu.memory_space<hbm>>
      %dma_wait3A_1670 = tpu.memref_squeeze %dma_wait3A_1669 : memref<1x50x64xf32, #tpu.memory_space<hbm>> -> memref<50x64xf32, #tpu.memory_space<hbm>>
      %dma_wait3A_1671 = arith.constant 0 : i32
      %dma_wait3A_1672 = arith.constant 0 : i32
      %dma_wait3A_1673 = tpu.memref_slice %arg4[%add3A_1658, %dma_wait3A_1671, %dma_wait3A_1672] : memref<16384x50x64xf32, #tpu.memory_space<hbm>> -> memref<1x50x64xf32, #tpu.memory_space<hbm>>
      %dma_wait3A_1674 = tpu.memref_squeeze %dma_wait3A_1673 : memref<1x50x64xf32, #tpu.memory_space<hbm>> -> memref<50x64xf32, #tpu.memory_space<hbm>>
      %dma_wait3A_1675 = arith.constant 0 : i32
      %dma_wait3A_1676 = arith.constant 0 : i32
      %dma_wait3A_1677 = tpu.memref_slice %arg6[%dma_wait3A_1659, %dma_wait3A_1675, %dma_wait3A_1676] : memref<4x200x64xf32, #tpu.memory_space<vmem>> -> memref<1x200x64xf32, #tpu.memory_space<vmem>>
      %dma_wait3A_1678 = tpu.memref_squeeze %dma_wait3A_1677 : memref<1x200x64xf32, #tpu.memory_space<vmem>> -> memref<200x64xf32, #tpu.memory_space<vmem>>
      %dma_wait3A_1679 = arith.constant 50 : i32
      %dma_wait3A_1680 = arith.constant 0 : i32
      %dma_wait3A_1681 = tpu.memref_slice %dma_wait3A_1678[%dma_wait3A_1679, %dma_wait3A_1680] : memref<200x64xf32, #tpu.memory_space<vmem>> -> memref<50x64xf32, #tpu.memory_space<vmem>>
      tpu.wait_dma2 semaphore(%arg14 : memref<!tpu.dma_semaphore, #tpu.memory_space<semaphore_mem>>) src(%dma_wait3A_1681 : memref<50x64xf32, #tpu.memory_space<vmem>>) dst(%dma_wait3A_1674 : memref<50x64xf32, #tpu.memory_space<hbm>>)
      %add3A_1682 = arith.constant 2 : i32
      %add3A_1683 = arith.addi %add3A_1631, %add3A_1682 : i32
      %dma_wait3A_1684 = arith.constant 3 : i32
      %dma_wait3A_1685 = arith.constant 0 : i32
      %dma_wait3A_1686 = arith.constant 0 : i32
      %dma_wait3A_1687 = tpu.memref_slice %arg6[%dma_wait3A_1684, %dma_wait3A_1685, %dma_wait3A_1686] : memref<4x200x64xf32, #tpu.memory_space<vmem>> -> memref<1x200x64xf32, #tpu.memory_space<vmem>>
      %dma_wait3A_1688 = tpu.memref_squeeze %dma_wait3A_1687 : memref<1x200x64xf32, #tpu.memory_space<vmem>> -> memref<200x64xf32, #tpu.memory_space<vmem>>
      %dma_wait3A_1689 = arith.constant 100 : i32
      %dma_wait3A_1690 = arith.constant 0 : i32
      %dma_wait3A_1691 = tpu.memref_slice %dma_wait3A_1688[%dma_wait3A_1689, %dma_wait3A_1690] : memref<200x64xf32, #tpu.memory_space<vmem>> -> memref<50x64xf32, #tpu.memory_space<vmem>>
      %dma_wait3A_1692 = arith.constant 0 : i32
      %dma_wait3A_1693 = arith.constant 0 : i32
      %dma_wait3A_1694 = tpu.memref_slice %arg4[%add3A_1683, %dma_wait3A_1692, %dma_wait3A_1693] : memref<16384x50x64xf32, #tpu.memory_space<hbm>> -> memref<1x50x64xf32, #tpu.memory_space<hbm>>
      %dma_wait3A_1695 = tpu.memref_squeeze %dma_wait3A_1694 : memref<1x50x64xf32, #tpu.memory_space<hbm>> -> memref<50x64xf32, #tpu.memory_space<hbm>>
      %dma_wait3A_1696 = arith.constant 0 : i32
      %dma_wait3A_1697 = arith.constant 0 : i32
      %dma_wait3A_1698 = tpu.memref_slice %arg4[%add3A_1683, %dma_wait3A_1696, %dma_wait3A_1697] : memref<16384x50x64xf32, #tpu.memory_space<hbm>> -> memref<1x50x64xf32, #tpu.memory_space<hbm>>
      %dma_wait3A_1699 = tpu.memref_squeeze %dma_wait3A_1698 : memref<1x50x64xf32, #tpu.memory_space<hbm>> -> memref<50x64xf32, #tpu.memory_space<hbm>>
      %dma_wait3A_1700 = arith.constant 0 : i32
      %dma_wait3A_1701 = arith.constant 0 : i32
      %dma_wait3A_1702 = tpu.memref_slice %arg6[%dma_wait3A_1684, %dma_wait3A_1700, %dma_wait3A_1701] : memref<4x200x64xf32, #tpu.memory_space<vmem>> -> memref<1x200x64xf32, #tpu.memory_space<vmem>>
      %dma_wait3A_1703 = tpu.memref_squeeze %dma_wait3A_1702 : memref<1x200x64xf32, #tpu.memory_space<vmem>> -> memref<200x64xf32, #tpu.memory_space<vmem>>
      %dma_wait3A_1704 = arith.constant 100 : i32
      %dma_wait3A_1705 = arith.constant 0 : i32
      %dma_wait3A_1706 = tpu.memref_slice %dma_wait3A_1703[%dma_wait3A_1704, %dma_wait3A_1705] : memref<200x64xf32, #tpu.memory_space<vmem>> -> memref<50x64xf32, #tpu.memory_space<vmem>>
      tpu.wait_dma2 semaphore(%arg14 : memref<!tpu.dma_semaphore, #tpu.memory_space<semaphore_mem>>) src(%dma_wait3A_1706 : memref<50x64xf32, #tpu.memory_space<vmem>>) dst(%dma_wait3A_1699 : memref<50x64xf32, #tpu.memory_space<hbm>>)
      %add3A_1707 = arith.constant 3 : i32
      %add3A_1708 = arith.addi %add3A_1631, %add3A_1707 : i32
      %dma_wait3A_1709 = arith.constant 3 : i32
      %dma_wait3A_1710 = arith.constant 0 : i32
      %dma_wait3A_1711 = arith.constant 0 : i32
      %dma_wait3A_1712 = tpu.memref_slice %arg6[%dma_wait3A_1709, %dma_wait3A_1710, %dma_wait3A_1711] : memref<4x200x64xf32, #tpu.memory_space<vmem>> -> memref<1x200x64xf32, #tpu.memory_space<vmem>>
      %dma_wait3A_1713 = tpu.memref_squeeze %dma_wait3A_1712 : memref<1x200x64xf32, #tpu.memory_space<vmem>> -> memref<200x64xf32, #tpu.memory_space<vmem>>
      %dma_wait3A_1714 = arith.constant 150 : i32
      %dma_wait3A_1715 = arith.constant 0 : i32
      %dma_wait3A_1716 = tpu.memref_slice %dma_wait3A_1713[%dma_wait3A_1714, %dma_wait3A_1715] : memref<200x64xf32, #tpu.memory_space<vmem>> -> memref<50x64xf32, #tpu.memory_space<vmem>>
      %dma_wait3A_1717 = arith.constant 0 : i32
      %dma_wait3A_1718 = arith.constant 0 : i32
      %dma_wait3A_1719 = tpu.memref_slice %arg4[%add3A_1708, %dma_wait3A_1717, %dma_wait3A_1718] : memref<16384x50x64xf32, #tpu.memory_space<hbm>> -> memref<1x50x64xf32, #tpu.memory_space<hbm>>
      %dma_wait3A_1720 = tpu.memref_squeeze %dma_wait3A_1719 : memref<1x50x64xf32, #tpu.memory_space<hbm>> -> memref<50x64xf32, #tpu.memory_space<hbm>>
      %dma_wait3A_1721 = arith.constant 0 : i32
      %dma_wait3A_1722 = arith.constant 0 : i32
      %dma_wait3A_1723 = tpu.memref_slice %arg4[%add3A_1708, %dma_wait3A_1721, %dma_wait3A_1722] : memref<16384x50x64xf32, #tpu.memory_space<hbm>> -> memref<1x50x64xf32, #tpu.memory_space<hbm>>
      %dma_wait3A_1724 = tpu.memref_squeeze %dma_wait3A_1723 : memref<1x50x64xf32, #tpu.memory_space<hbm>> -> memref<50x64xf32, #tpu.memory_space<hbm>>
      %dma_wait3A_1725 = arith.constant 0 : i32
      %dma_wait3A_1726 = arith.constant 0 : i32
      %dma_wait3A_1727 = tpu.memref_slice %arg6[%dma_wait3A_1709, %dma_wait3A_1725, %dma_wait3A_1726] : memref<4x200x64xf32, #tpu.memory_space<vmem>> -> memref<1x200x64xf32, #tpu.memory_space<vmem>>
      %dma_wait3A_1728 = tpu.memref_squeeze %dma_wait3A_1727 : memref<1x200x64xf32, #tpu.memory_space<vmem>> -> memref<200x64xf32, #tpu.memory_space<vmem>>
      %dma_wait3A_1729 = arith.constant 150 : i32
      %dma_wait3A_1730 = arith.constant 0 : i32
      %dma_wait3A_1731 = tpu.memref_slice %dma_wait3A_1728[%dma_wait3A_1729, %dma_wait3A_1730] : memref<200x64xf32, #tpu.memory_space<vmem>> -> memref<50x64xf32, #tpu.memory_space<vmem>>
      tpu.wait_dma2 semaphore(%arg14 : memref<!tpu.dma_semaphore, #tpu.memory_space<semaphore_mem>>) src(%dma_wait3A_1731 : memref<50x64xf32, #tpu.memory_space<vmem>>) dst(%dma_wait3A_1724 : memref<50x64xf32, #tpu.memory_space<hbm>>)
      %add3A_1732 = arith.constant 3 : i32
      %add3A_1733 = arith.addi %add3A_1626, %add3A_1732 : i32
      %mul3A_1734 = arith.constant 200 : i32
      %mul3A_1735 = arith.muli %add3A_1733, %mul3A_1734 : i32
      %multiple_of3A_1736 = tpu.assume_multiple %mul3A_1735, 200 : i32
      %dma_start3A_1737 = arith.constant 3 : i32
      %dma_start3A_1738 = arith.constant 0 : i32
      %dma_start3A_1739 = arith.constant 0 : i32
      %dma_start3A_1740 = tpu.memref_slice %arg6[%dma_start3A_1737, %dma_start3A_1738, %dma_start3A_1739] : memref<4x200x64xf32, #tpu.memory_space<vmem>> -> memref<1x200x64xf32, #tpu.memory_space<vmem>>
      %dma_start3A_1741 = tpu.memref_squeeze %dma_start3A_1740 : memref<1x200x64xf32, #tpu.memory_space<vmem>> -> memref<200x64xf32, #tpu.memory_space<vmem>>
      %dma_start3A_1742 = tpu.memref_slice %arg5[%multiple_of3A_1736] : memref<25600xi32, #tpu.memory_space<vmem>> -> memref<200xi32, #tpu.memory_space<vmem>>
      %dma_start3A_1743 = arith.constant 0 : i32
      %dma_start3A_1744 = arith.constant 0 : i32
      %dma_start3A_1745 = tpu.memref_slice %arg3[%dma_start3A_1743, %dma_start3A_1744] : memref<1000000x64xf32, #tpu.memory_space<hbm>> -> memref<1000000x64xf32, #tpu.memory_space<hbm>>
      tpu.enqueue_indirect_dma source(%dma_start3A_1745 : memref<1000000x64xf32, #tpu.memory_space<hbm>>) target(%dma_start3A_1741 : memref<200x64xf32, #tpu.memory_space<vmem>>) offsets(%dma_start3A_1742 : memref<200xi32, #tpu.memory_space<vmem>>) semaphore(%arg10 : memref<!tpu.dma_semaphore, #tpu.memory_space<semaphore_mem>>)
      %mul3A_1746 = arith.constant 200 : i32
      %mul3A_1747 = arith.muli %add3A_1626, %mul3A_1746 : i32
      %multiple_of3A_1748 = tpu.assume_multiple %mul3A_1747, 200 : i32
      %dma_wait3A_1749 = arith.constant 0 : i32
      %dma_wait3A_1750 = arith.constant 0 : i32
      %dma_wait3A_1751 = arith.constant 0 : i32
      %dma_wait3A_1752 = tpu.memref_slice %arg6[%dma_wait3A_1749, %dma_wait3A_1750, %dma_wait3A_1751] : memref<4x200x64xf32, #tpu.memory_space<vmem>> -> memref<1x200x64xf32, #tpu.memory_space<vmem>>
      %dma_wait3A_1753 = tpu.memref_squeeze %dma_wait3A_1752 : memref<1x200x64xf32, #tpu.memory_space<vmem>> -> memref<200x64xf32, #tpu.memory_space<vmem>>
      %dma_wait3A_1754 = tpu.memref_slice %arg5[%multiple_of3A_1748] : memref<25600xi32, #tpu.memory_space<vmem>> -> memref<200xi32, #tpu.memory_space<vmem>>
      %dma_wait3A_1755 = arith.constant 0 : i32
      %dma_wait3A_1756 = arith.constant 0 : i32
      %dma_wait3A_1757 = tpu.memref_slice %arg3[%dma_wait3A_1755, %dma_wait3A_1756] : memref<1000000x64xf32, #tpu.memory_space<hbm>> -> memref<1000000x64xf32, #tpu.memory_space<hbm>>
      tpu.wait_indirect_dma semaphore(%arg7 : memref<!tpu.dma_semaphore, #tpu.memory_space<semaphore_mem>>) src(%dma_wait3A_1757 : memref<1000000x64xf32, #tpu.memory_space<hbm>>) dst(%dma_wait3A_1753 : memref<200x64xf32, #tpu.memory_space<vmem>>)
      %mul3A_1758 = arith.constant 4 : i32
      %mul3A_1759 = arith.muli %add3A_1626, %mul3A_1758 : i32
      %add3A_1760 = arith.addi %mul3A_4, %mul3A_1759 : i32
      %add3A_1761 = arith.constant 0 : i32
      %add3A_1762 = arith.addi %add3A_1760, %add3A_1761 : i32
      %dma_start3A_1763 = arith.constant 0 : i32
      %dma_start3A_1764 = arith.constant 0 : i32
      %dma_start3A_1765 = arith.constant 0 : i32
      %dma_start3A_1766 = tpu.memref_slice %arg6[%dma_start3A_1763, %dma_start3A_1764, %dma_start3A_1765] : memref<4x200x64xf32, #tpu.memory_space<vmem>> -> memref<1x200x64xf32, #tpu.memory_space<vmem>>
      %dma_start3A_1767 = tpu.memref_squeeze %dma_start3A_1766 : memref<1x200x64xf32, #tpu.memory_space<vmem>> -> memref<200x64xf32, #tpu.memory_space<vmem>>
      %dma_start3A_1768 = arith.constant 0 : i32
      %dma_start3A_1769 = arith.constant 0 : i32
      %dma_start3A_1770 = tpu.memref_slice %dma_start3A_1767[%dma_start3A_1768, %dma_start3A_1769] : memref<200x64xf32, #tpu.memory_space<vmem>> -> memref<50x64xf32, #tpu.memory_space<vmem>>
      %dma_start3A_1771 = arith.constant 0 : i32
      %dma_start3A_1772 = arith.constant 0 : i32
      %dma_start3A_1773 = tpu.memref_slice %arg4[%add3A_1762, %dma_start3A_1771, %dma_start3A_1772] : memref<16384x50x64xf32, #tpu.memory_space<hbm>> -> memref<1x50x64xf32, #tpu.memory_space<hbm>>
      %dma_start3A_1774 = tpu.memref_squeeze %dma_start3A_1773 : memref<1x50x64xf32, #tpu.memory_space<hbm>> -> memref<50x64xf32, #tpu.memory_space<hbm>>
      %dma_start3A_1775 = arith.constant 0 : i32
      %dma_start3A_1776 = arith.constant 0 : i32
      %dma_start3A_1777 = tpu.memref_slice %arg4[%add3A_1762, %dma_start3A_1775, %dma_start3A_1776] : memref<16384x50x64xf32, #tpu.memory_space<hbm>> -> memref<1x50x64xf32, #tpu.memory_space<hbm>>
      %dma_start3A_1778 = tpu.memref_squeeze %dma_start3A_1777 : memref<1x50x64xf32, #tpu.memory_space<hbm>> -> memref<50x64xf32, #tpu.memory_space<hbm>>
      %dma_start3A_1779 = arith.constant 0 : i32
      %dma_start3A_1780 = arith.constant 0 : i32
      %dma_start3A_1781 = tpu.memref_slice %arg6[%dma_start3A_1763, %dma_start3A_1779, %dma_start3A_1780] : memref<4x200x64xf32, #tpu.memory_space<vmem>> -> memref<1x200x64xf32, #tpu.memory_space<vmem>>
      %dma_start3A_1782 = tpu.memref_squeeze %dma_start3A_1781 : memref<1x200x64xf32, #tpu.memory_space<vmem>> -> memref<200x64xf32, #tpu.memory_space<vmem>>
      %dma_start3A_1783 = arith.constant 0 : i32
      %dma_start3A_1784 = arith.constant 0 : i32
      %dma_start3A_1785 = tpu.memref_slice %dma_start3A_1782[%dma_start3A_1783, %dma_start3A_1784] : memref<200x64xf32, #tpu.memory_space<vmem>> -> memref<50x64xf32, #tpu.memory_space<vmem>>
      tpu.enqueue_dma source(%dma_start3A_1785 : memref<50x64xf32, #tpu.memory_space<vmem>>) target(%dma_start3A_1778 : memref<50x64xf32, #tpu.memory_space<hbm>>) target_semaphore(%arg11 : memref<!tpu.dma_semaphore, #tpu.memory_space<semaphore_mem>>)
      %add3A_1786 = arith.constant 1 : i32
      %add3A_1787 = arith.addi %add3A_1760, %add3A_1786 : i32
      %dma_start3A_1788 = arith.constant 0 : i32
      %dma_start3A_1789 = arith.constant 0 : i32
      %dma_start3A_1790 = arith.constant 0 : i32
      %dma_start3A_1791 = tpu.memref_slice %arg6[%dma_start3A_1788, %dma_start3A_1789, %dma_start3A_1790] : memref<4x200x64xf32, #tpu.memory_space<vmem>> -> memref<1x200x64xf32, #tpu.memory_space<vmem>>
      %dma_start3A_1792 = tpu.memref_squeeze %dma_start3A_1791 : memref<1x200x64xf32, #tpu.memory_space<vmem>> -> memref<200x64xf32, #tpu.memory_space<vmem>>
      %dma_start3A_1793 = arith.constant 50 : i32
      %dma_start3A_1794 = arith.constant 0 : i32
      %dma_start3A_1795 = tpu.memref_slice %dma_start3A_1792[%dma_start3A_1793, %dma_start3A_1794] : memref<200x64xf32, #tpu.memory_space<vmem>> -> memref<50x64xf32, #tpu.memory_space<vmem>>
      %dma_start3A_1796 = arith.constant 0 : i32
      %dma_start3A_1797 = arith.constant 0 : i32
      %dma_start3A_1798 = tpu.memref_slice %arg4[%add3A_1787, %dma_start3A_1796, %dma_start3A_1797] : memref<16384x50x64xf32, #tpu.memory_space<hbm>> -> memref<1x50x64xf32, #tpu.memory_space<hbm>>
      %dma_start3A_1799 = tpu.memref_squeeze %dma_start3A_1798 : memref<1x50x64xf32, #tpu.memory_space<hbm>> -> memref<50x64xf32, #tpu.memory_space<hbm>>
      %dma_start3A_1800 = arith.constant 0 : i32
      %dma_start3A_1801 = arith.constant 0 : i32
      %dma_start3A_1802 = tpu.memref_slice %arg4[%add3A_1787, %dma_start3A_1800, %dma_start3A_1801] : memref<16384x50x64xf32, #tpu.memory_space<hbm>> -> memref<1x50x64xf32, #tpu.memory_space<hbm>>
      %dma_start3A_1803 = tpu.memref_squeeze %dma_start3A_1802 : memref<1x50x64xf32, #tpu.memory_space<hbm>> -> memref<50x64xf32, #tpu.memory_space<hbm>>
      %dma_start3A_1804 = arith.constant 0 : i32
      %dma_start3A_1805 = arith.constant 0 : i32
      %dma_start3A_1806 = tpu.memref_slice %arg6[%dma_start3A_1788, %dma_start3A_1804, %dma_start3A_1805] : memref<4x200x64xf32, #tpu.memory_space<vmem>> -> memref<1x200x64xf32, #tpu.memory_space<vmem>>
      %dma_start3A_1807 = tpu.memref_squeeze %dma_start3A_1806 : memref<1x200x64xf32, #tpu.memory_space<vmem>> -> memref<200x64xf32, #tpu.memory_space<vmem>>
      %dma_start3A_1808 = arith.constant 50 : i32
      %dma_start3A_1809 = arith.constant 0 : i32
      %dma_start3A_1810 = tpu.memref_slice %dma_start3A_1807[%dma_start3A_1808, %dma_start3A_1809] : memref<200x64xf32, #tpu.memory_space<vmem>> -> memref<50x64xf32, #tpu.memory_space<vmem>>
      tpu.enqueue_dma source(%dma_start3A_1810 : memref<50x64xf32, #tpu.memory_space<vmem>>) target(%dma_start3A_1803 : memref<50x64xf32, #tpu.memory_space<hbm>>) target_semaphore(%arg11 : memref<!tpu.dma_semaphore, #tpu.memory_space<semaphore_mem>>)
      %add3A_1811 = arith.constant 2 : i32
      %add3A_1812 = arith.addi %add3A_1760, %add3A_1811 : i32
      %dma_start3A_1813 = arith.constant 0 : i32
      %dma_start3A_1814 = arith.constant 0 : i32
      %dma_start3A_1815 = arith.constant 0 : i32
      %dma_start3A_1816 = tpu.memref_slice %arg6[%dma_start3A_1813, %dma_start3A_1814, %dma_start3A_1815] : memref<4x200x64xf32, #tpu.memory_space<vmem>> -> memref<1x200x64xf32, #tpu.memory_space<vmem>>
      %dma_start3A_1817 = tpu.memref_squeeze %dma_start3A_1816 : memref<1x200x64xf32, #tpu.memory_space<vmem>> -> memref<200x64xf32, #tpu.memory_space<vmem>>
      %dma_start3A_1818 = arith.constant 100 : i32
      %dma_start3A_1819 = arith.constant 0 : i32
      %dma_start3A_1820 = tpu.memref_slice %dma_start3A_1817[%dma_start3A_1818, %dma_start3A_1819] : memref<200x64xf32, #tpu.memory_space<vmem>> -> memref<50x64xf32, #tpu.memory_space<vmem>>
      %dma_start3A_1821 = arith.constant 0 : i32
      %dma_start3A_1822 = arith.constant 0 : i32
      %dma_start3A_1823 = tpu.memref_slice %arg4[%add3A_1812, %dma_start3A_1821, %dma_start3A_1822] : memref<16384x50x64xf32, #tpu.memory_space<hbm>> -> memref<1x50x64xf32, #tpu.memory_space<hbm>>
      %dma_start3A_1824 = tpu.memref_squeeze %dma_start3A_1823 : memref<1x50x64xf32, #tpu.memory_space<hbm>> -> memref<50x64xf32, #tpu.memory_space<hbm>>
      %dma_start3A_1825 = arith.constant 0 : i32
      %dma_start3A_1826 = arith.constant 0 : i32
      %dma_start3A_1827 = tpu.memref_slice %arg4[%add3A_1812, %dma_start3A_1825, %dma_start3A_1826] : memref<16384x50x64xf32, #tpu.memory_space<hbm>> -> memref<1x50x64xf32, #tpu.memory_space<hbm>>
      %dma_start3A_1828 = tpu.memref_squeeze %dma_start3A_1827 : memref<1x50x64xf32, #tpu.memory_space<hbm>> -> memref<50x64xf32, #tpu.memory_space<hbm>>
      %dma_start3A_1829 = arith.constant 0 : i32
      %dma_start3A_1830 = arith.constant 0 : i32
      %dma_start3A_1831 = tpu.memref_slice %arg6[%dma_start3A_1813, %dma_start3A_1829, %dma_start3A_1830] : memref<4x200x64xf32, #tpu.memory_space<vmem>> -> memref<1x200x64xf32, #tpu.memory_space<vmem>>
      %dma_start3A_1832 = tpu.memref_squeeze %dma_start3A_1831 : memref<1x200x64xf32, #tpu.memory_space<vmem>> -> memref<200x64xf32, #tpu.memory_space<vmem>>
      %dma_start3A_1833 = arith.constant 100 : i32
      %dma_start3A_1834 = arith.constant 0 : i32
      %dma_start3A_1835 = tpu.memref_slice %dma_start3A_1832[%dma_start3A_1833, %dma_start3A_1834] : memref<200x64xf32, #tpu.memory_space<vmem>> -> memref<50x64xf32, #tpu.memory_space<vmem>>
      tpu.enqueue_dma source(%dma_start3A_1835 : memref<50x64xf32, #tpu.memory_space<vmem>>) target(%dma_start3A_1828 : memref<50x64xf32, #tpu.memory_space<hbm>>) target_semaphore(%arg11 : memref<!tpu.dma_semaphore, #tpu.memory_space<semaphore_mem>>)
      %add3A_1836 = arith.constant 3 : i32
      %add3A_1837 = arith.addi %add3A_1760, %add3A_1836 : i32
      %dma_start3A_1838 = arith.constant 0 : i32
      %dma_start3A_1839 = arith.constant 0 : i32
      %dma_start3A_1840 = arith.constant 0 : i32
      %dma_start3A_1841 = tpu.memref_slice %arg6[%dma_start3A_1838, %dma_start3A_1839, %dma_start3A_1840] : memref<4x200x64xf32, #tpu.memory_space<vmem>> -> memref<1x200x64xf32, #tpu.memory_space<vmem>>
      %dma_start3A_1842 = tpu.memref_squeeze %dma_start3A_1841 : memref<1x200x64xf32, #tpu.memory_space<vmem>> -> memref<200x64xf32, #tpu.memory_space<vmem>>
      %dma_start3A_1843 = arith.constant 150 : i32
      %dma_start3A_1844 = arith.constant 0 : i32
      %dma_start3A_1845 = tpu.memref_slice %dma_start3A_1842[%dma_start3A_1843, %dma_start3A_1844] : memref<200x64xf32, #tpu.memory_space<vmem>> -> memref<50x64xf32, #tpu.memory_space<vmem>>
      %dma_start3A_1846 = arith.constant 0 : i32
      %dma_start3A_1847 = arith.constant 0 : i32
      %dma_start3A_1848 = tpu.memref_slice %arg4[%add3A_1837, %dma_start3A_1846, %dma_start3A_1847] : memref<16384x50x64xf32, #tpu.memory_space<hbm>> -> memref<1x50x64xf32, #tpu.memory_space<hbm>>
      %dma_start3A_1849 = tpu.memref_squeeze %dma_start3A_1848 : memref<1x50x64xf32, #tpu.memory_space<hbm>> -> memref<50x64xf32, #tpu.memory_space<hbm>>
      %dma_start3A_1850 = arith.constant 0 : i32
      %dma_start3A_1851 = arith.constant 0 : i32
      %dma_start3A_1852 = tpu.memref_slice %arg4[%add3A_1837, %dma_start3A_1850, %dma_start3A_1851] : memref<16384x50x64xf32, #tpu.memory_space<hbm>> -> memref<1x50x64xf32, #tpu.memory_space<hbm>>
      %dma_start3A_1853 = tpu.memref_squeeze %dma_start3A_1852 : memref<1x50x64xf32, #tpu.memory_space<hbm>> -> memref<50x64xf32, #tpu.memory_space<hbm>>
      %dma_start3A_1854 = arith.constant 0 : i32
      %dma_start3A_1855 = arith.constant 0 : i32
      %dma_start3A_1856 = tpu.memref_slice %arg6[%dma_start3A_1838, %dma_start3A_1854, %dma_start3A_1855] : memref<4x200x64xf32, #tpu.memory_space<vmem>> -> memref<1x200x64xf32, #tpu.memory_space<vmem>>
      %dma_start3A_1857 = tpu.memref_squeeze %dma_start3A_1856 : memref<1x200x64xf32, #tpu.memory_space<vmem>> -> memref<200x64xf32, #tpu.memory_space<vmem>>
      %dma_start3A_1858 = arith.constant 150 : i32
      %dma_start3A_1859 = arith.constant 0 : i32
      %dma_start3A_1860 = tpu.memref_slice %dma_start3A_1857[%dma_start3A_1858, %dma_start3A_1859] : memref<200x64xf32, #tpu.memory_space<vmem>> -> memref<50x64xf32, #tpu.memory_space<vmem>>
      tpu.enqueue_dma source(%dma_start3A_1860 : memref<50x64xf32, #tpu.memory_space<vmem>>) target(%dma_start3A_1853 : memref<50x64xf32, #tpu.memory_space<hbm>>) target_semaphore(%arg11 : memref<!tpu.dma_semaphore, #tpu.memory_space<semaphore_mem>>)
      %scan3A_1861 = arith.constant 0 : i32
      scf.yield %scan3A_1861 : i32
    }
    %scan3A_164 = arith.constant 31 : i32
    %multiple_of3A_165 = arith.constant 25000 : i32
    %multiple_of3A_166 = tpu.assume_multiple %multiple_of3A_165, 200 : i32
    %dma_wait3A_167 = arith.constant 1 : i32
    %dma_wait3A_168 = arith.constant 0 : i32
    %dma_wait3A_169 = arith.constant 0 : i32
    %dma_wait3A_170 = tpu.memref_slice %arg6[%dma_wait3A_167, %dma_wait3A_168, %dma_wait3A_169] : memref<4x200x64xf32, #tpu.memory_space<vmem>> -> memref<1x200x64xf32, #tpu.memory_space<vmem>>
    %dma_wait3A_171 = tpu.memref_squeeze %dma_wait3A_170 : memref<1x200x64xf32, #tpu.memory_space<vmem>> -> memref<200x64xf32, #tpu.memory_space<vmem>>
    %dma_wait3A_172 = tpu.memref_slice %arg5[%multiple_of3A_166] : memref<25600xi32, #tpu.memory_space<vmem>> -> memref<200xi32, #tpu.memory_space<vmem>>
    %dma_wait3A_173 = arith.constant 0 : i32
    %dma_wait3A_174 = arith.constant 0 : i32
    %dma_wait3A_175 = tpu.memref_slice %arg3[%dma_wait3A_173, %dma_wait3A_174] : memref<1000000x64xf32, #tpu.memory_space<hbm>> -> memref<1000000x64xf32, #tpu.memory_space<hbm>>
    tpu.wait_indirect_dma semaphore(%arg8 : memref<!tpu.dma_semaphore, #tpu.memory_space<semaphore_mem>>) src(%dma_wait3A_175 : memref<1000000x64xf32, #tpu.memory_space<hbm>>) dst(%dma_wait3A_171 : memref<200x64xf32, #tpu.memory_space<vmem>>)
    %add3A_176 = arith.constant 500 : i32
    %add3A_177 = arith.addi %mul3A_4, %add3A_176 : i32
    %add3A_178 = arith.constant 0 : i32
    %add3A_179 = arith.addi %add3A_177, %add3A_178 : i32
    %dma_start3A_180 = arith.constant 1 : i32
    %dma_start3A_181 = arith.constant 0 : i32
    %dma_start3A_182 = arith.constant 0 : i32
    %dma_start3A_183 = tpu.memref_slice %arg6[%dma_start3A_180, %dma_start3A_181, %dma_start3A_182] : memref<4x200x64xf32, #tpu.memory_space<vmem>> -> memref<1x200x64xf32, #tpu.memory_space<vmem>>
    %dma_start3A_184 = tpu.memref_squeeze %dma_start3A_183 : memref<1x200x64xf32, #tpu.memory_space<vmem>> -> memref<200x64xf32, #tpu.memory_space<vmem>>
    %dma_start3A_185 = arith.constant 0 : i32
    %dma_start3A_186 = arith.constant 0 : i32
    %dma_start3A_187 = tpu.memref_slice %dma_start3A_184[%dma_start3A_185, %dma_start3A_186] : memref<200x64xf32, #tpu.memory_space<vmem>> -> memref<50x64xf32, #tpu.memory_space<vmem>>
    %dma_start3A_188 = arith.constant 0 : i32
    %dma_start3A_189 = arith.constant 0 : i32
    %dma_start3A_190 = tpu.memref_slice %arg4[%add3A_179, %dma_start3A_188, %dma_start3A_189] : memref<16384x50x64xf32, #tpu.memory_space<hbm>> -> memref<1x50x64xf32, #tpu.memory_space<hbm>>
    %dma_start3A_191 = tpu.memref_squeeze %dma_start3A_190 : memref<1x50x64xf32, #tpu.memory_space<hbm>> -> memref<50x64xf32, #tpu.memory_space<hbm>>
    %dma_start3A_192 = arith.constant 0 : i32
    %dma_start3A_193 = arith.constant 0 : i32
    %dma_start3A_194 = tpu.memref_slice %arg4[%add3A_179, %dma_start3A_192, %dma_start3A_193] : memref<16384x50x64xf32, #tpu.memory_space<hbm>> -> memref<1x50x64xf32, #tpu.memory_space<hbm>>
    %dma_start3A_195 = tpu.memref_squeeze %dma_start3A_194 : memref<1x50x64xf32, #tpu.memory_space<hbm>> -> memref<50x64xf32, #tpu.memory_space<hbm>>
    %dma_start3A_196 = arith.constant 0 : i32
    %dma_start3A_197 = arith.constant 0 : i32
    %dma_start3A_198 = tpu.memref_slice %arg6[%dma_start3A_180, %dma_start3A_196, %dma_start3A_197] : memref<4x200x64xf32, #tpu.memory_space<vmem>> -> memref<1x200x64xf32, #tpu.memory_space<vmem>>
    %dma_start3A_199 = tpu.memref_squeeze %dma_start3A_198 : memref<1x200x64xf32, #tpu.memory_space<vmem>> -> memref<200x64xf32, #tpu.memory_space<vmem>>
    %dma_start3A_200 = arith.constant 0 : i32
    %dma_start3A_201 = arith.constant 0 : i32
    %dma_start3A_202 = tpu.memref_slice %dma_start3A_199[%dma_start3A_200, %dma_start3A_201] : memref<200x64xf32, #tpu.memory_space<vmem>> -> memref<50x64xf32, #tpu.memory_space<vmem>>
    tpu.enqueue_dma source(%dma_start3A_202 : memref<50x64xf32, #tpu.memory_space<vmem>>) target(%dma_start3A_195 : memref<50x64xf32, #tpu.memory_space<hbm>>) target_semaphore(%arg12 : memref<!tpu.dma_semaphore, #tpu.memory_space<semaphore_mem>>)
    %add3A_203 = arith.constant 1 : i32
    %add3A_204 = arith.addi %add3A_177, %add3A_203 : i32
    %dma_start3A_205 = arith.constant 1 : i32
    %dma_start3A_206 = arith.constant 0 : i32
    %dma_start3A_207 = arith.constant 0 : i32
    %dma_start3A_208 = tpu.memref_slice %arg6[%dma_start3A_205, %dma_start3A_206, %dma_start3A_207] : memref<4x200x64xf32, #tpu.memory_space<vmem>> -> memref<1x200x64xf32, #tpu.memory_space<vmem>>
    %dma_start3A_209 = tpu.memref_squeeze %dma_start3A_208 : memref<1x200x64xf32, #tpu.memory_space<vmem>> -> memref<200x64xf32, #tpu.memory_space<vmem>>
    %dma_start3A_210 = arith.constant 50 : i32
    %dma_start3A_211 = arith.constant 0 : i32
    %dma_start3A_212 = tpu.memref_slice %dma_start3A_209[%dma_start3A_210, %dma_start3A_211] : memref<200x64xf32, #tpu.memory_space<vmem>> -> memref<50x64xf32, #tpu.memory_space<vmem>>
    %dma_start3A_213 = arith.constant 0 : i32
    %dma_start3A_214 = arith.constant 0 : i32
    %dma_start3A_215 = tpu.memref_slice %arg4[%add3A_204, %dma_start3A_213, %dma_start3A_214] : memref<16384x50x64xf32, #tpu.memory_space<hbm>> -> memref<1x50x64xf32, #tpu.memory_space<hbm>>
    %dma_start3A_216 = tpu.memref_squeeze %dma_start3A_215 : memref<1x50x64xf32, #tpu.memory_space<hbm>> -> memref<50x64xf32, #tpu.memory_space<hbm>>
    %dma_start3A_217 = arith.constant 0 : i32
    %dma_start3A_218 = arith.constant 0 : i32
    %dma_start3A_219 = tpu.memref_slice %arg4[%add3A_204, %dma_start3A_217, %dma_start3A_218] : memref<16384x50x64xf32, #tpu.memory_space<hbm>> -> memref<1x50x64xf32, #tpu.memory_space<hbm>>
    %dma_start3A_220 = tpu.memref_squeeze %dma_start3A_219 : memref<1x50x64xf32, #tpu.memory_space<hbm>> -> memref<50x64xf32, #tpu.memory_space<hbm>>
    %dma_start3A_221 = arith.constant 0 : i32
    %dma_start3A_222 = arith.constant 0 : i32
    %dma_start3A_223 = tpu.memref_slice %arg6[%dma_start3A_205, %dma_start3A_221, %dma_start3A_222] : memref<4x200x64xf32, #tpu.memory_space<vmem>> -> memref<1x200x64xf32, #tpu.memory_space<vmem>>
    %dma_start3A_224 = tpu.memref_squeeze %dma_start3A_223 : memref<1x200x64xf32, #tpu.memory_space<vmem>> -> memref<200x64xf32, #tpu.memory_space<vmem>>
    %dma_start3A_225 = arith.constant 50 : i32
    %dma_start3A_226 = arith.constant 0 : i32
    %dma_start3A_227 = tpu.memref_slice %dma_start3A_224[%dma_start3A_225, %dma_start3A_226] : memref<200x64xf32, #tpu.memory_space<vmem>> -> memref<50x64xf32, #tpu.memory_space<vmem>>
    tpu.enqueue_dma source(%dma_start3A_227 : memref<50x64xf32, #tpu.memory_space<vmem>>) target(%dma_start3A_220 : memref<50x64xf32, #tpu.memory_space<hbm>>) target_semaphore(%arg12 : memref<!tpu.dma_semaphore, #tpu.memory_space<semaphore_mem>>)
    %add3A_228 = arith.constant 2 : i32
    %add3A_229 = arith.addi %add3A_177, %add3A_228 : i32
    %dma_start3A_230 = arith.constant 1 : i32
    %dma_start3A_231 = arith.constant 0 : i32
    %dma_start3A_232 = arith.constant 0 : i32
    %dma_start3A_233 = tpu.memref_slice %arg6[%dma_start3A_230, %dma_start3A_231, %dma_start3A_232] : memref<4x200x64xf32, #tpu.memory_space<vmem>> -> memref<1x200x64xf32, #tpu.memory_space<vmem>>
    %dma_start3A_234 = tpu.memref_squeeze %dma_start3A_233 : memref<1x200x64xf32, #tpu.memory_space<vmem>> -> memref<200x64xf32, #tpu.memory_space<vmem>>
    %dma_start3A_235 = arith.constant 100 : i32
    %dma_start3A_236 = arith.constant 0 : i32
    %dma_start3A_237 = tpu.memref_slice %dma_start3A_234[%dma_start3A_235, %dma_start3A_236] : memref<200x64xf32, #tpu.memory_space<vmem>> -> memref<50x64xf32, #tpu.memory_space<vmem>>
    %dma_start3A_238 = arith.constant 0 : i32
    %dma_start3A_239 = arith.constant 0 : i32
    %dma_start3A_240 = tpu.memref_slice %arg4[%add3A_229, %dma_start3A_238, %dma_start3A_239] : memref<16384x50x64xf32, #tpu.memory_space<hbm>> -> memref<1x50x64xf32, #tpu.memory_space<hbm>>
    %dma_start3A_241 = tpu.memref_squeeze %dma_start3A_240 : memref<1x50x64xf32, #tpu.memory_space<hbm>> -> memref<50x64xf32, #tpu.memory_space<hbm>>
    %dma_start3A_242 = arith.constant 0 : i32
    %dma_start3A_243 = arith.constant 0 : i32
    %dma_start3A_244 = tpu.memref_slice %arg4[%add3A_229, %dma_start3A_242, %dma_start3A_243] : memref<16384x50x64xf32, #tpu.memory_space<hbm>> -> memref<1x50x64xf32, #tpu.memory_space<hbm>>
    %dma_start3A_245 = tpu.memref_squeeze %dma_start3A_244 : memref<1x50x64xf32, #tpu.memory_space<hbm>> -> memref<50x64xf32, #tpu.memory_space<hbm>>
    %dma_start3A_246 = arith.constant 0 : i32
    %dma_start3A_247 = arith.constant 0 : i32
    %dma_start3A_248 = tpu.memref_slice %arg6[%dma_start3A_230, %dma_start3A_246, %dma_start3A_247] : memref<4x200x64xf32, #tpu.memory_space<vmem>> -> memref<1x200x64xf32, #tpu.memory_space<vmem>>
    %dma_start3A_249 = tpu.memref_squeeze %dma_start3A_248 : memref<1x200x64xf32, #tpu.memory_space<vmem>> -> memref<200x64xf32, #tpu.memory_space<vmem>>
    %dma_start3A_250 = arith.constant 100 : i32
    %dma_start3A_251 = arith.constant 0 : i32
    %dma_start3A_252 = tpu.memref_slice %dma_start3A_249[%dma_start3A_250, %dma_start3A_251] : memref<200x64xf32, #tpu.memory_space<vmem>> -> memref<50x64xf32, #tpu.memory_space<vmem>>
    tpu.enqueue_dma source(%dma_start3A_252 : memref<50x64xf32, #tpu.memory_space<vmem>>) target(%dma_start3A_245 : memref<50x64xf32, #tpu.memory_space<hbm>>) target_semaphore(%arg12 : memref<!tpu.dma_semaphore, #tpu.memory_space<semaphore_mem>>)
    %add3A_253 = arith.constant 3 : i32
    %add3A_254 = arith.addi %add3A_177, %add3A_253 : i32
    %dma_start3A_255 = arith.constant 1 : i32
    %dma_start3A_256 = arith.constant 0 : i32
    %dma_start3A_257 = arith.constant 0 : i32
    %dma_start3A_258 = tpu.memref_slice %arg6[%dma_start3A_255, %dma_start3A_256, %dma_start3A_257] : memref<4x200x64xf32, #tpu.memory_space<vmem>> -> memref<1x200x64xf32, #tpu.memory_space<vmem>>
    %dma_start3A_259 = tpu.memref_squeeze %dma_start3A_258 : memref<1x200x64xf32, #tpu.memory_space<vmem>> -> memref<200x64xf32, #tpu.memory_space<vmem>>
    %dma_start3A_260 = arith.constant 150 : i32
    %dma_start3A_261 = arith.constant 0 : i32
    %dma_start3A_262 = tpu.memref_slice %dma_start3A_259[%dma_start3A_260, %dma_start3A_261] : memref<200x64xf32, #tpu.memory_space<vmem>> -> memref<50x64xf32, #tpu.memory_space<vmem>>
    %dma_start3A_263 = arith.constant 0 : i32
    %dma_start3A_264 = arith.constant 0 : i32
    %dma_start3A_265 = tpu.memref_slice %arg4[%add3A_254, %dma_start3A_263, %dma_start3A_264] : memref<16384x50x64xf32, #tpu.memory_space<hbm>> -> memref<1x50x64xf32, #tpu.memory_space<hbm>>
    %dma_start3A_266 = tpu.memref_squeeze %dma_start3A_265 : memref<1x50x64xf32, #tpu.memory_space<hbm>> -> memref<50x64xf32, #tpu.memory_space<hbm>>
    %dma_start3A_267 = arith.constant 0 : i32
    %dma_start3A_268 = arith.constant 0 : i32
    %dma_start3A_269 = tpu.memref_slice %arg4[%add3A_254, %dma_start3A_267, %dma_start3A_268] : memref<16384x50x64xf32, #tpu.memory_space<hbm>> -> memref<1x50x64xf32, #tpu.memory_space<hbm>>
    %dma_start3A_270 = tpu.memref_squeeze %dma_start3A_269 : memref<1x50x64xf32, #tpu.memory_space<hbm>> -> memref<50x64xf32, #tpu.memory_space<hbm>>
    %dma_start3A_271 = arith.constant 0 : i32
    %dma_start3A_272 = arith.constant 0 : i32
    %dma_start3A_273 = tpu.memref_slice %arg6[%dma_start3A_255, %dma_start3A_271, %dma_start3A_272] : memref<4x200x64xf32, #tpu.memory_space<vmem>> -> memref<1x200x64xf32, #tpu.memory_space<vmem>>
    %dma_start3A_274 = tpu.memref_squeeze %dma_start3A_273 : memref<1x200x64xf32, #tpu.memory_space<vmem>> -> memref<200x64xf32, #tpu.memory_space<vmem>>
    %dma_start3A_275 = arith.constant 150 : i32
    %dma_start3A_276 = arith.constant 0 : i32
    %dma_start3A_277 = tpu.memref_slice %dma_start3A_274[%dma_start3A_275, %dma_start3A_276] : memref<200x64xf32, #tpu.memory_space<vmem>> -> memref<50x64xf32, #tpu.memory_space<vmem>>
    tpu.enqueue_dma source(%dma_start3A_277 : memref<50x64xf32, #tpu.memory_space<vmem>>) target(%dma_start3A_270 : memref<50x64xf32, #tpu.memory_space<hbm>>) target_semaphore(%arg12 : memref<!tpu.dma_semaphore, #tpu.memory_space<semaphore_mem>>)
    %multiple_of3A_278 = arith.constant 25200 : i32
    %multiple_of3A_279 = tpu.assume_multiple %multiple_of3A_278, 200 : i32
    %dma_wait3A_280 = arith.constant 2 : i32
    %dma_wait3A_281 = arith.constant 0 : i32
    %dma_wait3A_282 = arith.constant 0 : i32
    %dma_wait3A_283 = tpu.memref_slice %arg6[%dma_wait3A_280, %dma_wait3A_281, %dma_wait3A_282] : memref<4x200x64xf32, #tpu.memory_space<vmem>> -> memref<1x200x64xf32, #tpu.memory_space<vmem>>
    %dma_wait3A_284 = tpu.memref_squeeze %dma_wait3A_283 : memref<1x200x64xf32, #tpu.memory_space<vmem>> -> memref<200x64xf32, #tpu.memory_space<vmem>>
    %dma_wait3A_285 = tpu.memref_slice %arg5[%multiple_of3A_279] : memref<25600xi32, #tpu.memory_space<vmem>> -> memref<200xi32, #tpu.memory_space<vmem>>
    %dma_wait3A_286 = arith.constant 0 : i32
    %dma_wait3A_287 = arith.constant 0 : i32
    %dma_wait3A_288 = tpu.memref_slice %arg3[%dma_wait3A_286, %dma_wait3A_287] : memref<1000000x64xf32, #tpu.memory_space<hbm>> -> memref<1000000x64xf32, #tpu.memory_space<hbm>>
    tpu.wait_indirect_dma semaphore(%arg9 : memref<!tpu.dma_semaphore, #tpu.memory_space<semaphore_mem>>) src(%dma_wait3A_288 : memref<1000000x64xf32, #tpu.memory_space<hbm>>) dst(%dma_wait3A_284 : memref<200x64xf32, #tpu.memory_space<vmem>>)
    %add3A_289 = arith.constant 504 : i32
    %add3A_290 = arith.addi %mul3A_4, %add3A_289 : i32
    %add3A_291 = arith.constant 0 : i32
    %add3A_292 = arith.addi %add3A_290, %add3A_291 : i32
    %dma_start3A_293 = arith.constant 2 : i32
    %dma_start3A_294 = arith.constant 0 : i32
    %dma_start3A_295 = arith.constant 0 : i32
    %dma_start3A_296 = tpu.memref_slice %arg6[%dma_start3A_293, %dma_start3A_294, %dma_start3A_295] : memref<4x200x64xf32, #tpu.memory_space<vmem>> -> memref<1x200x64xf32, #tpu.memory_space<vmem>>
    %dma_start3A_297 = tpu.memref_squeeze %dma_start3A_296 : memref<1x200x64xf32, #tpu.memory_space<vmem>> -> memref<200x64xf32, #tpu.memory_space<vmem>>
    %dma_start3A_298 = arith.constant 0 : i32
    %dma_start3A_299 = arith.constant 0 : i32
    %dma_start3A_300 = tpu.memref_slice %dma_start3A_297[%dma_start3A_298, %dma_start3A_299] : memref<200x64xf32, #tpu.memory_space<vmem>> -> memref<50x64xf32, #tpu.memory_space<vmem>>
    %dma_start3A_301 = arith.constant 0 : i32
    %dma_start3A_302 = arith.constant 0 : i32
    %dma_start3A_303 = tpu.memref_slice %arg4[%add3A_292, %dma_start3A_301, %dma_start3A_302] : memref<16384x50x64xf32, #tpu.memory_space<hbm>> -> memref<1x50x64xf32, #tpu.memory_space<hbm>>
    %dma_start3A_304 = tpu.memref_squeeze %dma_start3A_303 : memref<1x50x64xf32, #tpu.memory_space<hbm>> -> memref<50x64xf32, #tpu.memory_space<hbm>>
    %dma_start3A_305 = arith.constant 0 : i32
    %dma_start3A_306 = arith.constant 0 : i32
    %dma_start3A_307 = tpu.memref_slice %arg4[%add3A_292, %dma_start3A_305, %dma_start3A_306] : memref<16384x50x64xf32, #tpu.memory_space<hbm>> -> memref<1x50x64xf32, #tpu.memory_space<hbm>>
    %dma_start3A_308 = tpu.memref_squeeze %dma_start3A_307 : memref<1x50x64xf32, #tpu.memory_space<hbm>> -> memref<50x64xf32, #tpu.memory_space<hbm>>
    %dma_start3A_309 = arith.constant 0 : i32
    %dma_start3A_310 = arith.constant 0 : i32
    %dma_start3A_311 = tpu.memref_slice %arg6[%dma_start3A_293, %dma_start3A_309, %dma_start3A_310] : memref<4x200x64xf32, #tpu.memory_space<vmem>> -> memref<1x200x64xf32, #tpu.memory_space<vmem>>
    %dma_start3A_312 = tpu.memref_squeeze %dma_start3A_311 : memref<1x200x64xf32, #tpu.memory_space<vmem>> -> memref<200x64xf32, #tpu.memory_space<vmem>>
    %dma_start3A_313 = arith.constant 0 : i32
    %dma_start3A_314 = arith.constant 0 : i32
    %dma_start3A_315 = tpu.memref_slice %dma_start3A_312[%dma_start3A_313, %dma_start3A_314] : memref<200x64xf32, #tpu.memory_space<vmem>> -> memref<50x64xf32, #tpu.memory_space<vmem>>
    tpu.enqueue_dma source(%dma_start3A_315 : memref<50x64xf32, #tpu.memory_space<vmem>>) target(%dma_start3A_308 : memref<50x64xf32, #tpu.memory_space<hbm>>) target_semaphore(%arg13 : memref<!tpu.dma_semaphore, #tpu.memory_space<semaphore_mem>>)
    %add3A_316 = arith.constant 1 : i32
    %add3A_317 = arith.addi %add3A_290, %add3A_316 : i32
    %dma_start3A_318 = arith.constant 2 : i32
    %dma_start3A_319 = arith.constant 0 : i32
    %dma_start3A_320 = arith.constant 0 : i32
    %dma_start3A_321 = tpu.memref_slice %arg6[%dma_start3A_318, %dma_start3A_319, %dma_start3A_320] : memref<4x200x64xf32, #tpu.memory_space<vmem>> -> memref<1x200x64xf32, #tpu.memory_space<vmem>>
    %dma_start3A_322 = tpu.memref_squeeze %dma_start3A_321 : memref<1x200x64xf32, #tpu.memory_space<vmem>> -> memref<200x64xf32, #tpu.memory_space<vmem>>
    %dma_start3A_323 = arith.constant 50 : i32
    %dma_start3A_324 = arith.constant 0 : i32
    %dma_start3A_325 = tpu.memref_slice %dma_start3A_322[%dma_start3A_323, %dma_start3A_324] : memref<200x64xf32, #tpu.memory_space<vmem>> -> memref<50x64xf32, #tpu.memory_space<vmem>>
    %dma_start3A_326 = arith.constant 0 : i32
    %dma_start3A_327 = arith.constant 0 : i32
    %dma_start3A_328 = tpu.memref_slice %arg4[%add3A_317, %dma_start3A_326, %dma_start3A_327] : memref<16384x50x64xf32, #tpu.memory_space<hbm>> -> memref<1x50x64xf32, #tpu.memory_space<hbm>>
    %dma_start3A_329 = tpu.memref_squeeze %dma_start3A_328 : memref<1x50x64xf32, #tpu.memory_space<hbm>> -> memref<50x64xf32, #tpu.memory_space<hbm>>
    %dma_start3A_330 = arith.constant 0 : i32
    %dma_start3A_331 = arith.constant 0 : i32
    %dma_start3A_332 = tpu.memref_slice %arg4[%add3A_317, %dma_start3A_330, %dma_start3A_331] : memref<16384x50x64xf32, #tpu.memory_space<hbm>> -> memref<1x50x64xf32, #tpu.memory_space<hbm>>
    %dma_start3A_333 = tpu.memref_squeeze %dma_start3A_332 : memref<1x50x64xf32, #tpu.memory_space<hbm>> -> memref<50x64xf32, #tpu.memory_space<hbm>>
    %dma_start3A_334 = arith.constant 0 : i32
    %dma_start3A_335 = arith.constant 0 : i32
    %dma_start3A_336 = tpu.memref_slice %arg6[%dma_start3A_318, %dma_start3A_334, %dma_start3A_335] : memref<4x200x64xf32, #tpu.memory_space<vmem>> -> memref<1x200x64xf32, #tpu.memory_space<vmem>>
    %dma_start3A_337 = tpu.memref_squeeze %dma_start3A_336 : memref<1x200x64xf32, #tpu.memory_space<vmem>> -> memref<200x64xf32, #tpu.memory_space<vmem>>
    %dma_start3A_338 = arith.constant 50 : i32
    %dma_start3A_339 = arith.constant 0 : i32
    %dma_start3A_340 = tpu.memref_slice %dma_start3A_337[%dma_start3A_338, %dma_start3A_339] : memref<200x64xf32, #tpu.memory_space<vmem>> -> memref<50x64xf32, #tpu.memory_space<vmem>>
    tpu.enqueue_dma source(%dma_start3A_340 : memref<50x64xf32, #tpu.memory_space<vmem>>) target(%dma_start3A_333 : memref<50x64xf32, #tpu.memory_space<hbm>>) target_semaphore(%arg13 : memref<!tpu.dma_semaphore, #tpu.memory_space<semaphore_mem>>)
    %add3A_341 = arith.constant 2 : i32
    %add3A_342 = arith.addi %add3A_290, %add3A_341 : i32
    %dma_start3A_343 = arith.constant 2 : i32
    %dma_start3A_344 = arith.constant 0 : i32
    %dma_start3A_345 = arith.constant 0 : i32
    %dma_start3A_346 = tpu.memref_slice %arg6[%dma_start3A_343, %dma_start3A_344, %dma_start3A_345] : memref<4x200x64xf32, #tpu.memory_space<vmem>> -> memref<1x200x64xf32, #tpu.memory_space<vmem>>
    %dma_start3A_347 = tpu.memref_squeeze %dma_start3A_346 : memref<1x200x64xf32, #tpu.memory_space<vmem>> -> memref<200x64xf32, #tpu.memory_space<vmem>>
    %dma_start3A_348 = arith.constant 100 : i32
    %dma_start3A_349 = arith.constant 0 : i32
    %dma_start3A_350 = tpu.memref_slice %dma_start3A_347[%dma_start3A_348, %dma_start3A_349] : memref<200x64xf32, #tpu.memory_space<vmem>> -> memref<50x64xf32, #tpu.memory_space<vmem>>
    %dma_start3A_351 = arith.constant 0 : i32
    %dma_start3A_352 = arith.constant 0 : i32
    %dma_start3A_353 = tpu.memref_slice %arg4[%add3A_342, %dma_start3A_351, %dma_start3A_352] : memref<16384x50x64xf32, #tpu.memory_space<hbm>> -> memref<1x50x64xf32, #tpu.memory_space<hbm>>
    %dma_start3A_354 = tpu.memref_squeeze %dma_start3A_353 : memref<1x50x64xf32, #tpu.memory_space<hbm>> -> memref<50x64xf32, #tpu.memory_space<hbm>>
    %dma_start3A_355 = arith.constant 0 : i32
    %dma_start3A_356 = arith.constant 0 : i32
    %dma_start3A_357 = tpu.memref_slice %arg4[%add3A_342, %dma_start3A_355, %dma_start3A_356] : memref<16384x50x64xf32, #tpu.memory_space<hbm>> -> memref<1x50x64xf32, #tpu.memory_space<hbm>>
    %dma_start3A_358 = tpu.memref_squeeze %dma_start3A_357 : memref<1x50x64xf32, #tpu.memory_space<hbm>> -> memref<50x64xf32, #tpu.memory_space<hbm>>
    %dma_start3A_359 = arith.constant 0 : i32
    %dma_start3A_360 = arith.constant 0 : i32
    %dma_start3A_361 = tpu.memref_slice %arg6[%dma_start3A_343, %dma_start3A_359, %dma_start3A_360] : memref<4x200x64xf32, #tpu.memory_space<vmem>> -> memref<1x200x64xf32, #tpu.memory_space<vmem>>
    %dma_start3A_362 = tpu.memref_squeeze %dma_start3A_361 : memref<1x200x64xf32, #tpu.memory_space<vmem>> -> memref<200x64xf32, #tpu.memory_space<vmem>>
    %dma_start3A_363 = arith.constant 100 : i32
    %dma_start3A_364 = arith.constant 0 : i32
    %dma_start3A_365 = tpu.memref_slice %dma_start3A_362[%dma_start3A_363, %dma_start3A_364] : memref<200x64xf32, #tpu.memory_space<vmem>> -> memref<50x64xf32, #tpu.memory_space<vmem>>
    tpu.enqueue_dma source(%dma_start3A_365 : memref<50x64xf32, #tpu.memory_space<vmem>>) target(%dma_start3A_358 : memref<50x64xf32, #tpu.memory_space<hbm>>) target_semaphore(%arg13 : memref<!tpu.dma_semaphore, #tpu.memory_space<semaphore_mem>>)
    %add3A_366 = arith.constant 3 : i32
    %add3A_367 = arith.addi %add3A_290, %add3A_366 : i32
    %dma_start3A_368 = arith.constant 2 : i32
    %dma_start3A_369 = arith.constant 0 : i32
    %dma_start3A_370 = arith.constant 0 : i32
    %dma_start3A_371 = tpu.memref_slice %arg6[%dma_start3A_368, %dma_start3A_369, %dma_start3A_370] : memref<4x200x64xf32, #tpu.memory_space<vmem>> -> memref<1x200x64xf32, #tpu.memory_space<vmem>>
    %dma_start3A_372 = tpu.memref_squeeze %dma_start3A_371 : memref<1x200x64xf32, #tpu.memory_space<vmem>> -> memref<200x64xf32, #tpu.memory_space<vmem>>
    %dma_start3A_373 = arith.constant 150 : i32
    %dma_start3A_374 = arith.constant 0 : i32
    %dma_start3A_375 = tpu.memref_slice %dma_start3A_372[%dma_start3A_373, %dma_start3A_374] : memref<200x64xf32, #tpu.memory_space<vmem>> -> memref<50x64xf32, #tpu.memory_space<vmem>>
    %dma_start3A_376 = arith.constant 0 : i32
    %dma_start3A_377 = arith.constant 0 : i32
    %dma_start3A_378 = tpu.memref_slice %arg4[%add3A_367, %dma_start3A_376, %dma_start3A_377] : memref<16384x50x64xf32, #tpu.memory_space<hbm>> -> memref<1x50x64xf32, #tpu.memory_space<hbm>>
    %dma_start3A_379 = tpu.memref_squeeze %dma_start3A_378 : memref<1x50x64xf32, #tpu.memory_space<hbm>> -> memref<50x64xf32, #tpu.memory_space<hbm>>
    %dma_start3A_380 = arith.constant 0 : i32
    %dma_start3A_381 = arith.constant 0 : i32
    %dma_start3A_382 = tpu.memref_slice %arg4[%add3A_367, %dma_start3A_380, %dma_start3A_381] : memref<16384x50x64xf32, #tpu.memory_space<hbm>> -> memref<1x50x64xf32, #tpu.memory_space<hbm>>
    %dma_start3A_383 = tpu.memref_squeeze %dma_start3A_382 : memref<1x50x64xf32, #tpu.memory_space<hbm>> -> memref<50x64xf32, #tpu.memory_space<hbm>>
    %dma_start3A_384 = arith.constant 0 : i32
    %dma_start3A_385 = arith.constant 0 : i32
    %dma_start3A_386 = tpu.memref_slice %arg6[%dma_start3A_368, %dma_start3A_384, %dma_start3A_385] : memref<4x200x64xf32, #tpu.memory_space<vmem>> -> memref<1x200x64xf32, #tpu.memory_space<vmem>>
    %dma_start3A_387 = tpu.memref_squeeze %dma_start3A_386 : memref<1x200x64xf32, #tpu.memory_space<vmem>> -> memref<200x64xf32, #tpu.memory_space<vmem>>
    %dma_start3A_388 = arith.constant 150 : i32
    %dma_start3A_389 = arith.constant 0 : i32
    %dma_start3A_390 = tpu.memref_slice %dma_start3A_387[%dma_start3A_388, %dma_start3A_389] : memref<200x64xf32, #tpu.memory_space<vmem>> -> memref<50x64xf32, #tpu.memory_space<vmem>>
    tpu.enqueue_dma source(%dma_start3A_390 : memref<50x64xf32, #tpu.memory_space<vmem>>) target(%dma_start3A_383 : memref<50x64xf32, #tpu.memory_space<hbm>>) target_semaphore(%arg13 : memref<!tpu.dma_semaphore, #tpu.memory_space<semaphore_mem>>)
    %multiple_of3A_391 = arith.constant 25400 : i32
    %multiple_of3A_392 = tpu.assume_multiple %multiple_of3A_391, 200 : i32
    %dma_wait3A_393 = arith.constant 3 : i32
    %dma_wait3A_394 = arith.constant 0 : i32
    %dma_wait3A_395 = arith.constant 0 : i32
    %dma_wait3A_396 = tpu.memref_slice %arg6[%dma_wait3A_393, %dma_wait3A_394, %dma_wait3A_395] : memref<4x200x64xf32, #tpu.memory_space<vmem>> -> memref<1x200x64xf32, #tpu.memory_space<vmem>>
    %dma_wait3A_397 = tpu.memref_squeeze %dma_wait3A_396 : memref<1x200x64xf32, #tpu.memory_space<vmem>> -> memref<200x64xf32, #tpu.memory_space<vmem>>
    %dma_wait3A_398 = tpu.memref_slice %arg5[%multiple_of3A_392] : memref<25600xi32, #tpu.memory_space<vmem>> -> memref<200xi32, #tpu.memory_space<vmem>>
    %dma_wait3A_399 = arith.constant 0 : i32
    %dma_wait3A_400 = arith.constant 0 : i32
    %dma_wait3A_401 = tpu.memref_slice %arg3[%dma_wait3A_399, %dma_wait3A_400] : memref<1000000x64xf32, #tpu.memory_space<hbm>> -> memref<1000000x64xf32, #tpu.memory_space<hbm>>
    tpu.wait_indirect_dma semaphore(%arg10 : memref<!tpu.dma_semaphore, #tpu.memory_space<semaphore_mem>>) src(%dma_wait3A_401 : memref<1000000x64xf32, #tpu.memory_space<hbm>>) dst(%dma_wait3A_397 : memref<200x64xf32, #tpu.memory_space<vmem>>)
    %add3A_402 = arith.constant 508 : i32
    %add3A_403 = arith.addi %mul3A_4, %add3A_402 : i32
    %add3A_404 = arith.constant 0 : i32
    %add3A_405 = arith.addi %add3A_403, %add3A_404 : i32
    %dma_start3A_406 = arith.constant 3 : i32
    %dma_start3A_407 = arith.constant 0 : i32
    %dma_start3A_408 = arith.constant 0 : i32
    %dma_start3A_409 = tpu.memref_slice %arg6[%dma_start3A_406, %dma_start3A_407, %dma_start3A_408] : memref<4x200x64xf32, #tpu.memory_space<vmem>> -> memref<1x200x64xf32, #tpu.memory_space<vmem>>
    %dma_start3A_410 = tpu.memref_squeeze %dma_start3A_409 : memref<1x200x64xf32, #tpu.memory_space<vmem>> -> memref<200x64xf32, #tpu.memory_space<vmem>>
    %dma_start3A_411 = arith.constant 0 : i32
    %dma_start3A_412 = arith.constant 0 : i32
    %dma_start3A_413 = tpu.memref_slice %dma_start3A_410[%dma_start3A_411, %dma_start3A_412] : memref<200x64xf32, #tpu.memory_space<vmem>> -> memref<50x64xf32, #tpu.memory_space<vmem>>
    %dma_start3A_414 = arith.constant 0 : i32
    %dma_start3A_415 = arith.constant 0 : i32
    %dma_start3A_416 = tpu.memref_slice %arg4[%add3A_405, %dma_start3A_414, %dma_start3A_415] : memref<16384x50x64xf32, #tpu.memory_space<hbm>> -> memref<1x50x64xf32, #tpu.memory_space<hbm>>
    %dma_start3A_417 = tpu.memref_squeeze %dma_start3A_416 : memref<1x50x64xf32, #tpu.memory_space<hbm>> -> memref<50x64xf32, #tpu.memory_space<hbm>>
    %dma_start3A_418 = arith.constant 0 : i32
    %dma_start3A_419 = arith.constant 0 : i32
    %dma_start3A_420 = tpu.memref_slice %arg4[%add3A_405, %dma_start3A_418, %dma_start3A_419] : memref<16384x50x64xf32, #tpu.memory_space<hbm>> -> memref<1x50x64xf32, #tpu.memory_space<hbm>>
    %dma_start3A_421 = tpu.memref_squeeze %dma_start3A_420 : memref<1x50x64xf32, #tpu.memory_space<hbm>> -> memref<50x64xf32, #tpu.memory_space<hbm>>
    %dma_start3A_422 = arith.constant 0 : i32
    %dma_start3A_423 = arith.constant 0 : i32
    %dma_start3A_424 = tpu.memref_slice %arg6[%dma_start3A_406, %dma_start3A_422, %dma_start3A_423] : memref<4x200x64xf32, #tpu.memory_space<vmem>> -> memref<1x200x64xf32, #tpu.memory_space<vmem>>
    %dma_start3A_425 = tpu.memref_squeeze %dma_start3A_424 : memref<1x200x64xf32, #tpu.memory_space<vmem>> -> memref<200x64xf32, #tpu.memory_space<vmem>>
    %dma_start3A_426 = arith.constant 0 : i32
    %dma_start3A_427 = arith.constant 0 : i32
    %dma_start3A_428 = tpu.memref_slice %dma_start3A_425[%dma_start3A_426, %dma_start3A_427] : memref<200x64xf32, #tpu.memory_space<vmem>> -> memref<50x64xf32, #tpu.memory_space<vmem>>
    tpu.enqueue_dma source(%dma_start3A_428 : memref<50x64xf32, #tpu.memory_space<vmem>>) target(%dma_start3A_421 : memref<50x64xf32, #tpu.memory_space<hbm>>) target_semaphore(%arg14 : memref<!tpu.dma_semaphore, #tpu.memory_space<semaphore_mem>>)
    %add3A_429 = arith.constant 1 : i32
    %add3A_430 = arith.addi %add3A_403, %add3A_429 : i32
    %dma_start3A_431 = arith.constant 3 : i32
    %dma_start3A_432 = arith.constant 0 : i32
    %dma_start3A_433 = arith.constant 0 : i32
    %dma_start3A_434 = tpu.memref_slice %arg6[%dma_start3A_431, %dma_start3A_432, %dma_start3A_433] : memref<4x200x64xf32, #tpu.memory_space<vmem>> -> memref<1x200x64xf32, #tpu.memory_space<vmem>>
    %dma_start3A_435 = tpu.memref_squeeze %dma_start3A_434 : memref<1x200x64xf32, #tpu.memory_space<vmem>> -> memref<200x64xf32, #tpu.memory_space<vmem>>
    %dma_start3A_436 = arith.constant 50 : i32
    %dma_start3A_437 = arith.constant 0 : i32
    %dma_start3A_438 = tpu.memref_slice %dma_start3A_435[%dma_start3A_436, %dma_start3A_437] : memref<200x64xf32, #tpu.memory_space<vmem>> -> memref<50x64xf32, #tpu.memory_space<vmem>>
    %dma_start3A_439 = arith.constant 0 : i32
    %dma_start3A_440 = arith.constant 0 : i32
    %dma_start3A_441 = tpu.memref_slice %arg4[%add3A_430, %dma_start3A_439, %dma_start3A_440] : memref<16384x50x64xf32, #tpu.memory_space<hbm>> -> memref<1x50x64xf32, #tpu.memory_space<hbm>>
    %dma_start3A_442 = tpu.memref_squeeze %dma_start3A_441 : memref<1x50x64xf32, #tpu.memory_space<hbm>> -> memref<50x64xf32, #tpu.memory_space<hbm>>
    %dma_start3A_443 = arith.constant 0 : i32
    %dma_start3A_444 = arith.constant 0 : i32
    %dma_start3A_445 = tpu.memref_slice %arg4[%add3A_430, %dma_start3A_443, %dma_start3A_444] : memref<16384x50x64xf32, #tpu.memory_space<hbm>> -> memref<1x50x64xf32, #tpu.memory_space<hbm>>
    %dma_start3A_446 = tpu.memref_squeeze %dma_start3A_445 : memref<1x50x64xf32, #tpu.memory_space<hbm>> -> memref<50x64xf32, #tpu.memory_space<hbm>>
    %dma_start3A_447 = arith.constant 0 : i32
    %dma_start3A_448 = arith.constant 0 : i32
    %dma_start3A_449 = tpu.memref_slice %arg6[%dma_start3A_431, %dma_start3A_447, %dma_start3A_448] : memref<4x200x64xf32, #tpu.memory_space<vmem>> -> memref<1x200x64xf32, #tpu.memory_space<vmem>>
    %dma_start3A_450 = tpu.memref_squeeze %dma_start3A_449 : memref<1x200x64xf32, #tpu.memory_space<vmem>> -> memref<200x64xf32, #tpu.memory_space<vmem>>
    %dma_start3A_451 = arith.constant 50 : i32
    %dma_start3A_452 = arith.constant 0 : i32
    %dma_start3A_453 = tpu.memref_slice %dma_start3A_450[%dma_start3A_451, %dma_start3A_452] : memref<200x64xf32, #tpu.memory_space<vmem>> -> memref<50x64xf32, #tpu.memory_space<vmem>>
    tpu.enqueue_dma source(%dma_start3A_453 : memref<50x64xf32, #tpu.memory_space<vmem>>) target(%dma_start3A_446 : memref<50x64xf32, #tpu.memory_space<hbm>>) target_semaphore(%arg14 : memref<!tpu.dma_semaphore, #tpu.memory_space<semaphore_mem>>)
    %add3A_454 = arith.constant 2 : i32
    %add3A_455 = arith.addi %add3A_403, %add3A_454 : i32
    %dma_start3A_456 = arith.constant 3 : i32
    %dma_start3A_457 = arith.constant 0 : i32
    %dma_start3A_458 = arith.constant 0 : i32
    %dma_start3A_459 = tpu.memref_slice %arg6[%dma_start3A_456, %dma_start3A_457, %dma_start3A_458] : memref<4x200x64xf32, #tpu.memory_space<vmem>> -> memref<1x200x64xf32, #tpu.memory_space<vmem>>
    %dma_start3A_460 = tpu.memref_squeeze %dma_start3A_459 : memref<1x200x64xf32, #tpu.memory_space<vmem>> -> memref<200x64xf32, #tpu.memory_space<vmem>>
    %dma_start3A_461 = arith.constant 100 : i32
    %dma_start3A_462 = arith.constant 0 : i32
    %dma_start3A_463 = tpu.memref_slice %dma_start3A_460[%dma_start3A_461, %dma_start3A_462] : memref<200x64xf32, #tpu.memory_space<vmem>> -> memref<50x64xf32, #tpu.memory_space<vmem>>
    %dma_start3A_464 = arith.constant 0 : i32
    %dma_start3A_465 = arith.constant 0 : i32
    %dma_start3A_466 = tpu.memref_slice %arg4[%add3A_455, %dma_start3A_464, %dma_start3A_465] : memref<16384x50x64xf32, #tpu.memory_space<hbm>> -> memref<1x50x64xf32, #tpu.memory_space<hbm>>
    %dma_start3A_467 = tpu.memref_squeeze %dma_start3A_466 : memref<1x50x64xf32, #tpu.memory_space<hbm>> -> memref<50x64xf32, #tpu.memory_space<hbm>>
    %dma_start3A_468 = arith.constant 0 : i32
    %dma_start3A_469 = arith.constant 0 : i32
    %dma_start3A_470 = tpu.memref_slice %arg4[%add3A_455, %dma_start3A_468, %dma_start3A_469] : memref<16384x50x64xf32, #tpu.memory_space<hbm>> -> memref<1x50x64xf32, #tpu.memory_space<hbm>>
    %dma_start3A_471 = tpu.memref_squeeze %dma_start3A_470 : memref<1x50x64xf32, #tpu.memory_space<hbm>> -> memref<50x64xf32, #tpu.memory_space<hbm>>
    %dma_start3A_472 = arith.constant 0 : i32
    %dma_start3A_473 = arith.constant 0 : i32
    %dma_start3A_474 = tpu.memref_slice %arg6[%dma_start3A_456, %dma_start3A_472, %dma_start3A_473] : memref<4x200x64xf32, #tpu.memory_space<vmem>> -> memref<1x200x64xf32, #tpu.memory_space<vmem>>
    %dma_start3A_475 = tpu.memref_squeeze %dma_start3A_474 : memref<1x200x64xf32, #tpu.memory_space<vmem>> -> memref<200x64xf32, #tpu.memory_space<vmem>>
    %dma_start3A_476 = arith.constant 100 : i32
    %dma_start3A_477 = arith.constant 0 : i32
    %dma_start3A_478 = tpu.memref_slice %dma_start3A_475[%dma_start3A_476, %dma_start3A_477] : memref<200x64xf32, #tpu.memory_space<vmem>> -> memref<50x64xf32, #tpu.memory_space<vmem>>
    tpu.enqueue_dma source(%dma_start3A_478 : memref<50x64xf32, #tpu.memory_space<vmem>>) target(%dma_start3A_471 : memref<50x64xf32, #tpu.memory_space<hbm>>) target_semaphore(%arg14 : memref<!tpu.dma_semaphore, #tpu.memory_space<semaphore_mem>>)
    %add3A_479 = arith.constant 3 : i32
    %add3A_480 = arith.addi %add3A_403, %add3A_479 : i32
    %dma_start3A_481 = arith.constant 3 : i32
    %dma_start3A_482 = arith.constant 0 : i32
    %dma_start3A_483 = arith.constant 0 : i32
    %dma_start3A_484 = tpu.memref_slice %arg6[%dma_start3A_481, %dma_start3A_482, %dma_start3A_483] : memref<4x200x64xf32, #tpu.memory_space<vmem>> -> memref<1x200x64xf32, #tpu.memory_space<vmem>>
    %dma_start3A_485 = tpu.memref_squeeze %dma_start3A_484 : memref<1x200x64xf32, #tpu.memory_space<vmem>> -> memref<200x64xf32, #tpu.memory_space<vmem>>
    %dma_start3A_486 = arith.constant 150 : i32
    %dma_start3A_487 = arith.constant 0 : i32
    %dma_start3A_488 = tpu.memref_slice %dma_start3A_485[%dma_start3A_486, %dma_start3A_487] : memref<200x64xf32, #tpu.memory_space<vmem>> -> memref<50x64xf32, #tpu.memory_space<vmem>>
    %dma_start3A_489 = arith.constant 0 : i32
    %dma_start3A_490 = arith.constant 0 : i32
    %dma_start3A_491 = tpu.memref_slice %arg4[%add3A_480, %dma_start3A_489, %dma_start3A_490] : memref<16384x50x64xf32, #tpu.memory_space<hbm>> -> memref<1x50x64xf32, #tpu.memory_space<hbm>>
    %dma_start3A_492 = tpu.memref_squeeze %dma_start3A_491 : memref<1x50x64xf32, #tpu.memory_space<hbm>> -> memref<50x64xf32, #tpu.memory_space<hbm>>
    %dma_start3A_493 = arith.constant 0 : i32
    %dma_start3A_494 = arith.constant 0 : i32
    %dma_start3A_495 = tpu.memref_slice %arg4[%add3A_480, %dma_start3A_493, %dma_start3A_494] : memref<16384x50x64xf32, #tpu.memory_space<hbm>> -> memref<1x50x64xf32, #tpu.memory_space<hbm>>
    %dma_start3A_496 = tpu.memref_squeeze %dma_start3A_495 : memref<1x50x64xf32, #tpu.memory_space<hbm>> -> memref<50x64xf32, #tpu.memory_space<hbm>>
    %dma_start3A_497 = arith.constant 0 : i32
    %dma_start3A_498 = arith.constant 0 : i32
    %dma_start3A_499 = tpu.memref_slice %arg6[%dma_start3A_481, %dma_start3A_497, %dma_start3A_498] : memref<4x200x64xf32, #tpu.memory_space<vmem>> -> memref<1x200x64xf32, #tpu.memory_space<vmem>>
    %dma_start3A_500 = tpu.memref_squeeze %dma_start3A_499 : memref<1x200x64xf32, #tpu.memory_space<vmem>> -> memref<200x64xf32, #tpu.memory_space<vmem>>
    %dma_start3A_501 = arith.constant 150 : i32
    %dma_start3A_502 = arith.constant 0 : i32
    %dma_start3A_503 = tpu.memref_slice %dma_start3A_500[%dma_start3A_501, %dma_start3A_502] : memref<200x64xf32, #tpu.memory_space<vmem>> -> memref<50x64xf32, #tpu.memory_space<vmem>>
    tpu.enqueue_dma source(%dma_start3A_503 : memref<50x64xf32, #tpu.memory_space<vmem>>) target(%dma_start3A_496 : memref<50x64xf32, #tpu.memory_space<hbm>>) target_semaphore(%arg14 : memref<!tpu.dma_semaphore, #tpu.memory_space<semaphore_mem>>)
    %add3A_504 = arith.constant 496 : i32
    %add3A_505 = arith.addi %mul3A_4, %add3A_504 : i32
    %add3A_506 = arith.constant 0 : i32
    %add3A_507 = arith.addi %add3A_505, %add3A_506 : i32
    %dma_wait3A_508 = arith.constant 0 : i32
    %dma_wait3A_509 = arith.constant 0 : i32
    %dma_wait3A_510 = arith.constant 0 : i32
    %dma_wait3A_511 = tpu.memref_slice %arg6[%dma_wait3A_508, %dma_wait3A_509, %dma_wait3A_510] : memref<4x200x64xf32, #tpu.memory_space<vmem>> -> memref<1x200x64xf32, #tpu.memory_space<vmem>>
    %dma_wait3A_512 = tpu.memref_squeeze %dma_wait3A_511 : memref<1x200x64xf32, #tpu.memory_space<vmem>> -> memref<200x64xf32, #tpu.memory_space<vmem>>
    %dma_wait3A_513 = arith.constant 0 : i32
    %dma_wait3A_514 = arith.constant 0 : i32
    %dma_wait3A_515 = tpu.memref_slice %dma_wait3A_512[%dma_wait3A_513, %dma_wait3A_514] : memref<200x64xf32, #tpu.memory_space<vmem>> -> memref<50x64xf32, #tpu.memory_space<vmem>>
    %dma_wait3A_516 = arith.constant 0 : i32
    %dma_wait3A_517 = arith.constant 0 : i32
    %dma_wait3A_518 = tpu.memref_slice %arg4[%add3A_507, %dma_wait3A_516, %dma_wait3A_517] : memref<16384x50x64xf32, #tpu.memory_space<hbm>> -> memref<1x50x64xf32, #tpu.memory_space<hbm>>
    %dma_wait3A_519 = tpu.memref_squeeze %dma_wait3A_518 : memref<1x50x64xf32, #tpu.memory_space<hbm>> -> memref<50x64xf32, #tpu.memory_space<hbm>>
    %dma_wait3A_520 = arith.constant 0 : i32
    %dma_wait3A_521 = arith.constant 0 : i32
    %dma_wait3A_522 = tpu.memref_slice %arg4[%add3A_507, %dma_wait3A_520, %dma_wait3A_521] : memref<16384x50x64xf32, #tpu.memory_space<hbm>> -> memref<1x50x64xf32, #tpu.memory_space<hbm>>
    %dma_wait3A_523 = tpu.memref_squeeze %dma_wait3A_522 : memref<1x50x64xf32, #tpu.memory_space<hbm>> -> memref<50x64xf32, #tpu.memory_space<hbm>>
    %dma_wait3A_524 = arith.constant 0 : i32
    %dma_wait3A_525 = arith.constant 0 : i32
    %dma_wait3A_526 = tpu.memref_slice %arg6[%dma_wait3A_508, %dma_wait3A_524, %dma_wait3A_525] : memref<4x200x64xf32, #tpu.memory_space<vmem>> -> memref<1x200x64xf32, #tpu.memory_space<vmem>>
    %dma_wait3A_527 = tpu.memref_squeeze %dma_wait3A_526 : memref<1x200x64xf32, #tpu.memory_space<vmem>> -> memref<200x64xf32, #tpu.memory_space<vmem>>
    %dma_wait3A_528 = arith.constant 0 : i32
    %dma_wait3A_529 = arith.constant 0 : i32
    %dma_wait3A_530 = tpu.memref_slice %dma_wait3A_527[%dma_wait3A_528, %dma_wait3A_529] : memref<200x64xf32, #tpu.memory_space<vmem>> -> memref<50x64xf32, #tpu.memory_space<vmem>>
    tpu.wait_dma2 semaphore(%arg11 : memref<!tpu.dma_semaphore, #tpu.memory_space<semaphore_mem>>) src(%dma_wait3A_530 : memref<50x64xf32, #tpu.memory_space<vmem>>) dst(%dma_wait3A_523 : memref<50x64xf32, #tpu.memory_space<hbm>>)
    %add3A_531 = arith.constant 1 : i32
    %add3A_532 = arith.addi %add3A_505, %add3A_531 : i32
    %dma_wait3A_533 = arith.constant 0 : i32
    %dma_wait3A_534 = arith.constant 0 : i32
    %dma_wait3A_535 = arith.constant 0 : i32
    %dma_wait3A_536 = tpu.memref_slice %arg6[%dma_wait3A_533, %dma_wait3A_534, %dma_wait3A_535] : memref<4x200x64xf32, #tpu.memory_space<vmem>> -> memref<1x200x64xf32, #tpu.memory_space<vmem>>
    %dma_wait3A_537 = tpu.memref_squeeze %dma_wait3A_536 : memref<1x200x64xf32, #tpu.memory_space<vmem>> -> memref<200x64xf32, #tpu.memory_space<vmem>>
    %dma_wait3A_538 = arith.constant 50 : i32
    %dma_wait3A_539 = arith.constant 0 : i32
    %dma_wait3A_540 = tpu.memref_slice %dma_wait3A_537[%dma_wait3A_538, %dma_wait3A_539] : memref<200x64xf32, #tpu.memory_space<vmem>> -> memref<50x64xf32, #tpu.memory_space<vmem>>
    %dma_wait3A_541 = arith.constant 0 : i32
    %dma_wait3A_542 = arith.constant 0 : i32
    %dma_wait3A_543 = tpu.memref_slice %arg4[%add3A_532, %dma_wait3A_541, %dma_wait3A_542] : memref<16384x50x64xf32, #tpu.memory_space<hbm>> -> memref<1x50x64xf32, #tpu.memory_space<hbm>>
    %dma_wait3A_544 = tpu.memref_squeeze %dma_wait3A_543 : memref<1x50x64xf32, #tpu.memory_space<hbm>> -> memref<50x64xf32, #tpu.memory_space<hbm>>
    %dma_wait3A_545 = arith.constant 0 : i32
    %dma_wait3A_546 = arith.constant 0 : i32
    %dma_wait3A_547 = tpu.memref_slice %arg4[%add3A_532, %dma_wait3A_545, %dma_wait3A_546] : memref<16384x50x64xf32, #tpu.memory_space<hbm>> -> memref<1x50x64xf32, #tpu.memory_space<hbm>>
    %dma_wait3A_548 = tpu.memref_squeeze %dma_wait3A_547 : memref<1x50x64xf32, #tpu.memory_space<hbm>> -> memref<50x64xf32, #tpu.memory_space<hbm>>
    %dma_wait3A_549 = arith.constant 0 : i32
    %dma_wait3A_550 = arith.constant 0 : i32
    %dma_wait3A_551 = tpu.memref_slice %arg6[%dma_wait3A_533, %dma_wait3A_549, %dma_wait3A_550] : memref<4x200x64xf32, #tpu.memory_space<vmem>> -> memref<1x200x64xf32, #tpu.memory_space<vmem>>
    %dma_wait3A_552 = tpu.memref_squeeze %dma_wait3A_551 : memref<1x200x64xf32, #tpu.memory_space<vmem>> -> memref<200x64xf32, #tpu.memory_space<vmem>>
    %dma_wait3A_553 = arith.constant 50 : i32
    %dma_wait3A_554 = arith.constant 0 : i32
    %dma_wait3A_555 = tpu.memref_slice %dma_wait3A_552[%dma_wait3A_553, %dma_wait3A_554] : memref<200x64xf32, #tpu.memory_space<vmem>> -> memref<50x64xf32, #tpu.memory_space<vmem>>
    tpu.wait_dma2 semaphore(%arg11 : memref<!tpu.dma_semaphore, #tpu.memory_space<semaphore_mem>>) src(%dma_wait3A_555 : memref<50x64xf32, #tpu.memory_space<vmem>>) dst(%dma_wait3A_548 : memref<50x64xf32, #tpu.memory_space<hbm>>)
    %add3A_556 = arith.constant 2 : i32
    %add3A_557 = arith.addi %add3A_505, %add3A_556 : i32
    %dma_wait3A_558 = arith.constant 0 : i32
    %dma_wait3A_559 = arith.constant 0 : i32
    %dma_wait3A_560 = arith.constant 0 : i32
    %dma_wait3A_561 = tpu.memref_slice %arg6[%dma_wait3A_558, %dma_wait3A_559, %dma_wait3A_560] : memref<4x200x64xf32, #tpu.memory_space<vmem>> -> memref<1x200x64xf32, #tpu.memory_space<vmem>>
    %dma_wait3A_562 = tpu.memref_squeeze %dma_wait3A_561 : memref<1x200x64xf32, #tpu.memory_space<vmem>> -> memref<200x64xf32, #tpu.memory_space<vmem>>
    %dma_wait3A_563 = arith.constant 100 : i32
    %dma_wait3A_564 = arith.constant 0 : i32
    %dma_wait3A_565 = tpu.memref_slice %dma_wait3A_562[%dma_wait3A_563, %dma_wait3A_564] : memref<200x64xf32, #tpu.memory_space<vmem>> -> memref<50x64xf32, #tpu.memory_space<vmem>>
    %dma_wait3A_566 = arith.constant 0 : i32
    %dma_wait3A_567 = arith.constant 0 : i32
    %dma_wait3A_568 = tpu.memref_slice %arg4[%add3A_557, %dma_wait3A_566, %dma_wait3A_567] : memref<16384x50x64xf32, #tpu.memory_space<hbm>> -> memref<1x50x64xf32, #tpu.memory_space<hbm>>
    %dma_wait3A_569 = tpu.memref_squeeze %dma_wait3A_568 : memref<1x50x64xf32, #tpu.memory_space<hbm>> -> memref<50x64xf32, #tpu.memory_space<hbm>>
    %dma_wait3A_570 = arith.constant 0 : i32
    %dma_wait3A_571 = arith.constant 0 : i32
    %dma_wait3A_572 = tpu.memref_slice %arg4[%add3A_557, %dma_wait3A_570, %dma_wait3A_571] : memref<16384x50x64xf32, #tpu.memory_space<hbm>> -> memref<1x50x64xf32, #tpu.memory_space<hbm>>
    %dma_wait3A_573 = tpu.memref_squeeze %dma_wait3A_572 : memref<1x50x64xf32, #tpu.memory_space<hbm>> -> memref<50x64xf32, #tpu.memory_space<hbm>>
    %dma_wait3A_574 = arith.constant 0 : i32
    %dma_wait3A_575 = arith.constant 0 : i32
    %dma_wait3A_576 = tpu.memref_slice %arg6[%dma_wait3A_558, %dma_wait3A_574, %dma_wait3A_575] : memref<4x200x64xf32, #tpu.memory_space<vmem>> -> memref<1x200x64xf32, #tpu.memory_space<vmem>>
    %dma_wait3A_577 = tpu.memref_squeeze %dma_wait3A_576 : memref<1x200x64xf32, #tpu.memory_space<vmem>> -> memref<200x64xf32, #tpu.memory_space<vmem>>
    %dma_wait3A_578 = arith.constant 100 : i32
    %dma_wait3A_579 = arith.constant 0 : i32
    %dma_wait3A_580 = tpu.memref_slice %dma_wait3A_577[%dma_wait3A_578, %dma_wait3A_579] : memref<200x64xf32, #tpu.memory_space<vmem>> -> memref<50x64xf32, #tpu.memory_space<vmem>>
    tpu.wait_dma2 semaphore(%arg11 : memref<!tpu.dma_semaphore, #tpu.memory_space<semaphore_mem>>) src(%dma_wait3A_580 : memref<50x64xf32, #tpu.memory_space<vmem>>) dst(%dma_wait3A_573 : memref<50x64xf32, #tpu.memory_space<hbm>>)
    %add3A_581 = arith.constant 3 : i32
    %add3A_582 = arith.addi %add3A_505, %add3A_581 : i32
    %dma_wait3A_583 = arith.constant 0 : i32
    %dma_wait3A_584 = arith.constant 0 : i32
    %dma_wait3A_585 = arith.constant 0 : i32
    %dma_wait3A_586 = tpu.memref_slice %arg6[%dma_wait3A_583, %dma_wait3A_584, %dma_wait3A_585] : memref<4x200x64xf32, #tpu.memory_space<vmem>> -> memref<1x200x64xf32, #tpu.memory_space<vmem>>
    %dma_wait3A_587 = tpu.memref_squeeze %dma_wait3A_586 : memref<1x200x64xf32, #tpu.memory_space<vmem>> -> memref<200x64xf32, #tpu.memory_space<vmem>>
    %dma_wait3A_588 = arith.constant 150 : i32
    %dma_wait3A_589 = arith.constant 0 : i32
    %dma_wait3A_590 = tpu.memref_slice %dma_wait3A_587[%dma_wait3A_588, %dma_wait3A_589] : memref<200x64xf32, #tpu.memory_space<vmem>> -> memref<50x64xf32, #tpu.memory_space<vmem>>
    %dma_wait3A_591 = arith.constant 0 : i32
    %dma_wait3A_592 = arith.constant 0 : i32
    %dma_wait3A_593 = tpu.memref_slice %arg4[%add3A_582, %dma_wait3A_591, %dma_wait3A_592] : memref<16384x50x64xf32, #tpu.memory_space<hbm>> -> memref<1x50x64xf32, #tpu.memory_space<hbm>>
    %dma_wait3A_594 = tpu.memref_squeeze %dma_wait3A_593 : memref<1x50x64xf32, #tpu.memory_space<hbm>> -> memref<50x64xf32, #tpu.memory_space<hbm>>
    %dma_wait3A_595 = arith.constant 0 : i32
    %dma_wait3A_596 = arith.constant 0 : i32
    %dma_wait3A_597 = tpu.memref_slice %arg4[%add3A_582, %dma_wait3A_595, %dma_wait3A_596] : memref<16384x50x64xf32, #tpu.memory_space<hbm>> -> memref<1x50x64xf32, #tpu.memory_space<hbm>>
    %dma_wait3A_598 = tpu.memref_squeeze %dma_wait3A_597 : memref<1x50x64xf32, #tpu.memory_space<hbm>> -> memref<50x64xf32, #tpu.memory_space<hbm>>
    %dma_wait3A_599 = arith.constant 0 : i32
    %dma_wait3A_600 = arith.constant 0 : i32
    %dma_wait3A_601 = tpu.memref_slice %arg6[%dma_wait3A_583, %dma_wait3A_599, %dma_wait3A_600] : memref<4x200x64xf32, #tpu.memory_space<vmem>> -> memref<1x200x64xf32, #tpu.memory_space<vmem>>
    %dma_wait3A_602 = tpu.memref_squeeze %dma_wait3A_601 : memref<1x200x64xf32, #tpu.memory_space<vmem>> -> memref<200x64xf32, #tpu.memory_space<vmem>>
    %dma_wait3A_603 = arith.constant 150 : i32
    %dma_wait3A_604 = arith.constant 0 : i32
    %dma_wait3A_605 = tpu.memref_slice %dma_wait3A_602[%dma_wait3A_603, %dma_wait3A_604] : memref<200x64xf32, #tpu.memory_space<vmem>> -> memref<50x64xf32, #tpu.memory_space<vmem>>
    tpu.wait_dma2 semaphore(%arg11 : memref<!tpu.dma_semaphore, #tpu.memory_space<semaphore_mem>>) src(%dma_wait3A_605 : memref<50x64xf32, #tpu.memory_space<vmem>>) dst(%dma_wait3A_598 : memref<50x64xf32, #tpu.memory_space<hbm>>)
    %add3A_606 = arith.constant 500 : i32
    %add3A_607 = arith.addi %mul3A_4, %add3A_606 : i32
    %add3A_608 = arith.constant 0 : i32
    %add3A_609 = arith.addi %add3A_607, %add3A_608 : i32
    %dma_wait3A_610 = arith.constant 1 : i32
    %dma_wait3A_611 = arith.constant 0 : i32
    %dma_wait3A_612 = arith.constant 0 : i32
    %dma_wait3A_613 = tpu.memref_slice %arg6[%dma_wait3A_610, %dma_wait3A_611, %dma_wait3A_612] : memref<4x200x64xf32, #tpu.memory_space<vmem>> -> memref<1x200x64xf32, #tpu.memory_space<vmem>>
    %dma_wait3A_614 = tpu.memref_squeeze %dma_wait3A_613 : memref<1x200x64xf32, #tpu.memory_space<vmem>> -> memref<200x64xf32, #tpu.memory_space<vmem>>
    %dma_wait3A_615 = arith.constant 0 : i32
    %dma_wait3A_616 = arith.constant 0 : i32
    %dma_wait3A_617 = tpu.memref_slice %dma_wait3A_614[%dma_wait3A_615, %dma_wait3A_616] : memref<200x64xf32, #tpu.memory_space<vmem>> -> memref<50x64xf32, #tpu.memory_space<vmem>>
    %dma_wait3A_618 = arith.constant 0 : i32
    %dma_wait3A_619 = arith.constant 0 : i32
    %dma_wait3A_620 = tpu.memref_slice %arg4[%add3A_609, %dma_wait3A_618, %dma_wait3A_619] : memref<16384x50x64xf32, #tpu.memory_space<hbm>> -> memref<1x50x64xf32, #tpu.memory_space<hbm>>
    %dma_wait3A_621 = tpu.memref_squeeze %dma_wait3A_620 : memref<1x50x64xf32, #tpu.memory_space<hbm>> -> memref<50x64xf32, #tpu.memory_space<hbm>>
    %dma_wait3A_622 = arith.constant 0 : i32
    %dma_wait3A_623 = arith.constant 0 : i32
    %dma_wait3A_624 = tpu.memref_slice %arg4[%add3A_609, %dma_wait3A_622, %dma_wait3A_623] : memref<16384x50x64xf32, #tpu.memory_space<hbm>> -> memref<1x50x64xf32, #tpu.memory_space<hbm>>
    %dma_wait3A_625 = tpu.memref_squeeze %dma_wait3A_624 : memref<1x50x64xf32, #tpu.memory_space<hbm>> -> memref<50x64xf32, #tpu.memory_space<hbm>>
    %dma_wait3A_626 = arith.constant 0 : i32
    %dma_wait3A_627 = arith.constant 0 : i32
    %dma_wait3A_628 = tpu.memref_slice %arg6[%dma_wait3A_610, %dma_wait3A_626, %dma_wait3A_627] : memref<4x200x64xf32, #tpu.memory_space<vmem>> -> memref<1x200x64xf32, #tpu.memory_space<vmem>>
    %dma_wait3A_629 = tpu.memref_squeeze %dma_wait3A_628 : memref<1x200x64xf32, #tpu.memory_space<vmem>> -> memref<200x64xf32, #tpu.memory_space<vmem>>
    %dma_wait3A_630 = arith.constant 0 : i32
    %dma_wait3A_631 = arith.constant 0 : i32
    %dma_wait3A_632 = tpu.memref_slice %dma_wait3A_629[%dma_wait3A_630, %dma_wait3A_631] : memref<200x64xf32, #tpu.memory_space<vmem>> -> memref<50x64xf32, #tpu.memory_space<vmem>>
    tpu.wait_dma2 semaphore(%arg12 : memref<!tpu.dma_semaphore, #tpu.memory_space<semaphore_mem>>) src(%dma_wait3A_632 : memref<50x64xf32, #tpu.memory_space<vmem>>) dst(%dma_wait3A_625 : memref<50x64xf32, #tpu.memory_space<hbm>>)
    %add3A_633 = arith.constant 1 : i32
    %add3A_634 = arith.addi %add3A_607, %add3A_633 : i32
    %dma_wait3A_635 = arith.constant 1 : i32
    %dma_wait3A_636 = arith.constant 0 : i32
    %dma_wait3A_637 = arith.constant 0 : i32
    %dma_wait3A_638 = tpu.memref_slice %arg6[%dma_wait3A_635, %dma_wait3A_636, %dma_wait3A_637] : memref<4x200x64xf32, #tpu.memory_space<vmem>> -> memref<1x200x64xf32, #tpu.memory_space<vmem>>
    %dma_wait3A_639 = tpu.memref_squeeze %dma_wait3A_638 : memref<1x200x64xf32, #tpu.memory_space<vmem>> -> memref<200x64xf32, #tpu.memory_space<vmem>>
    %dma_wait3A_640 = arith.constant 50 : i32
    %dma_wait3A_641 = arith.constant 0 : i32
    %dma_wait3A_642 = tpu.memref_slice %dma_wait3A_639[%dma_wait3A_640, %dma_wait3A_641] : memref<200x64xf32, #tpu.memory_space<vmem>> -> memref<50x64xf32, #tpu.memory_space<vmem>>
    %dma_wait3A_643 = arith.constant 0 : i32
    %dma_wait3A_644 = arith.constant 0 : i32
    %dma_wait3A_645 = tpu.memref_slice %arg4[%add3A_634, %dma_wait3A_643, %dma_wait3A_644] : memref<16384x50x64xf32, #tpu.memory_space<hbm>> -> memref<1x50x64xf32, #tpu.memory_space<hbm>>
    %dma_wait3A_646 = tpu.memref_squeeze %dma_wait3A_645 : memref<1x50x64xf32, #tpu.memory_space<hbm>> -> memref<50x64xf32, #tpu.memory_space<hbm>>
    %dma_wait3A_647 = arith.constant 0 : i32
    %dma_wait3A_648 = arith.constant 0 : i32
    %dma_wait3A_649 = tpu.memref_slice %arg4[%add3A_634, %dma_wait3A_647, %dma_wait3A_648] : memref<16384x50x64xf32, #tpu.memory_space<hbm>> -> memref<1x50x64xf32, #tpu.memory_space<hbm>>
    %dma_wait3A_650 = tpu.memref_squeeze %dma_wait3A_649 : memref<1x50x64xf32, #tpu.memory_space<hbm>> -> memref<50x64xf32, #tpu.memory_space<hbm>>
    %dma_wait3A_651 = arith.constant 0 : i32
    %dma_wait3A_652 = arith.constant 0 : i32
    %dma_wait3A_653 = tpu.memref_slice %arg6[%dma_wait3A_635, %dma_wait3A_651, %dma_wait3A_652] : memref<4x200x64xf32, #tpu.memory_space<vmem>> -> memref<1x200x64xf32, #tpu.memory_space<vmem>>
    %dma_wait3A_654 = tpu.memref_squeeze %dma_wait3A_653 : memref<1x200x64xf32, #tpu.memory_space<vmem>> -> memref<200x64xf32, #tpu.memory_space<vmem>>
    %dma_wait3A_655 = arith.constant 50 : i32
    %dma_wait3A_656 = arith.constant 0 : i32
    %dma_wait3A_657 = tpu.memref_slice %dma_wait3A_654[%dma_wait3A_655, %dma_wait3A_656] : memref<200x64xf32, #tpu.memory_space<vmem>> -> memref<50x64xf32, #tpu.memory_space<vmem>>
    tpu.wait_dma2 semaphore(%arg12 : memref<!tpu.dma_semaphore, #tpu.memory_space<semaphore_mem>>) src(%dma_wait3A_657 : memref<50x64xf32, #tpu.memory_space<vmem>>) dst(%dma_wait3A_650 : memref<50x64xf32, #tpu.memory_space<hbm>>)
    %add3A_658 = arith.constant 2 : i32
    %add3A_659 = arith.addi %add3A_607, %add3A_658 : i32
    %dma_wait3A_660 = arith.constant 1 : i32
    %dma_wait3A_661 = arith.constant 0 : i32
    %dma_wait3A_662 = arith.constant 0 : i32
    %dma_wait3A_663 = tpu.memref_slice %arg6[%dma_wait3A_660, %dma_wait3A_661, %dma_wait3A_662] : memref<4x200x64xf32, #tpu.memory_space<vmem>> -> memref<1x200x64xf32, #tpu.memory_space<vmem>>
    %dma_wait3A_664 = tpu.memref_squeeze %dma_wait3A_663 : memref<1x200x64xf32, #tpu.memory_space<vmem>> -> memref<200x64xf32, #tpu.memory_space<vmem>>
    %dma_wait3A_665 = arith.constant 100 : i32
    %dma_wait3A_666 = arith.constant 0 : i32
    %dma_wait3A_667 = tpu.memref_slice %dma_wait3A_664[%dma_wait3A_665, %dma_wait3A_666] : memref<200x64xf32, #tpu.memory_space<vmem>> -> memref<50x64xf32, #tpu.memory_space<vmem>>
    %dma_wait3A_668 = arith.constant 0 : i32
    %dma_wait3A_669 = arith.constant 0 : i32
    %dma_wait3A_670 = tpu.memref_slice %arg4[%add3A_659, %dma_wait3A_668, %dma_wait3A_669] : memref<16384x50x64xf32, #tpu.memory_space<hbm>> -> memref<1x50x64xf32, #tpu.memory_space<hbm>>
    %dma_wait3A_671 = tpu.memref_squeeze %dma_wait3A_670 : memref<1x50x64xf32, #tpu.memory_space<hbm>> -> memref<50x64xf32, #tpu.memory_space<hbm>>
    %dma_wait3A_672 = arith.constant 0 : i32
    %dma_wait3A_673 = arith.constant 0 : i32
    %dma_wait3A_674 = tpu.memref_slice %arg4[%add3A_659, %dma_wait3A_672, %dma_wait3A_673] : memref<16384x50x64xf32, #tpu.memory_space<hbm>> -> memref<1x50x64xf32, #tpu.memory_space<hbm>>
    %dma_wait3A_675 = tpu.memref_squeeze %dma_wait3A_674 : memref<1x50x64xf32, #tpu.memory_space<hbm>> -> memref<50x64xf32, #tpu.memory_space<hbm>>
    %dma_wait3A_676 = arith.constant 0 : i32
    %dma_wait3A_677 = arith.constant 0 : i32
    %dma_wait3A_678 = tpu.memref_slice %arg6[%dma_wait3A_660, %dma_wait3A_676, %dma_wait3A_677] : memref<4x200x64xf32, #tpu.memory_space<vmem>> -> memref<1x200x64xf32, #tpu.memory_space<vmem>>
    %dma_wait3A_679 = tpu.memref_squeeze %dma_wait3A_678 : memref<1x200x64xf32, #tpu.memory_space<vmem>> -> memref<200x64xf32, #tpu.memory_space<vmem>>
    %dma_wait3A_680 = arith.constant 100 : i32
    %dma_wait3A_681 = arith.constant 0 : i32
    %dma_wait3A_682 = tpu.memref_slice %dma_wait3A_679[%dma_wait3A_680, %dma_wait3A_681] : memref<200x64xf32, #tpu.memory_space<vmem>> -> memref<50x64xf32, #tpu.memory_space<vmem>>
    tpu.wait_dma2 semaphore(%arg12 : memref<!tpu.dma_semaphore, #tpu.memory_space<semaphore_mem>>) src(%dma_wait3A_682 : memref<50x64xf32, #tpu.memory_space<vmem>>) dst(%dma_wait3A_675 : memref<50x64xf32, #tpu.memory_space<hbm>>)
    %add3A_683 = arith.constant 3 : i32
    %add3A_684 = arith.addi %add3A_607, %add3A_683 : i32
    %dma_wait3A_685 = arith.constant 1 : i32
    %dma_wait3A_686 = arith.constant 0 : i32
    %dma_wait3A_687 = arith.constant 0 : i32
    %dma_wait3A_688 = tpu.memref_slice %arg6[%dma_wait3A_685, %dma_wait3A_686, %dma_wait3A_687] : memref<4x200x64xf32, #tpu.memory_space<vmem>> -> memref<1x200x64xf32, #tpu.memory_space<vmem>>
    %dma_wait3A_689 = tpu.memref_squeeze %dma_wait3A_688 : memref<1x200x64xf32, #tpu.memory_space<vmem>> -> memref<200x64xf32, #tpu.memory_space<vmem>>
    %dma_wait3A_690 = arith.constant 150 : i32
    %dma_wait3A_691 = arith.constant 0 : i32
    %dma_wait3A_692 = tpu.memref_slice %dma_wait3A_689[%dma_wait3A_690, %dma_wait3A_691] : memref<200x64xf32, #tpu.memory_space<vmem>> -> memref<50x64xf32, #tpu.memory_space<vmem>>
    %dma_wait3A_693 = arith.constant 0 : i32
    %dma_wait3A_694 = arith.constant 0 : i32
    %dma_wait3A_695 = tpu.memref_slice %arg4[%add3A_684, %dma_wait3A_693, %dma_wait3A_694] : memref<16384x50x64xf32, #tpu.memory_space<hbm>> -> memref<1x50x64xf32, #tpu.memory_space<hbm>>
    %dma_wait3A_696 = tpu.memref_squeeze %dma_wait3A_695 : memref<1x50x64xf32, #tpu.memory_space<hbm>> -> memref<50x64xf32, #tpu.memory_space<hbm>>
    %dma_wait3A_697 = arith.constant 0 : i32
    %dma_wait3A_698 = arith.constant 0 : i32
    %dma_wait3A_699 = tpu.memref_slice %arg4[%add3A_684, %dma_wait3A_697, %dma_wait3A_698] : memref<16384x50x64xf32, #tpu.memory_space<hbm>> -> memref<1x50x64xf32, #tpu.memory_space<hbm>>
    %dma_wait3A_700 = tpu.memref_squeeze %dma_wait3A_699 : memref<1x50x64xf32, #tpu.memory_space<hbm>> -> memref<50x64xf32, #tpu.memory_space<hbm>>
    %dma_wait3A_701 = arith.constant 0 : i32
    %dma_wait3A_702 = arith.constant 0 : i32
    %dma_wait3A_703 = tpu.memref_slice %arg6[%dma_wait3A_685, %dma_wait3A_701, %dma_wait3A_702] : memref<4x200x64xf32, #tpu.memory_space<vmem>> -> memref<1x200x64xf32, #tpu.memory_space<vmem>>
    %dma_wait3A_704 = tpu.memref_squeeze %dma_wait3A_703 : memref<1x200x64xf32, #tpu.memory_space<vmem>> -> memref<200x64xf32, #tpu.memory_space<vmem>>
    %dma_wait3A_705 = arith.constant 150 : i32
    %dma_wait3A_706 = arith.constant 0 : i32
    %dma_wait3A_707 = tpu.memref_slice %dma_wait3A_704[%dma_wait3A_705, %dma_wait3A_706] : memref<200x64xf32, #tpu.memory_space<vmem>> -> memref<50x64xf32, #tpu.memory_space<vmem>>
    tpu.wait_dma2 semaphore(%arg12 : memref<!tpu.dma_semaphore, #tpu.memory_space<semaphore_mem>>) src(%dma_wait3A_707 : memref<50x64xf32, #tpu.memory_space<vmem>>) dst(%dma_wait3A_700 : memref<50x64xf32, #tpu.memory_space<hbm>>)
    %add3A_708 = arith.constant 504 : i32
    %add3A_709 = arith.addi %mul3A_4, %add3A_708 : i32
    %add3A_710 = arith.constant 0 : i32
    %add3A_711 = arith.addi %add3A_709, %add3A_710 : i32
    %dma_wait3A_712 = arith.constant 2 : i32
    %dma_wait3A_713 = arith.constant 0 : i32
    %dma_wait3A_714 = arith.constant 0 : i32
    %dma_wait3A_715 = tpu.memref_slice %arg6[%dma_wait3A_712, %dma_wait3A_713, %dma_wait3A_714] : memref<4x200x64xf32, #tpu.memory_space<vmem>> -> memref<1x200x64xf32, #tpu.memory_space<vmem>>
    %dma_wait3A_716 = tpu.memref_squeeze %dma_wait3A_715 : memref<1x200x64xf32, #tpu.memory_space<vmem>> -> memref<200x64xf32, #tpu.memory_space<vmem>>
    %dma_wait3A_717 = arith.constant 0 : i32
    %dma_wait3A_718 = arith.constant 0 : i32
    %dma_wait3A_719 = tpu.memref_slice %dma_wait3A_716[%dma_wait3A_717, %dma_wait3A_718] : memref<200x64xf32, #tpu.memory_space<vmem>> -> memref<50x64xf32, #tpu.memory_space<vmem>>
    %dma_wait3A_720 = arith.constant 0 : i32
    %dma_wait3A_721 = arith.constant 0 : i32
    %dma_wait3A_722 = tpu.memref_slice %arg4[%add3A_711, %dma_wait3A_720, %dma_wait3A_721] : memref<16384x50x64xf32, #tpu.memory_space<hbm>> -> memref<1x50x64xf32, #tpu.memory_space<hbm>>
    %dma_wait3A_723 = tpu.memref_squeeze %dma_wait3A_722 : memref<1x50x64xf32, #tpu.memory_space<hbm>> -> memref<50x64xf32, #tpu.memory_space<hbm>>
    %dma_wait3A_724 = arith.constant 0 : i32
    %dma_wait3A_725 = arith.constant 0 : i32
    %dma_wait3A_726 = tpu.memref_slice %arg4[%add3A_711, %dma_wait3A_724, %dma_wait3A_725] : memref<16384x50x64xf32, #tpu.memory_space<hbm>> -> memref<1x50x64xf32, #tpu.memory_space<hbm>>
    %dma_wait3A_727 = tpu.memref_squeeze %dma_wait3A_726 : memref<1x50x64xf32, #tpu.memory_space<hbm>> -> memref<50x64xf32, #tpu.memory_space<hbm>>
    %dma_wait3A_728 = arith.constant 0 : i32
    %dma_wait3A_729 = arith.constant 0 : i32
    %dma_wait3A_730 = tpu.memref_slice %arg6[%dma_wait3A_712, %dma_wait3A_728, %dma_wait3A_729] : memref<4x200x64xf32, #tpu.memory_space<vmem>> -> memref<1x200x64xf32, #tpu.memory_space<vmem>>
    %dma_wait3A_731 = tpu.memref_squeeze %dma_wait3A_730 : memref<1x200x64xf32, #tpu.memory_space<vmem>> -> memref<200x64xf32, #tpu.memory_space<vmem>>
    %dma_wait3A_732 = arith.constant 0 : i32
    %dma_wait3A_733 = arith.constant 0 : i32
    %dma_wait3A_734 = tpu.memref_slice %dma_wait3A_731[%dma_wait3A_732, %dma_wait3A_733] : memref<200x64xf32, #tpu.memory_space<vmem>> -> memref<50x64xf32, #tpu.memory_space<vmem>>
    tpu.wait_dma2 semaphore(%arg13 : memref<!tpu.dma_semaphore, #tpu.memory_space<semaphore_mem>>) src(%dma_wait3A_734 : memref<50x64xf32, #tpu.memory_space<vmem>>) dst(%dma_wait3A_727 : memref<50x64xf32, #tpu.memory_space<hbm>>)
    %add3A_735 = arith.constant 1 : i32
    %add3A_736 = arith.addi %add3A_709, %add3A_735 : i32
    %dma_wait3A_737 = arith.constant 2 : i32
    %dma_wait3A_738 = arith.constant 0 : i32
    %dma_wait3A_739 = arith.constant 0 : i32
    %dma_wait3A_740 = tpu.memref_slice %arg6[%dma_wait3A_737, %dma_wait3A_738, %dma_wait3A_739] : memref<4x200x64xf32, #tpu.memory_space<vmem>> -> memref<1x200x64xf32, #tpu.memory_space<vmem>>
    %dma_wait3A_741 = tpu.memref_squeeze %dma_wait3A_740 : memref<1x200x64xf32, #tpu.memory_space<vmem>> -> memref<200x64xf32, #tpu.memory_space<vmem>>
    %dma_wait3A_742 = arith.constant 50 : i32
    %dma_wait3A_743 = arith.constant 0 : i32
    %dma_wait3A_744 = tpu.memref_slice %dma_wait3A_741[%dma_wait3A_742, %dma_wait3A_743] : memref<200x64xf32, #tpu.memory_space<vmem>> -> memref<50x64xf32, #tpu.memory_space<vmem>>
    %dma_wait3A_745 = arith.constant 0 : i32
    %dma_wait3A_746 = arith.constant 0 : i32
    %dma_wait3A_747 = tpu.memref_slice %arg4[%add3A_736, %dma_wait3A_745, %dma_wait3A_746] : memref<16384x50x64xf32, #tpu.memory_space<hbm>> -> memref<1x50x64xf32, #tpu.memory_space<hbm>>
    %dma_wait3A_748 = tpu.memref_squeeze %dma_wait3A_747 : memref<1x50x64xf32, #tpu.memory_space<hbm>> -> memref<50x64xf32, #tpu.memory_space<hbm>>
    %dma_wait3A_749 = arith.constant 0 : i32
    %dma_wait3A_750 = arith.constant 0 : i32
    %dma_wait3A_751 = tpu.memref_slice %arg4[%add3A_736, %dma_wait3A_749, %dma_wait3A_750] : memref<16384x50x64xf32, #tpu.memory_space<hbm>> -> memref<1x50x64xf32, #tpu.memory_space<hbm>>
    %dma_wait3A_752 = tpu.memref_squeeze %dma_wait3A_751 : memref<1x50x64xf32, #tpu.memory_space<hbm>> -> memref<50x64xf32, #tpu.memory_space<hbm>>
    %dma_wait3A_753 = arith.constant 0 : i32
    %dma_wait3A_754 = arith.constant 0 : i32
    %dma_wait3A_755 = tpu.memref_slice %arg6[%dma_wait3A_737, %dma_wait3A_753, %dma_wait3A_754] : memref<4x200x64xf32, #tpu.memory_space<vmem>> -> memref<1x200x64xf32, #tpu.memory_space<vmem>>
    %dma_wait3A_756 = tpu.memref_squeeze %dma_wait3A_755 : memref<1x200x64xf32, #tpu.memory_space<vmem>> -> memref<200x64xf32, #tpu.memory_space<vmem>>
    %dma_wait3A_757 = arith.constant 50 : i32
    %dma_wait3A_758 = arith.constant 0 : i32
    %dma_wait3A_759 = tpu.memref_slice %dma_wait3A_756[%dma_wait3A_757, %dma_wait3A_758] : memref<200x64xf32, #tpu.memory_space<vmem>> -> memref<50x64xf32, #tpu.memory_space<vmem>>
    tpu.wait_dma2 semaphore(%arg13 : memref<!tpu.dma_semaphore, #tpu.memory_space<semaphore_mem>>) src(%dma_wait3A_759 : memref<50x64xf32, #tpu.memory_space<vmem>>) dst(%dma_wait3A_752 : memref<50x64xf32, #tpu.memory_space<hbm>>)
    %add3A_760 = arith.constant 2 : i32
    %add3A_761 = arith.addi %add3A_709, %add3A_760 : i32
    %dma_wait3A_762 = arith.constant 2 : i32
    %dma_wait3A_763 = arith.constant 0 : i32
    %dma_wait3A_764 = arith.constant 0 : i32
    %dma_wait3A_765 = tpu.memref_slice %arg6[%dma_wait3A_762, %dma_wait3A_763, %dma_wait3A_764] : memref<4x200x64xf32, #tpu.memory_space<vmem>> -> memref<1x200x64xf32, #tpu.memory_space<vmem>>
    %dma_wait3A_766 = tpu.memref_squeeze %dma_wait3A_765 : memref<1x200x64xf32, #tpu.memory_space<vmem>> -> memref<200x64xf32, #tpu.memory_space<vmem>>
    %dma_wait3A_767 = arith.constant 100 : i32
    %dma_wait3A_768 = arith.constant 0 : i32
    %dma_wait3A_769 = tpu.memref_slice %dma_wait3A_766[%dma_wait3A_767, %dma_wait3A_768] : memref<200x64xf32, #tpu.memory_space<vmem>> -> memref<50x64xf32, #tpu.memory_space<vmem>>
    %dma_wait3A_770 = arith.constant 0 : i32
    %dma_wait3A_771 = arith.constant 0 : i32
    %dma_wait3A_772 = tpu.memref_slice %arg4[%add3A_761, %dma_wait3A_770, %dma_wait3A_771] : memref<16384x50x64xf32, #tpu.memory_space<hbm>> -> memref<1x50x64xf32, #tpu.memory_space<hbm>>
    %dma_wait3A_773 = tpu.memref_squeeze %dma_wait3A_772 : memref<1x50x64xf32, #tpu.memory_space<hbm>> -> memref<50x64xf32, #tpu.memory_space<hbm>>
    %dma_wait3A_774 = arith.constant 0 : i32
    %dma_wait3A_775 = arith.constant 0 : i32
    %dma_wait3A_776 = tpu.memref_slice %arg4[%add3A_761, %dma_wait3A_774, %dma_wait3A_775] : memref<16384x50x64xf32, #tpu.memory_space<hbm>> -> memref<1x50x64xf32, #tpu.memory_space<hbm>>
    %dma_wait3A_777 = tpu.memref_squeeze %dma_wait3A_776 : memref<1x50x64xf32, #tpu.memory_space<hbm>> -> memref<50x64xf32, #tpu.memory_space<hbm>>
    %dma_wait3A_778 = arith.constant 0 : i32
    %dma_wait3A_779 = arith.constant 0 : i32
    %dma_wait3A_780 = tpu.memref_slice %arg6[%dma_wait3A_762, %dma_wait3A_778, %dma_wait3A_779] : memref<4x200x64xf32, #tpu.memory_space<vmem>> -> memref<1x200x64xf32, #tpu.memory_space<vmem>>
    %dma_wait3A_781 = tpu.memref_squeeze %dma_wait3A_780 : memref<1x200x64xf32, #tpu.memory_space<vmem>> -> memref<200x64xf32, #tpu.memory_space<vmem>>
    %dma_wait3A_782 = arith.constant 100 : i32
    %dma_wait3A_783 = arith.constant 0 : i32
    %dma_wait3A_784 = tpu.memref_slice %dma_wait3A_781[%dma_wait3A_782, %dma_wait3A_783] : memref<200x64xf32, #tpu.memory_space<vmem>> -> memref<50x64xf32, #tpu.memory_space<vmem>>
    tpu.wait_dma2 semaphore(%arg13 : memref<!tpu.dma_semaphore, #tpu.memory_space<semaphore_mem>>) src(%dma_wait3A_784 : memref<50x64xf32, #tpu.memory_space<vmem>>) dst(%dma_wait3A_777 : memref<50x64xf32, #tpu.memory_space<hbm>>)
    %add3A_785 = arith.constant 3 : i32
    %add3A_786 = arith.addi %add3A_709, %add3A_785 : i32
    %dma_wait3A_787 = arith.constant 2 : i32
    %dma_wait3A_788 = arith.constant 0 : i32
    %dma_wait3A_789 = arith.constant 0 : i32
    %dma_wait3A_790 = tpu.memref_slice %arg6[%dma_wait3A_787, %dma_wait3A_788, %dma_wait3A_789] : memref<4x200x64xf32, #tpu.memory_space<vmem>> -> memref<1x200x64xf32, #tpu.memory_space<vmem>>
    %dma_wait3A_791 = tpu.memref_squeeze %dma_wait3A_790 : memref<1x200x64xf32, #tpu.memory_space<vmem>> -> memref<200x64xf32, #tpu.memory_space<vmem>>
    %dma_wait3A_792 = arith.constant 150 : i32
    %dma_wait3A_793 = arith.constant 0 : i32
    %dma_wait3A_794 = tpu.memref_slice %dma_wait3A_791[%dma_wait3A_792, %dma_wait3A_793] : memref<200x64xf32, #tpu.memory_space<vmem>> -> memref<50x64xf32, #tpu.memory_space<vmem>>
    %dma_wait3A_795 = arith.constant 0 : i32
    %dma_wait3A_796 = arith.constant 0 : i32
    %dma_wait3A_797 = tpu.memref_slice %arg4[%add3A_786, %dma_wait3A_795, %dma_wait3A_796] : memref<16384x50x64xf32, #tpu.memory_space<hbm>> -> memref<1x50x64xf32, #tpu.memory_space<hbm>>
    %dma_wait3A_798 = tpu.memref_squeeze %dma_wait3A_797 : memref<1x50x64xf32, #tpu.memory_space<hbm>> -> memref<50x64xf32, #tpu.memory_space<hbm>>
    %dma_wait3A_799 = arith.constant 0 : i32
    %dma_wait3A_800 = arith.constant 0 : i32
    %dma_wait3A_801 = tpu.memref_slice %arg4[%add3A_786, %dma_wait3A_799, %dma_wait3A_800] : memref<16384x50x64xf32, #tpu.memory_space<hbm>> -> memref<1x50x64xf32, #tpu.memory_space<hbm>>
    %dma_wait3A_802 = tpu.memref_squeeze %dma_wait3A_801 : memref<1x50x64xf32, #tpu.memory_space<hbm>> -> memref<50x64xf32, #tpu.memory_space<hbm>>
    %dma_wait3A_803 = arith.constant 0 : i32
    %dma_wait3A_804 = arith.constant 0 : i32
    %dma_wait3A_805 = tpu.memref_slice %arg6[%dma_wait3A_787, %dma_wait3A_803, %dma_wait3A_804] : memref<4x200x64xf32, #tpu.memory_space<vmem>> -> memref<1x200x64xf32, #tpu.memory_space<vmem>>
    %dma_wait3A_806 = tpu.memref_squeeze %dma_wait3A_805 : memref<1x200x64xf32, #tpu.memory_space<vmem>> -> memref<200x64xf32, #tpu.memory_space<vmem>>
    %dma_wait3A_807 = arith.constant 150 : i32
    %dma_wait3A_808 = arith.constant 0 : i32
    %dma_wait3A_809 = tpu.memref_slice %dma_wait3A_806[%dma_wait3A_807, %dma_wait3A_808] : memref<200x64xf32, #tpu.memory_space<vmem>> -> memref<50x64xf32, #tpu.memory_space<vmem>>
    tpu.wait_dma2 semaphore(%arg13 : memref<!tpu.dma_semaphore, #tpu.memory_space<semaphore_mem>>) src(%dma_wait3A_809 : memref<50x64xf32, #tpu.memory_space<vmem>>) dst(%dma_wait3A_802 : memref<50x64xf32, #tpu.memory_space<hbm>>)
    %add3A_810 = arith.constant 508 : i32
    %add3A_811 = arith.addi %mul3A_4, %add3A_810 : i32
    %add3A_812 = arith.constant 0 : i32
    %add3A_813 = arith.addi %add3A_811, %add3A_812 : i32
    %dma_wait3A_814 = arith.constant 3 : i32
    %dma_wait3A_815 = arith.constant 0 : i32
    %dma_wait3A_816 = arith.constant 0 : i32
    %dma_wait3A_817 = tpu.memref_slice %arg6[%dma_wait3A_814, %dma_wait3A_815, %dma_wait3A_816] : memref<4x200x64xf32, #tpu.memory_space<vmem>> -> memref<1x200x64xf32, #tpu.memory_space<vmem>>
    %dma_wait3A_818 = tpu.memref_squeeze %dma_wait3A_817 : memref<1x200x64xf32, #tpu.memory_space<vmem>> -> memref<200x64xf32, #tpu.memory_space<vmem>>
    %dma_wait3A_819 = arith.constant 0 : i32
    %dma_wait3A_820 = arith.constant 0 : i32
    %dma_wait3A_821 = tpu.memref_slice %dma_wait3A_818[%dma_wait3A_819, %dma_wait3A_820] : memref<200x64xf32, #tpu.memory_space<vmem>> -> memref<50x64xf32, #tpu.memory_space<vmem>>
    %dma_wait3A_822 = arith.constant 0 : i32
    %dma_wait3A_823 = arith.constant 0 : i32
    %dma_wait3A_824 = tpu.memref_slice %arg4[%add3A_813, %dma_wait3A_822, %dma_wait3A_823] : memref<16384x50x64xf32, #tpu.memory_space<hbm>> -> memref<1x50x64xf32, #tpu.memory_space<hbm>>
    %dma_wait3A_825 = tpu.memref_squeeze %dma_wait3A_824 : memref<1x50x64xf32, #tpu.memory_space<hbm>> -> memref<50x64xf32, #tpu.memory_space<hbm>>
    %dma_wait3A_826 = arith.constant 0 : i32
    %dma_wait3A_827 = arith.constant 0 : i32
    %dma_wait3A_828 = tpu.memref_slice %arg4[%add3A_813, %dma_wait3A_826, %dma_wait3A_827] : memref<16384x50x64xf32, #tpu.memory_space<hbm>> -> memref<1x50x64xf32, #tpu.memory_space<hbm>>
    %dma_wait3A_829 = tpu.memref_squeeze %dma_wait3A_828 : memref<1x50x64xf32, #tpu.memory_space<hbm>> -> memref<50x64xf32, #tpu.memory_space<hbm>>
    %dma_wait3A_830 = arith.constant 0 : i32
    %dma_wait3A_831 = arith.constant 0 : i32
    %dma_wait3A_832 = tpu.memref_slice %arg6[%dma_wait3A_814, %dma_wait3A_830, %dma_wait3A_831] : memref<4x200x64xf32, #tpu.memory_space<vmem>> -> memref<1x200x64xf32, #tpu.memory_space<vmem>>
    %dma_wait3A_833 = tpu.memref_squeeze %dma_wait3A_832 : memref<1x200x64xf32, #tpu.memory_space<vmem>> -> memref<200x64xf32, #tpu.memory_space<vmem>>
    %dma_wait3A_834 = arith.constant 0 : i32
    %dma_wait3A_835 = arith.constant 0 : i32
    %dma_wait3A_836 = tpu.memref_slice %dma_wait3A_833[%dma_wait3A_834, %dma_wait3A_835] : memref<200x64xf32, #tpu.memory_space<vmem>> -> memref<50x64xf32, #tpu.memory_space<vmem>>
    tpu.wait_dma2 semaphore(%arg14 : memref<!tpu.dma_semaphore, #tpu.memory_space<semaphore_mem>>) src(%dma_wait3A_836 : memref<50x64xf32, #tpu.memory_space<vmem>>) dst(%dma_wait3A_829 : memref<50x64xf32, #tpu.memory_space<hbm>>)
    %add3A_837 = arith.constant 1 : i32
    %add3A_838 = arith.addi %add3A_811, %add3A_837 : i32
    %dma_wait3A_839 = arith.constant 3 : i32
    %dma_wait3A_840 = arith.constant 0 : i32
    %dma_wait3A_841 = arith.constant 0 : i32
    %dma_wait3A_842 = tpu.memref_slice %arg6[%dma_wait3A_839, %dma_wait3A_840, %dma_wait3A_841] : memref<4x200x64xf32, #tpu.memory_space<vmem>> -> memref<1x200x64xf32, #tpu.memory_space<vmem>>
    %dma_wait3A_843 = tpu.memref_squeeze %dma_wait3A_842 : memref<1x200x64xf32, #tpu.memory_space<vmem>> -> memref<200x64xf32, #tpu.memory_space<vmem>>
    %dma_wait3A_844 = arith.constant 50 : i32
    %dma_wait3A_845 = arith.constant 0 : i32
    %dma_wait3A_846 = tpu.memref_slice %dma_wait3A_843[%dma_wait3A_844, %dma_wait3A_845] : memref<200x64xf32, #tpu.memory_space<vmem>> -> memref<50x64xf32, #tpu.memory_space<vmem>>
    %dma_wait3A_847 = arith.constant 0 : i32
    %dma_wait3A_848 = arith.constant 0 : i32
    %dma_wait3A_849 = tpu.memref_slice %arg4[%add3A_838, %dma_wait3A_847, %dma_wait3A_848] : memref<16384x50x64xf32, #tpu.memory_space<hbm>> -> memref<1x50x64xf32, #tpu.memory_space<hbm>>
    %dma_wait3A_850 = tpu.memref_squeeze %dma_wait3A_849 : memref<1x50x64xf32, #tpu.memory_space<hbm>> -> memref<50x64xf32, #tpu.memory_space<hbm>>
    %dma_wait3A_851 = arith.constant 0 : i32
    %dma_wait3A_852 = arith.constant 0 : i32
    %dma_wait3A_853 = tpu.memref_slice %arg4[%add3A_838, %dma_wait3A_851, %dma_wait3A_852] : memref<16384x50x64xf32, #tpu.memory_space<hbm>> -> memref<1x50x64xf32, #tpu.memory_space<hbm>>
    %dma_wait3A_854 = tpu.memref_squeeze %dma_wait3A_853 : memref<1x50x64xf32, #tpu.memory_space<hbm>> -> memref<50x64xf32, #tpu.memory_space<hbm>>
    %dma_wait3A_855 = arith.constant 0 : i32
    %dma_wait3A_856 = arith.constant 0 : i32
    %dma_wait3A_857 = tpu.memref_slice %arg6[%dma_wait3A_839, %dma_wait3A_855, %dma_wait3A_856] : memref<4x200x64xf32, #tpu.memory_space<vmem>> -> memref<1x200x64xf32, #tpu.memory_space<vmem>>
    %dma_wait3A_858 = tpu.memref_squeeze %dma_wait3A_857 : memref<1x200x64xf32, #tpu.memory_space<vmem>> -> memref<200x64xf32, #tpu.memory_space<vmem>>
    %dma_wait3A_859 = arith.constant 50 : i32
    %dma_wait3A_860 = arith.constant 0 : i32
    %dma_wait3A_861 = tpu.memref_slice %dma_wait3A_858[%dma_wait3A_859, %dma_wait3A_860] : memref<200x64xf32, #tpu.memory_space<vmem>> -> memref<50x64xf32, #tpu.memory_space<vmem>>
    tpu.wait_dma2 semaphore(%arg14 : memref<!tpu.dma_semaphore, #tpu.memory_space<semaphore_mem>>) src(%dma_wait3A_861 : memref<50x64xf32, #tpu.memory_space<vmem>>) dst(%dma_wait3A_854 : memref<50x64xf32, #tpu.memory_space<hbm>>)
    %add3A_862 = arith.constant 2 : i32
    %add3A_863 = arith.addi %add3A_811, %add3A_862 : i32
    %dma_wait3A_864 = arith.constant 3 : i32
    %dma_wait3A_865 = arith.constant 0 : i32
    %dma_wait3A_866 = arith.constant 0 : i32
    %dma_wait3A_867 = tpu.memref_slice %arg6[%dma_wait3A_864, %dma_wait3A_865, %dma_wait3A_866] : memref<4x200x64xf32, #tpu.memory_space<vmem>> -> memref<1x200x64xf32, #tpu.memory_space<vmem>>
    %dma_wait3A_868 = tpu.memref_squeeze %dma_wait3A_867 : memref<1x200x64xf32, #tpu.memory_space<vmem>> -> memref<200x64xf32, #tpu.memory_space<vmem>>
    %dma_wait3A_869 = arith.constant 100 : i32
    %dma_wait3A_870 = arith.constant 0 : i32
    %dma_wait3A_871 = tpu.memref_slice %dma_wait3A_868[%dma_wait3A_869, %dma_wait3A_870] : memref<200x64xf32, #tpu.memory_space<vmem>> -> memref<50x64xf32, #tpu.memory_space<vmem>>
    %dma_wait3A_872 = arith.constant 0 : i32
    %dma_wait3A_873 = arith.constant 0 : i32
    %dma_wait3A_874 = tpu.memref_slice %arg4[%add3A_863, %dma_wait3A_872, %dma_wait3A_873] : memref<16384x50x64xf32, #tpu.memory_space<hbm>> -> memref<1x50x64xf32, #tpu.memory_space<hbm>>
    %dma_wait3A_875 = tpu.memref_squeeze %dma_wait3A_874 : memref<1x50x64xf32, #tpu.memory_space<hbm>> -> memref<50x64xf32, #tpu.memory_space<hbm>>
    %dma_wait3A_876 = arith.constant 0 : i32
    %dma_wait3A_877 = arith.constant 0 : i32
    %dma_wait3A_878 = tpu.memref_slice %arg4[%add3A_863, %dma_wait3A_876, %dma_wait3A_877] : memref<16384x50x64xf32, #tpu.memory_space<hbm>> -> memref<1x50x64xf32, #tpu.memory_space<hbm>>
    %dma_wait3A_879 = tpu.memref_squeeze %dma_wait3A_878 : memref<1x50x64xf32, #tpu.memory_space<hbm>> -> memref<50x64xf32, #tpu.memory_space<hbm>>
    %dma_wait3A_880 = arith.constant 0 : i32
    %dma_wait3A_881 = arith.constant 0 : i32
    %dma_wait3A_882 = tpu.memref_slice %arg6[%dma_wait3A_864, %dma_wait3A_880, %dma_wait3A_881] : memref<4x200x64xf32, #tpu.memory_space<vmem>> -> memref<1x200x64xf32, #tpu.memory_space<vmem>>
    %dma_wait3A_883 = tpu.memref_squeeze %dma_wait3A_882 : memref<1x200x64xf32, #tpu.memory_space<vmem>> -> memref<200x64xf32, #tpu.memory_space<vmem>>
    %dma_wait3A_884 = arith.constant 100 : i32
    %dma_wait3A_885 = arith.constant 0 : i32
    %dma_wait3A_886 = tpu.memref_slice %dma_wait3A_883[%dma_wait3A_884, %dma_wait3A_885] : memref<200x64xf32, #tpu.memory_space<vmem>> -> memref<50x64xf32, #tpu.memory_space<vmem>>
    tpu.wait_dma2 semaphore(%arg14 : memref<!tpu.dma_semaphore, #tpu.memory_space<semaphore_mem>>) src(%dma_wait3A_886 : memref<50x64xf32, #tpu.memory_space<vmem>>) dst(%dma_wait3A_879 : memref<50x64xf32, #tpu.memory_space<hbm>>)
    %add3A_887 = arith.constant 3 : i32
    %add3A_888 = arith.addi %add3A_811, %add3A_887 : i32
    %dma_wait3A_889 = arith.constant 3 : i32
    %dma_wait3A_890 = arith.constant 0 : i32
    %dma_wait3A_891 = arith.constant 0 : i32
    %dma_wait3A_892 = tpu.memref_slice %arg6[%dma_wait3A_889, %dma_wait3A_890, %dma_wait3A_891] : memref<4x200x64xf32, #tpu.memory_space<vmem>> -> memref<1x200x64xf32, #tpu.memory_space<vmem>>
    %dma_wait3A_893 = tpu.memref_squeeze %dma_wait3A_892 : memref<1x200x64xf32, #tpu.memory_space<vmem>> -> memref<200x64xf32, #tpu.memory_space<vmem>>
    %dma_wait3A_894 = arith.constant 150 : i32
    %dma_wait3A_895 = arith.constant 0 : i32
    %dma_wait3A_896 = tpu.memref_slice %dma_wait3A_893[%dma_wait3A_894, %dma_wait3A_895] : memref<200x64xf32, #tpu.memory_space<vmem>> -> memref<50x64xf32, #tpu.memory_space<vmem>>
    %dma_wait3A_897 = arith.constant 0 : i32
    %dma_wait3A_898 = arith.constant 0 : i32
    %dma_wait3A_899 = tpu.memref_slice %arg4[%add3A_888, %dma_wait3A_897, %dma_wait3A_898] : memref<16384x50x64xf32, #tpu.memory_space<hbm>> -> memref<1x50x64xf32, #tpu.memory_space<hbm>>
    %dma_wait3A_900 = tpu.memref_squeeze %dma_wait3A_899 : memref<1x50x64xf32, #tpu.memory_space<hbm>> -> memref<50x64xf32, #tpu.memory_space<hbm>>
    %dma_wait3A_901 = arith.constant 0 : i32
    %dma_wait3A_902 = arith.constant 0 : i32
    %dma_wait3A_903 = tpu.memref_slice %arg4[%add3A_888, %dma_wait3A_901, %dma_wait3A_902] : memref<16384x50x64xf32, #tpu.memory_space<hbm>> -> memref<1x50x64xf32, #tpu.memory_space<hbm>>
    %dma_wait3A_904 = tpu.memref_squeeze %dma_wait3A_903 : memref<1x50x64xf32, #tpu.memory_space<hbm>> -> memref<50x64xf32, #tpu.memory_space<hbm>>
    %dma_wait3A_905 = arith.constant 0 : i32
    %dma_wait3A_906 = arith.constant 0 : i32
    %dma_wait3A_907 = tpu.memref_slice %arg6[%dma_wait3A_889, %dma_wait3A_905, %dma_wait3A_906] : memref<4x200x64xf32, #tpu.memory_space<vmem>> -> memref<1x200x64xf32, #tpu.memory_space<vmem>>
    %dma_wait3A_908 = tpu.memref_squeeze %dma_wait3A_907 : memref<1x200x64xf32, #tpu.memory_space<vmem>> -> memref<200x64xf32, #tpu.memory_space<vmem>>
    %dma_wait3A_909 = arith.constant 150 : i32
    %dma_wait3A_910 = arith.constant 0 : i32
    %dma_wait3A_911 = tpu.memref_slice %dma_wait3A_908[%dma_wait3A_909, %dma_wait3A_910] : memref<200x64xf32, #tpu.memory_space<vmem>> -> memref<50x64xf32, #tpu.memory_space<vmem>>
    tpu.wait_dma2 semaphore(%arg14 : memref<!tpu.dma_semaphore, #tpu.memory_space<semaphore_mem>>) src(%dma_wait3A_911 : memref<50x64xf32, #tpu.memory_space<vmem>>) dst(%dma_wait3A_904 : memref<50x64xf32, #tpu.memory_space<hbm>>)
    return
  }
}

</mosaic_0001>

<sc_bundles>
// kernel: kernel.4.cloned.1.call-start
scs
__scs_entry_jumppad:
0x0: {  	(pc) =	sbr.rel $0x88, $3  }
0x1: {  	(tag) =	ssettag $0x0;
	lr =	simm.s32 $0x1  }
0x2: {  	[smem:$0x3F9F] =	sst lr;
	_ =	strace $0xD0000000  }
0x3: {  	_ = 	snop  }
0x4: {  	_ = 	snop  }
0x5: {  	_ = 	snop  }
0x6: {  	_ = 	snop  }
0x7: {  	_ = 	snop  }
__scs_overlays_trampoline_lowered:
0x8: {  	[smem:$0x3FAE] =	sst s0  }
0x9: {  	[smem:$0x3FAF] =	sst s1  }
0xa: {  	[smem:$0x3FB0] =	sst s2  }
0xb: {  	[smem:$0x3FB1] =	sst s3  }
0xc: {  	[smem:$0x3FB2] =	sst s4  }
0xd: {  	[smem:$0x3FB3] =	sst s5  }
0xe: {  	[smem:$0x3FB4] =	sst s6  }
0xf: {  	[smem:$0x3FB5] =	sst s7  }
0x10: {  	[smem:$0x3FB6] =	sst s8  }
0x11: {  	[smem:$0x3FB7] =	sst s9;
	s0 =	simm.s32 @!p0 $0x0  }
0x12: {  	s1 =	sld [smem:$0x3F9D];
	s0 =	simm.s32 @p0 $0x1  }
0x13: {  	[smem:$0x3FB8] =	sst s0;
	s0 =	simm.s32 @!p1 $0x0  }
0x14: {  	s2 =	sld [smem:$0x3F9C];
	s0 =	simm.s32 @p1 $0x1  }
0x15: {  	[smem:$0x3FB9] =	sst s0;
	s0 =	simm.s32 @!p2 $0x0  }
0x16: {  	s3 =	sld [smem:$0x3FDB];
	s0 =	simm.s32 @p2 $0x1  }
0x17: {  	s4 =	simm.s32 $0x1BF5;
	[smem:$0x3FBB] =	sst s0  }
0x18: {  	s0 =	sld [smem:$0x3F9E];
	_ =	swait.ge [sflag:s4], $0x0  }
0x19: {  	s7 =	sld [smem:$0x3F9F]  }
0x1a: {  	s8 =	sadd.s32 $0xFFFFE003, lr  }
0x1b: {  	s9 =	sadd.s32 $0xFFFFFEF7, lr;
	s5 =	simm.s32 $0xFFFFFFFF;
	p2 =	slt.u32 s8, $0xFFFFF086  }
0x1c: {  	p1 =	slt.u32 s9, $0xF7A;
	s5 =	simm.s32 @!p2 $0x0  }
0x1d: {  	s5 =	simm.s32 @p1 $0x1;
	p0 =	seq.s32 s7, s2  }
0x1e: {  	s7 =	smul.u32 @!p0 $0xF7A, s2;
	p2 =	seq.s32 @!p0 s5, $0x0  }
0x1f: {  	s9 =	smul.u32 $0xF7A, s1;
	s8 =	simm.s32 @!p0 $0x1BF5;
	p2 =	por !p2, p0  }
0x20: {  	[sflag:s8] =	ssyncset.s32 @!p0 $0xFFFFF086;
	s6 =	sadd.s32 @!p0 s3, s7;
	s7 =	simm.s32 @!p0 $0x108  }
0x21: {  	s3 =	sadd.s32 s3, s9;
	s6 =	sadd.s32 @!p0 $0x88, s6;
	s7 =	simm.s32 @p2 $0x1082  }
0x22: {  	[simem:s7], [sflag:s8] =	dma.local @!p0 [hbm:s6], $0xF7A  }
0x23: {  	s9 =	sor.u32 $0xD0000000, s2;
	s6 =	simm.s32 $0x108;
	_ =	swait.ge @!p0 [sflag:s8], $0x0  }
0x24: {  	s3 =	sadd.s32 $0x88, s3;
	s6 =	simm.s32 @!p1 $0x1082;
	[sflag:s4] =	ssyncset.s32 $0xFFFFF086  }
0x25: {  	[simem:s6], [sflag:s4] =	dma.local [hbm:s3], $0xF7A  }
0x26: {  	[smem:$0x3F9F] =	sst s1;
	(tag) =	ssettag s2;
	_ =	strace s9  }
0x27: {  	s1 =	sld [smem:$0x3FAF]  }
0x28: {  	s2 =	sld [smem:$0x3FB0]  }
0x29: {  	s4 =	sld [smem:$0x3FB2]  }
0x2a: {  	p0 =	seq.s32 s5, $0x0;
	s5 =	sld [smem:$0x3FB3]  }
0x2b: {  	s6 =	sld [smem:$0x3FB4]  }
0x2c: {  	s7 =	sld [smem:$0x3FB5]  }
0x2d: {  	s3 =	simm.s32 $0x108;
	s8 =	sld [smem:$0x3FB6]  }
0x2e: {  	s3 =	simm.s32 @!p0 $0x1082;
	s9 =	sld [smem:$0x3FB7]  }
0x2f: {  	lr =	sadd.s32 s0, s3;
	s0 =	sld [smem:$0x3FAE]  }
0x30: {  	s3 =	sld [smem:$0x3FB1]  }
0x31: {  	[smem:$0x3FBA] =	sst s10  }
0x32: {  	s10 =	sld [smem:$0x3FB8];
	_ =	sdelay $0x3  }
0x33: {  	p0 =	seq.s32 s10, $0x1;
	s10 =	sld [smem:$0x3FBA];
	_ =	sdelay $0x3  }
0x34: {  	[smem:$0x3FBA] =	sst s10  }
0x35: {  	s10 =	sld [smem:$0x3FB9];
	_ =	sdelay $0x3  }
0x36: {  	p1 =	seq.s32 s10, $0x1;
	s10 =	sld [smem:$0x3FBA];
	_ =	sdelay $0x3  }
0x37: {  	[smem:$0x3FBA] =	sst s10  }
0x38: {  	s10 =	sld [smem:$0x3FBB]  }
0x39: {  	_ = 	snop;
	(pc) =	sbr.ind lr, $3  }
0x3a: {  	_ = 	snop  }
0x3b: {  	_ = 	snop  }
0x3c: {  	p2 =	seq.s32 s10, $0x1;
	s10 =	sld [smem:$0x3FBA]  }
0x3d: {  	_ =	shalt  }
0x3e: {  	_ =	shalt  }
0x3f: {  	_ =	shalt  }
0x40: {  	_ =	shalt  }
0x41: {  	_ =	shalt  }
0x42: {  	_ =	shalt  }
0x43: {  	_ =	shalt  }
0x44: {  	_ =	shalt  }
0x45: {  	_ =	shalt  }
0x46: {  	_ =	shalt  }
0x47: {  	_ =	shalt  }
0x48: {  	_ =	shalt  }
0x49: {  	_ =	shalt  }
0x4a: {  	_ =	shalt  }
0x4b: {  	_ =	shalt  }
0x4c: {  	_ =	shalt  }
0x4d: {  	_ =	shalt  }
0x4e: {  	_ =	shalt  }
0x4f: {  	_ =	shalt  }
0x50: {  	_ =	shalt  }
0x51: {  	_ =	shalt  }
0x52: {  	_ =	shalt  }
0x53: {  	_ =	shalt  }
0x54: {  	_ =	shalt  }
0x55: {  	_ =	shalt  }
0x56: {  	_ =	shalt  }
0x57: {  	_ =	shalt  }
0x58: {  	_ =	shalt  }
0x59: {  	_ =	shalt  }
0x5a: {  	_ =	shalt  }
0x5b: {  	_ =	shalt  }
0x5c: {  	_ =	shalt  }
0x5d: {  	_ =	shalt  }
0x5e: {  	_ =	shalt  }
0x5f: {  	_ =	shalt  }
0x60: {  	_ =	shalt  }
0x61: {  	_ =	shalt  }
0x62: {  	_ =	shalt  }
0x63: {  	_ =	shalt  }
0x64: {  	_ =	shalt  }
0x65: {  	_ =	shalt  }
0x66: {  	_ =	shalt  }
0x67: {  	_ =	shalt  }
0x68: {  	_ =	shalt  }
0x69: {  	_ =	shalt  }
0x6a: {  	_ =	shalt  }
0x6b: {  	_ =	shalt  }
0x6c: {  	_ =	shalt  }
0x6d: {  	_ =	shalt  }
0x6e: {  	_ =	shalt  }
0x6f: {  	_ =	shalt  }
0x70: {  	_ =	shalt  }
0x71: {  	_ =	shalt  }
0x72: {  	_ =	shalt  }
0x73: {  	_ =	shalt  }
0x74: {  	_ =	shalt  }
0x75: {  	_ =	shalt  }
0x76: {  	_ =	shalt  }
0x77: {  	_ =	shalt  }
0x78: {  	_ =	shalt  }
0x79: {  	_ =	shalt  }
0x7a: {  	_ =	shalt  }
0x7b: {  	_ =	shalt  }
0x7c: {  	_ =	shalt  }
0x7d: {  	_ =	shalt  }
0x7e: {  	_ =	shalt  }
0x7f: {  	_ =	shalt  }
0x80: {  	_ =	shalt  }
0x81: {  	_ =	shalt  }
0x82: {  	_ =	shalt  }
0x83: {  	_ =	shalt  }
0x84: {  	_ =	shalt  }
0x85: {  	_ =	shalt  }
0x86: {  	_ =	shalt  }
0x87: {  	_ =	shalt  }
.Lfunc_end0:
.L_simem_size_0:
called_computation.1_lowered:
.L_overlay_start_0:
0x88: {  	s2 =	sld [smem:$0x3FD9]  }
0x89: {  	s3 =	sld [smem:$0x3FFE];
	_ =	sdelay $0x1  }
0x8a: {  	s1 =	srdreg.scid  }
0x8b: {  	s0 =	sand.u32 $0x1, s1  }
0x8c: {  	s17 =	sshll.u32 s0, $0xA;
	s2 =	sadd.s32 s3, s2  }
0x8d: {  	s2 =	sadd.s32 s2, s17  }
0x8e: {  	[smem:$0x3FC6] =	sst s2  }
0x8f: {  	_ = 	snop  }
0x90: {  	s2 =	sld [smem:$0x3FC9];
	(tm) =	ssettm $0x1  }
0x91: {  	s18 =	sld [smem:$0x3FFB];
	_ =	sdelay $0x3  }
0x92: {  	_ =	strace s18  }
0x93: {  	s3 =	sld [smem:$0x3FFC];
	_ =	sdelay $0x3  }
0x94: {  	_ =	strace s3  }
0x95: {  	s3 =	sld [smem:$0x3FFD];
	_ =	sdelay $0x3  }
0x96: {  	_ =	strace s3  }
0x97: {  	_ =	strace $0x8FFFFFFF  }
0x98: {  	s19 =	sld [smem:$0x3FDB];
	_ =	sdelay $0x1  }
0x99: {  	s4 =	simm.s32 $_scs_section_size  }
0x9a: {  	s5 =	simm.s32 $_size__tile_overlayer_lowered;
	s6 =	simm.s32 $_tile_overlayer_lowered  }
0x9b: {  	s22 =	simm.s32 $0x1BFF;
	s21 =	sshll.u32 s6, $0x1;
	s3 =	sadd.s32 s4, s19  }
0x9c: {  	s7 =	simm.s32 $0x0;
	s20 =	sshll.u32 s5, $0x1;
	s5 =	sadd.s32 s21, s3  }
0x9d: {  	[timem:s7], [sflag:s22] =	dma.local [hbm:s5], s20  }
0x9e: {  	_ =	swait.ge [sflag:s22], s20  }
0x9f: {  	s4 =	ssub.s32 $0x0, s20;
	[sflag:s22] =	ssyncset.done $0x0  }
0xa0: {  	[sflag:s22] =	ssyncadd.s32 s4;
	_ =	sdelay $0x1  }
0xa1: {  	s23 =	simm.s32 $0x1B8B  }
0xa2: {  	_ =	swait.ge [sflag:s23], $0x1  }
0xa3: {  	[sflag:s23] =	ssyncset.done $0x0  }
0xa4: {  	s25 =	simm.s32 $0x1B8E;
	s24 =	sld [smem:$0x3FFE];
	[sflag:s23] =	ssyncadd.s32 $0xFFFFFFFF  }
0xa5: {  	s26 =	simm.s32 $execute0_lowered;
	[smem:$0x3FD2] =	sst s25  }
0xa6: {  	s5 =	sshll.u32 s26, $0x1;
	_ =	strace $0x80000046;
	[dreg:$0x1] =	wrdreg $0xFFFFFFFF  }
0xa7: {  	s28 =	simm.s32 $_size_execute0_lowered;
	s3 =	sadd.s32 s3, s5;
	[dreg:$0x0] =	wrdreg $0x0  }
0xa8: {  	s5 =	sshll.u32 s28, $0x1;
	[dreg:$0x2] =	wrdreg s3  }
0xa9: {  	[dreg:$0x3] =	wrdreg s5  }
0xaa: {  	[dreg:$0x4] =	wrdreg $0xC0  }
0xab: {  	_ =	task [dreg:s7], $0x5FFFF  }
0xac: {  	[dreg:$0x1] =	wrdreg $0xFFFFFFFF  }
0xad: {  	[dreg:$0x0] =	wrdreg $0x60  }
0xae: {  	[dreg:$0x2] =	wrdreg s2  }
0xaf: {  	[dreg:$0x3] =	wrdreg s24  }
0xb0: {  	[dreg:$0x4] =	wrdreg $0x9  }
0xb1: {  	_ =	task.clear_ibuf [dreg:s7], $0x5FFFF;
	_ =	strace $0x90000046  }
0xb2: {  	s29 =	simm.s32 $0x9;
	_ =	strace $0x80000048  }
0xb3: {  	_ =	swait.ge [sflag:s29], $0x1  }
0xb4: {  	[sflag:s29] =	ssyncadd.s32 $0xFFFFFFFF  }
0xb5: {  	_ =	strace $0x90000048  }
0xb6: {  	_ =	sfence  }
0xb7: {  	s30 =	sld [smem:$0x0];
	_ =	sdelay $0x2  }
0xb8: {  	s31 =	sshll.u32 s1, $0xD;
	s1 =	sshrl.u32 s1, $0x2  }
0xb9: {  	s3 =	sand.u32 $0x4000, s31;
	s1 =	sadd.s32 s1, s30  }
0xba: {  	s0 =	sor.u32 s3, s0;
	s1 =	sshll.u32 s1, $0x11  }
0xbb: {  	s0 =	sor.u32 s1, s0  }
0xbc: {  	s0 =	sadd.s32 $0x8F2B, s0  }
0xbd: {  	[sflag:s0] =	ssyncadd.remote.s32 $0x1  }
0xbe: {  	_ =	sfence.sel $0xFFFF  }
0xbf: {  	[dreg:$0x0] =	wrdreg $0xFFFFFFFF;
	(pc) =	sbr.abs _section_cstart, $3  }
0xc0: {  	[dreg:$0x1] =	wrdreg $0xFFFFFFFF  }
0xc1: {  	_ =	task.clear_ibuf [dreg:s7], $0x2FFFF;
	_ =	strace $0x9FFFFFFF  }
0xc2: {  	(tm) =	ssettm $0x7FFFFFFF  }
0xc3: {  	_ =	shalt  }
tec
execute0_lowered:
.L_overlay_start_1:
0x0: {  	(tag) =	ssettag $0x1  }
0x1: {  	s3 =	rddreg [dreg:$0x0];
	s1 =	srdreg.scid  }
0x2: {  	s0 =	stileid.u32;
	s4 =	rddreg [dreg:$0x1]  }
0x3: {  	s2 =	simm.s32 $0x0;
	s8 =	simm.s32 $0x1;
	s9 =	simm.s32 $0x7000  }
0x4: {  	s10 =	simm.s32 $0x0;
	s5 =	sand.u32 $0x1, s1;
	s6 =	sshll.u32 s0, $0x1  }
0x5: {  	s1 =	rddreg [dreg:$0x2];
	s6 =	sor.u32 s5, s6;
	s5 =	ssub.s32 $0x2, s5  }
0x6: {  	[smem:$0x7FF] =	sst s2;
	s7 =	smul.u32 $0xC80, s6;
	s31 =	sshrl.u32 s5, $0x1  }
0x7: {  	_ =	strace $0x80000047;
	s6 =	sshll.u32 s6, $0x9;
	s5 =	ssub.s32 s5, s31  }
0x8: {  	s3 =	sadd.s32 s3, s6;
	s6 =	simm.s32 $0x1000;
	s4 =	sadd.s32 s7, s4  }
0x9: {  	v0 =	vlaneseq.u32;
	v1 =	vimm.s32 $0x0;
	s5 =	smax.u32 s5, $0x1;
	s7 =	simm.s32 $0x20000;
	s4 =	sadd.s32 $0xC00, s4  }
.LBB2_1:
0xa: {  	v2 =	vor.u32 s2, v0  }
0xb: {  	v3 =	vmulhi.u32 $0x51EB851F, v2;
	_ =	sdelay $0x1  }
0xc: {  	v3 =	vshrl.u32 v3, $0x4  }
0xd: {  	v4 =	vmul.u32 $0xFFFFFFCE, v3;
	_ =	sdelay $0x1  }
0xe: {  	s11 =	simm.s32 $0x10;
	v5 =	vmov s2;
	v2 =	vadd.s32 v2, v4  }
0xf: {  	vm0 =	veq.s32 v5, v0;
	v4 =	vor.u32 s11, v0;
	vm1 =	vne.s32 v2, $0x0  }
0x10: {  	s12 =	simm.s32 $0x20;
	v5 =	vmulhi.u32 $0x51EB851F, v4;
	vm0 =	vmand vm0, vm1  }
0x11: {  	v6 =	vor.u32 s12, v0;
	v7 =	vmov s11;
	v8 =	vsel vm0, $0xFFFFFFFF, v1  }
0x12: {  	v5 =	vshrl.u32 v5, $0x4;
	vm0 =	veq.s32 v7, v0;
	v3 =	vadd.s32 v8, v3  }
0x13: {  	v7 =	vmul.u32 $0xFFFFFFCE, v5;
	v8 =	vshll.u32 v2, $0x9;
	v2 =	vshll.u32 v2, $0x7  }
0x14: {  	v9 =	vshll.u32 v3, $0x3;
	v8 =	vand.u32 $0x7000, v8;
	v2 =	vand.u32 $0x380, v2  }
0x15: {  	s13 =	simm.s32 $0x30;
	v3 =	vand.u32 $0x7F, v3;
	v9 =	vand.u32 $0xFFFFFC00, v9;
	v4 =	vadd.s32 v4, v7  }
0x16: {  	v7 =	vadd.s32 v8, v9;
	vm1 =	vne.s32 v4, $0x0;
	v8 =	vor.u32 s13, v0  }
0x17: {  	v59 =	vshll.u32 v4, $0x9;
	v2 =	vor.u32 v2, v7;
	v7 =	vmulhi.u32 $0x51EB851F, v6  }
0x18: {  	v4 =	vshll.u32 v4, $0x7;
	vm0 =	vmand vm0, vm1;
	v2 =	vor.u32 v3, v2  }
0x19: {  	v3 =	vmov s12;
	v58 =	vsel vm0, $0xFFFFFFFF, v1;
	v7 =	vshrl.u32 v7, $0x4  }
0x1a: {  	[tilespmem:s2], [sflag:$0x1] =	stream.strided.gather [hbm4b:s3+s6], $0x7000, s7, s6, $0x38;
	vm0 =	veq.s32 v3, v0;
	v3 =	vadd.s32 v58, v5;
	v5 =	vmul.u32 $0xFFFFFFCE, v7;
	[tilespmem:$0xD400] =	vst v63  }
0x1b: {  	_ =	swait.ge [sflag:s8], $0x7000;
	v9 =	vand.u32 $0x7000, v59;
	v4 =	vand.u32 $0x380, v4;
	v10 =	vshll.u32 v3, $0x3  }
0x1c: {  	[sflag:s8] =	ssyncset.done $0x0;
	v60 =	vmulhi.u32 $0x51EB851F, v8;
	v10 =	vand.u32 $0xFFFFFC00, v10;
	v5 =	vadd.s32 v6, v5  }
0x1d: {  	[sflag:s8] =	ssyncadd.s32 $0xFFFF9000;
	s11 =	simm.s32 $0x40;
	v3 =	vand.u32 $0x7F, v3;
	v6 =	vadd.s32 v9, v10;
	vm1 =	vne.s32 v5, $0x0  }
0x1e: {  	v4 =	vor.u32 v4, v6;
	v6 =	vld.idx.msk [tilespmem:v2+s2+$0x0], $0xffff;
	v2 =	vor.u32 s11, v0;
	vm0 =	vmand vm0, vm1  }
0x1f: {  	v62 =	vshll.u32 v5, $0x9;
	v61 =	vor.u32 v3, v4;
	v11 =	vsel vm0, $0xFFFFFFFF, v1  }
0x20: {  	v4 =	vmov s13;
	v3 =	vshrl.u32 v60, $0x4;
	v7 =	vadd.s32 v11, v7  }
0x21: {  	vm0 =	veq.s32 v4, v0;
	v4 =	vmul.u32 $0xFFFFFFCE, v3;
	v11 =	vshll.u32 v7, $0x3  }
0x22: {  	v5 =	vshll.u32 v5, $0x7;
	v9 =	vand.u32 $0x7000, v62;
	v11 =	vand.u32 $0xFFFFFC00, v11  }
0x23: {  	v63 =	vand.u32 $0x380, v5;
	v4 =	vadd.s32 v8, v4;
	[tilespmem:s9+$0x0] =	vst v6;
	v8 =	vadd.s32 v9, v11  }
0x24: {  	s12 =	simm.s32 $0x7000;
	s13 =	simm.s32 $0x50;
	vm1 =	vne.s32 v4, $0x0;
	v6 =	vand.u32 $0x7F, v7;
	v5 =	vld.idx.msk [tilespmem:v61+s2+$0x0], $0xffff;
	v7 =	vor.u32 v63, v8  }
.LBB2_2:
0x25: {  	p0 =	sne.s32 s13, $0x63F0;
	v8 =	vmulhi.u32 $0x51EB851F, v2;
	vm0 =	vmand vm0, vm1;
	v6 =	vor.u32 v6, v7  }
0x26: {  	v7 =	vor.u32 s13, v0;
	v9 =	vmov s11;
	s11 =	smov.u32 s13;
	v10 =	vsel vm0, $0xFFFFFFFF, v1  }
.Ltmp0:
0x27: {  	vm0 =	veq.s32 v9, v0;
	v9 =	vadd.s32 v10, v3;
	v3 =	vshrl.u32 v8, $0x4;
	(pc) =	sbr.rel @p0 .LBB2_2-.Ltmp0, $4  }
0x28: {  	s12 =	sadd.s32 $0x10, s12;
	v10 =	vshll.u32 v4, $0x9;
	v8 =	vmul.u32 $0xFFFFFFCE, v3;
	v11 =	vshll.u32 v9, $0x3  }
0x29: {  	v12 =	vshll.u32 v4, $0x7;
	v10 =	vand.u32 $0x7000, v10;
	v11 =	vand.u32 $0xFFFFFC00, v11;
	[tilespmem:s12+$0x0] =	vst v5  }
0x2a: {  	v4 =	vadd.s32 v2, v8;
	v8 =	vadd.s32 v10, v11;
	v10 =	vand.u32 $0x380, v12;
	v5 =	vld.idx.msk [tilespmem:v6+s2+$0x0], $0xffff;
	v2 =	vmovc v7  }
0x2b: {  	s13 =	sadd.s32 $0x10, s13;
	v6 =	vand.u32 $0x7F, v9;
	vm1 =	vne.s32 v4, $0x0;
	v7 =	vor.u32 v10, v8  }
0x2c: {  	v8 =	vmulhi.u32 $0x51EB851F, v2  }
0x2d: {  	vm0 =	vmand vm0, vm1;
	v6 =	vor.u32 v6, v7  }
0x2e: {  	v56 =	vmov s11;
	v9 =	vsel vm0, $0xFFFFFFFF, v1;
	v8 =	vshrl.u32 v8, $0x4  }
0x2f: {  	v10 =	vshll.u32 v4, $0x9;
	v3 =	vadd.s32 v9, v3;
	v57 =	vmul.u32 $0xFFFFFFCE, v8  }
0x30: {  	v59 =	vshll.u32 v4, $0x7;
	vm14 =	veq.s32 v56, v0;
	v58 =	vshll.u32 v3, $0x3  }
0x31: {  	s31 =	sadd.s32 $0x10, s12;
	v10 =	vand.u32 $0x7000, v10;
	v7 =	vand.u32 $0xFFFFFC00, v58;
	v2 =	vadd.s32 v2, v57  }
0x32: {  	v4 =	vand.u32 $0x380, v59;
	[tilespmem:s31+$0x0] =	vst v5;
	v60 =	vadd.s32 v10, v7;
	vm15 =	vne.s32 v2, $0x0  }
0x33: {  	v3 =	vand.u32 $0x7F, v3;
	v6 =	vld.idx.msk [tilespmem:v6+s2+$0x0], $0xffff;
	v4 =	vor.u32 v4, v60;
	vm0 =	vmand vm14, vm15  }
0x34: {  	v3 =	vor.u32 v3, v4;
	v61 =	vsel vm0, $0xFFFFFFFF, v1  }
0x35: {  	v4 =	vadd.s32 v61, v8  }
0x36: {  	v62 =	vshll.u32 v2, $0x9;
	v63 =	vshll.u32 v4, $0x3  }
0x37: {  	s11 =	sadd.s32 $0x10, s31;
	v2 =	vshll.u32 v2, $0x7;
	v5 =	vand.u32 $0x7000, v62;
	v7 =	vand.u32 $0xFFFFFC00, v63  }
0x38: {  	v2 =	vand.u32 $0x380, v2;
	[tilespmem:s11+$0x0] =	vst v6;
	v5 =	vadd.s32 v5, v7  }
0x39: {  	v4 =	vand.u32 $0x7F, v4;
	v3 =	vld.idx.msk [tilespmem:v3+s2+$0x0], $0xffff;
	v2 =	vor.u32 v2, v5  }
0x3a: {  	v2 =	vor.u32 v4, v2;
	_ =	sdelay $0x2  }
0x3b: {  	s11 =	sadd.s32 $0x10, s11  }
0x3c: {  	[tilespmem:s11+$0x0] =	vst v3  }
0x3d: {  	v2 =	vld.idx.msk [tilespmem:v2+s2+$0x0], $0xffff;
	_ =	sdelay $0x2  }
0x3e: {  	s10 =	sadd.s32 $0x1, s10  }
0x3f: {  	p0 =	sne.s32 s10, s5;
	s11 =	sadd.s32 $0x10, s11  }
.Ltmp1:
0x40: {  	[tilespmem:s11+$0x0] =	vst v2;
	(pc) =	sbr.rel @p0 .LBB2_1-.Ltmp1, $4  }
0x41: {  	[hbm4b:s4+s2] =	stream.linear.scatter [tilespmem:s9], [sflag:$0x1], $0x6400, $0x38;
	[tilespmem:$0xD400] =	vst v63  }
0x42: {  	_ =	swait.ge [sflag:s8], $0x6400  }
0x43: {  	[sflag:s8] =	ssyncset.done $0x0  }
0x44: {  	[sflag:s8] =	ssyncadd.s32 $0xFFFF9C00  }
0x45: {  	_ =	sfence.sel $0x180000  }
0x46: {  	[bflag:$0x0] =	sbarrier.arrive $0xFFFF  }
0x47: {  	p0 =	sne.s32 s0, $0x0;
	_ =	strace $0x90000047  }
0x48: {  	s0 =	sadd.s32 @!p0 $0x100000, s1;
	[bflag:$0x2] =	sbarrier.arrive $0xFFFF  }
0x49: {  	[sflag:s0] =	ssyncadd.tile.s32 @!p0 $0x1;
	_ =	shalt  }
.Lfunc_end2:
_tile_overlayer_lowered:
.L_overlay_start_2:
0x4a: {  	(tag) =	ssettag $0x2  }
0x4b: {  	s0 =	rddreg [dreg:$0x0];
	s2 =	stileid.u32  }
0x4c: {  	s1 =	rddreg [dreg:$0x1];
	p0 =	sne.s32 s2, $0x0  }
0x4d: {  	s3 =	rddreg [dreg:$0x2];
	[bflag:$0x3] =	sbarrier.arrive $0xFFFF;
	s2 =	simm.s32 @!p0 $0x1C01  }
0x4e: {  	[timem:s3], [sflag:s2] =	dma.local @!p0 [hbm:s0], s1  }
0x4f: {  	s0 =	simm.s32 @!p0 $0x1  }
0x50: {  	_ =	swait.ge @!p0 [sflag:s0], s1  }
0x51: {  	s1 =	ssub.s32 @!p0 $0x0, s1;
	[sflag:s0] =	ssyncset.done @!p0 $0x0  }
0x52: {  	[sflag:s0] =	ssyncadd.s32 @!p0 s1  }
0x53: {  	[bflag:$0x3] =	sbarrier.arrive $0xFFFF  }
0x54: {  	_ =	shalt  }

// kernel: kernel.7.cloned.1.call-start
scs
__scs_entry_jumppad:
0x0: {  	(pc) =	sbr.rel $0x88, $3  }
0x1: {  	(tag) =	ssettag $0x0;
	lr =	simm.s32 $0x1  }
0x2: {  	[smem:$0x3F9F] =	sst lr;
	_ =	strace $0xD0000000  }
0x3: {  	_ = 	snop  }
0x4: {  	_ = 	snop  }
0x5: {  	_ = 	snop  }
0x6: {  	_ = 	snop  }
0x7: {  	_ = 	snop  }
__scs_overlays_trampoline_lowered:
0x8: {  	[smem:$0x3FAE] =	sst s0  }
0x9: {  	[smem:$0x3FAF] =	sst s1  }
0xa: {  	[smem:$0x3FB0] =	sst s2  }
0xb: {  	[smem:$0x3FB1] =	sst s3  }
0xc: {  	[smem:$0x3FB2] =	sst s4  }
0xd: {  	[smem:$0x3FB3] =	sst s5  }
0xe: {  	[smem:$0x3FB4] =	sst s6  }
0xf: {  	[smem:$0x3FB5] =	sst s7  }
0x10: {  	[smem:$0x3FB6] =	sst s8  }
0x11: {  	[smem:$0x3FB7] =	sst s9;
	s0 =	simm.s32 @!p0 $0x0  }
0x12: {  	s1 =	sld [smem:$0x3F9D];
	s0 =	simm.s32 @p0 $0x1  }
0x13: {  	[smem:$0x3FB8] =	sst s0;
	s0 =	simm.s32 @!p1 $0x0  }
0x14: {  	s2 =	sld [smem:$0x3F9C];
	s0 =	simm.s32 @p1 $0x1  }
0x15: {  	[smem:$0x3FB9] =	sst s0;
	s0 =	simm.s32 @!p2 $0x0  }
0x16: {  	s3 =	sld [smem:$0x3FDB];
	s0 =	simm.s32 @p2 $0x1  }
0x17: {  	s4 =	simm.s32 $0x1BF5;
	[smem:$0x3FBB] =	sst s0  }
0x18: {  	s0 =	sld [smem:$0x3F9E];
	_ =	swait.ge [sflag:s4], $0x0  }
0x19: {  	s7 =	sld [smem:$0x3F9F]  }
0x1a: {  	s8 =	sadd.s32 $0xFFFFE003, lr  }
0x1b: {  	s9 =	sadd.s32 $0xFFFFFEF7, lr;
	s5 =	simm.s32 $0xFFFFFFFF;
	p2 =	slt.u32 s8, $0xFFFFF086  }
0x1c: {  	p1 =	slt.u32 s9, $0xF7A;
	s5 =	simm.s32 @!p2 $0x0  }
0x1d: {  	s5 =	simm.s32 @p1 $0x1;
	p0 =	seq.s32 s7, s2  }
0x1e: {  	s7 =	smul.u32 @!p0 $0xF7A, s2;
	p2 =	seq.s32 @!p0 s5, $0x0  }
0x1f: {  	s9 =	smul.u32 $0xF7A, s1;
	s8 =	simm.s32 @!p0 $0x1BF5;
	p2 =	por !p2, p0  }
0x20: {  	[sflag:s8] =	ssyncset.s32 @!p0 $0xFFFFF086;
	s6 =	sadd.s32 @!p0 s3, s7;
	s7 =	simm.s32 @!p0 $0x108  }
0x21: {  	s3 =	sadd.s32 s3, s9;
	s6 =	sadd.s32 @!p0 $0x88, s6;
	s7 =	simm.s32 @p2 $0x1082  }
0x22: {  	[simem:s7], [sflag:s8] =	dma.local @!p0 [hbm:s6], $0xF7A  }
0x23: {  	s9 =	sor.u32 $0xD0000000, s2;
	s6 =	simm.s32 $0x108;
	_ =	swait.ge @!p0 [sflag:s8], $0x0  }
0x24: {  	s3 =	sadd.s32 $0x88, s3;
	s6 =	simm.s32 @!p1 $0x1082;
	[sflag:s4] =	ssyncset.s32 $0xFFFFF086  }
0x25: {  	[simem:s6], [sflag:s4] =	dma.local [hbm:s3], $0xF7A  }
0x26: {  	[smem:$0x3F9F] =	sst s1;
	(tag) =	ssettag s2;
	_ =	strace s9  }
0x27: {  	s1 =	sld [smem:$0x3FAF]  }
0x28: {  	s2 =	sld [smem:$0x3FB0]  }
0x29: {  	s4 =	sld [smem:$0x3FB2]  }
0x2a: {  	p0 =	seq.s32 s5, $0x0;
	s5 =	sld [smem:$0x3FB3]  }
0x2b: {  	s6 =	sld [smem:$0x3FB4]  }
0x2c: {  	s7 =	sld [smem:$0x3FB5]  }
0x2d: {  	s3 =	simm.s32 $0x108;
	s8 =	sld [smem:$0x3FB6]  }
0x2e: {  	s3 =	simm.s32 @!p0 $0x1082;
	s9 =	sld [smem:$0x3FB7]  }
0x2f: {  	lr =	sadd.s32 s0, s3;
	s0 =	sld [smem:$0x3FAE]  }
0x30: {  	s3 =	sld [smem:$0x3FB1]  }
0x31: {  	[smem:$0x3FBA] =	sst s10  }
0x32: {  	s10 =	sld [smem:$0x3FB8];
	_ =	sdelay $0x3  }
0x33: {  	p0 =	seq.s32 s10, $0x1;
	s10 =	sld [smem:$0x3FBA];
	_ =	sdelay $0x3  }
0x34: {  	[smem:$0x3FBA] =	sst s10  }
0x35: {  	s10 =	sld [smem:$0x3FB9];
	_ =	sdelay $0x3  }
0x36: {  	p1 =	seq.s32 s10, $0x1;
	s10 =	sld [smem:$0x3FBA];
	_ =	sdelay $0x3  }
0x37: {  	[smem:$0x3FBA] =	sst s10  }
0x38: {  	s10 =	sld [smem:$0x3FBB]  }
0x39: {  	_ = 	snop;
	(pc) =	sbr.ind lr, $3  }
0x3a: {  	_ = 	snop  }
0x3b: {  	_ = 	snop  }
0x3c: {  	p2 =	seq.s32 s10, $0x1;
	s10 =	sld [smem:$0x3FBA]  }
0x3d: {  	_ =	shalt  }
0x3e: {  	_ =	shalt  }
0x3f: {  	_ =	shalt  }
0x40: {  	_ =	shalt  }
0x41: {  	_ =	shalt  }
0x42: {  	_ =	shalt  }
0x43: {  	_ =	shalt  }
0x44: {  	_ =	shalt  }
0x45: {  	_ =	shalt  }
0x46: {  	_ =	shalt  }
0x47: {  	_ =	shalt  }
0x48: {  	_ =	shalt  }
0x49: {  	_ =	shalt  }
0x4a: {  	_ =	shalt  }
0x4b: {  	_ =	shalt  }
0x4c: {  	_ =	shalt  }
0x4d: {  	_ =	shalt  }
0x4e: {  	_ =	shalt  }
0x4f: {  	_ =	shalt  }
0x50: {  	_ =	shalt  }
0x51: {  	_ =	shalt  }
0x52: {  	_ =	shalt  }
0x53: {  	_ =	shalt  }
0x54: {  	_ =	shalt  }
0x55: {  	_ =	shalt  }
0x56: {  	_ =	shalt  }
0x57: {  	_ =	shalt  }
0x58: {  	_ =	shalt  }
0x59: {  	_ =	shalt  }
0x5a: {  	_ =	shalt  }
0x5b: {  	_ =	shalt  }
0x5c: {  	_ =	shalt  }
0x5d: {  	_ =	shalt  }
0x5e: {  	_ =	shalt  }
0x5f: {  	_ =	shalt  }
0x60: {  	_ =	shalt  }
0x61: {  	_ =	shalt  }
0x62: {  	_ =	shalt  }
0x63: {  	_ =	shalt  }
0x64: {  	_ =	shalt  }
0x65: {  	_ =	shalt  }
0x66: {  	_ =	shalt  }
0x67: {  	_ =	shalt  }
0x68: {  	_ =	shalt  }
0x69: {  	_ =	shalt  }
0x6a: {  	_ =	shalt  }
0x6b: {  	_ =	shalt  }
0x6c: {  	_ =	shalt  }
0x6d: {  	_ =	shalt  }
0x6e: {  	_ =	shalt  }
0x6f: {  	_ =	shalt  }
0x70: {  	_ =	shalt  }
0x71: {  	_ =	shalt  }
0x72: {  	_ =	shalt  }
0x73: {  	_ =	shalt  }
0x74: {  	_ =	shalt  }
0x75: {  	_ =	shalt  }
0x76: {  	_ =	shalt  }
0x77: {  	_ =	shalt  }
0x78: {  	_ =	shalt  }
0x79: {  	_ =	shalt  }
0x7a: {  	_ =	shalt  }
0x7b: {  	_ =	shalt  }
0x7c: {  	_ =	shalt  }
0x7d: {  	_ =	shalt  }
0x7e: {  	_ =	shalt  }
0x7f: {  	_ =	shalt  }
0x80: {  	_ =	shalt  }
0x81: {  	_ =	shalt  }
0x82: {  	_ =	shalt  }
0x83: {  	_ =	shalt  }
0x84: {  	_ =	shalt  }
0x85: {  	_ =	shalt  }
0x86: {  	_ =	shalt  }
0x87: {  	_ =	shalt  }
.Lfunc_end0:
.L_simem_size_0:
called_computation.2_lowered:
.L_overlay_start_0:
0x88: {  	s2 =	sld [smem:$0x3FD9]  }
0x89: {  	s3 =	sld [smem:$0x3FFE];
	_ =	sdelay $0x1  }
0x8a: {  	s1 =	srdreg.scid  }
0x8b: {  	s0 =	sand.u32 $0x1, s1  }
0x8c: {  	s17 =	sshll.u32 s0, $0xA;
	s2 =	sadd.s32 s3, s2  }
0x8d: {  	s2 =	sadd.s32 s2, s17  }
0x8e: {  	[smem:$0x3FC6] =	sst s2  }
0x8f: {  	_ = 	snop  }
0x90: {  	s2 =	sld [smem:$0x3FD0];
	(tm) =	ssettm $0x1  }
0x91: {  	s18 =	sld [smem:$0x3FFB];
	_ =	sdelay $0x3  }
0x92: {  	_ =	strace s18  }
0x93: {  	s3 =	sld [smem:$0x3FFC];
	_ =	sdelay $0x3  }
0x94: {  	_ =	strace s3  }
0x95: {  	s3 =	sld [smem:$0x3FFD];
	_ =	sdelay $0x3  }
0x96: {  	_ =	strace s3  }
0x97: {  	_ =	strace $0x8FFFFFFF  }
0x98: {  	s19 =	sld [smem:$0x3FDB];
	_ =	sdelay $0x1  }
0x99: {  	s4 =	simm.s32 $_scs_section_size  }
0x9a: {  	s5 =	simm.s32 $_size__tile_overlayer_lowered;
	s6 =	simm.s32 $_tile_overlayer_lowered  }
0x9b: {  	s22 =	simm.s32 $0x1BFF;
	s21 =	sshll.u32 s6, $0x1;
	s3 =	sadd.s32 s4, s19  }
0x9c: {  	s7 =	simm.s32 $0x0;
	s20 =	sshll.u32 s5, $0x1;
	s5 =	sadd.s32 s21, s3  }
0x9d: {  	[timem:s7], [sflag:s22] =	dma.local [hbm:s5], s20  }
0x9e: {  	_ =	swait.ge [sflag:s22], s20  }
0x9f: {  	s4 =	ssub.s32 $0x0, s20;
	[sflag:s22] =	ssyncset.done $0x0  }
0xa0: {  	[sflag:s22] =	ssyncadd.s32 s4;
	_ =	sdelay $0x1  }
0xa1: {  	s23 =	simm.s32 $0x1B8B  }
0xa2: {  	_ =	swait.ge [sflag:s23], $0x1  }
0xa3: {  	[sflag:s23] =	ssyncset.done $0x0  }
0xa4: {  	s25 =	simm.s32 $0x1B8E;
	s24 =	sld [smem:$0x3FFE];
	[sflag:s23] =	ssyncadd.s32 $0xFFFFFFFF  }
0xa5: {  	s26 =	simm.s32 $execute0_lowered;
	[smem:$0x3FD2] =	sst s25  }
0xa6: {  	s5 =	sshll.u32 s26, $0x1;
	_ =	strace $0x80000049;
	[dreg:$0x1] =	wrdreg $0xFFFFFFFF  }
0xa7: {  	s28 =	simm.s32 $_size_execute0_lowered;
	s3 =	sadd.s32 s3, s5;
	[dreg:$0x0] =	wrdreg $0x0  }
0xa8: {  	s5 =	sshll.u32 s28, $0x1;
	[dreg:$0x2] =	wrdreg s3  }
0xa9: {  	[dreg:$0x3] =	wrdreg s5  }
0xaa: {  	[dreg:$0x4] =	wrdreg $0xC0  }
0xab: {  	_ =	task [dreg:s7], $0x5FFFF  }
0xac: {  	[dreg:$0x1] =	wrdreg $0xFFFFFFFF  }
0xad: {  	[dreg:$0x0] =	wrdreg $0x60  }
0xae: {  	[dreg:$0x2] =	wrdreg s24  }
0xaf: {  	[dreg:$0x3] =	wrdreg s2  }
0xb0: {  	[dreg:$0x4] =	wrdreg $0x9  }
0xb1: {  	_ =	task.clear_ibuf [dreg:s7], $0x5FFFF;
	_ =	strace $0x90000049  }
0xb2: {  	s29 =	simm.s32 $0x9;
	_ =	strace $0x8000004B  }
0xb3: {  	_ =	swait.ge [sflag:s29], $0x1  }
0xb4: {  	[sflag:s29] =	ssyncadd.s32 $0xFFFFFFFF  }
0xb5: {  	_ =	strace $0x9000004B  }
0xb6: {  	_ =	sfence  }
0xb7: {  	s30 =	sld [smem:$0x0];
	_ =	sdelay $0x2  }
0xb8: {  	s31 =	sshll.u32 s1, $0xD;
	s1 =	sshrl.u32 s1, $0x2  }
0xb9: {  	s3 =	sand.u32 $0x4000, s31;
	s1 =	sadd.s32 s1, s30  }
0xba: {  	s0 =	sor.u32 s3, s0;
	s1 =	sshll.u32 s1, $0x11  }
0xbb: {  	s0 =	sor.u32 s1, s0  }
0xbc: {  	s0 =	sadd.s32 $0x8F2B, s0  }
0xbd: {  	[sflag:s0] =	ssyncadd.remote.s32 $0x1  }
0xbe: {  	_ =	sfence.sel $0xFFFF  }
0xbf: {  	[dreg:$0x0] =	wrdreg $0xFFFFFFFF;
	(pc) =	sbr.abs _section_cstart, $3  }
0xc0: {  	[dreg:$0x1] =	wrdreg $0xFFFFFFFF  }
0xc1: {  	_ =	task.clear_ibuf [dreg:s7], $0x2FFFF;
	_ =	strace $0x9FFFFFFF  }
0xc2: {  	(tm) =	ssettm $0x7FFFFFFF  }
0xc3: {  	_ =	shalt  }
tec
execute0_lowered:
.L_overlay_start_1:
0x0: {  	(tag) =	ssettag $0x1  }
0x1: {  	s1 =	rddreg [dreg:$0x0]  }
0x2: {  	s2 =	srdreg.scid;
	s9 =	stileid.u32  }
0x3: {  	s0 =	rddreg [dreg:$0x1];
	s28 =	simm.s32 $0xC800;
	s30 =	simm.s32 $0xFA00  }
0x4: {  	s4 =	sand.u32 $0x1, s2;
	s3 =	sshll.u32 s9, $0x1;
	s21 =	smul.u32 $0x320000, s9  }
0x5: {  	s31 =	simm.s32 $0x1;
	s5 =	sor.u32 s4, s3;
	s23 =	smul.u32 $0x190000, s4  }
0x6: {  	s29 =	simm.s32 $0x5;
	s2 =	simm.s32 $0x0;
	s3 =	smul.u32 $0xC80, s5  }
0x7: {  	[smem:$0x7FF] =	sst s2;
	s17 =	ssub.s32 $0x2, s4;
	s6 =	smul.u32 $0x32000, s5  }
0x8: {  	s4 =	smul.u32 $0x32000, s4;
	_ =	strace $0x8000004A;
	s8 =	sshrl.u32 s17, $0x1  }
0x9: {  	s5 =	smul.u32 $0x190000, s5;
	s7 =	sadd.s32 s3, s1;
	s10 =	sadd.s32 s0, s6  }
0xa: {  	s3 =	sadd.s32 $0xF5C000, s1;
	s18 =	sadd.s32 $0xC00, s7;
	[dreg:$0x10] =	wrdreg s10  }
0xb: {  	s1 =	ssub.s32 s17, s8;
	s19 =	sadd.s32 $0x190, s10;
	[dreg:$0x11] =	wrdreg s18  }
0xc: {  	s5 =	sshrl.u32 s5, $0x3;
	s20 =	sadd.s32 $0x320, s10;
	[dreg:$0x12] =	wrdreg s19  }
0xd: {  	s6 =	sadd.s32 s23, s21;
	s22 =	sadd.s32 $0x4B0, s10;
	[dreg:$0x13] =	wrdreg s20  }
0xe: {  	s5 =	sadd.s32 s0, s5;
	s1 =	smax.u32 s1, $0x1;
	[dreg:$0x14] =	wrdreg s22  }
0xf: {  	s21 =	smul.u32 $0x64000, s9;
	s24 =	sadd.s32 $0x30D40, s5;
	[smem:$0x7FD] =	sst s1  }
0x10: {  	s14 =	sor.u32 $0xBB80, s6;
	s25 =	sadd.s32 $0x30ED0, s5;
	[dreg:$0x15] =	wrdreg s24  }
0x11: {  	s16 =	sor.u32 $0xAF00, s6;
	s26 =	sadd.s32 $0x31060, s5;
	[dreg:$0x16] =	wrdreg s25  }
0x12: {  	s10 =	sadd.s32 $0x311F0, s5;
	s11 =	sadd.s32 $0x31380, s5;
	[dreg:$0x17] =	wrdreg s26  }
0x13: {  	s12 =	sadd.s32 $0x31510, s5;
	s13 =	sadd.s32 $0x316A0, s5;
	[dreg:$0x18] =	wrdreg s10  }
0x14: {  	s15 =	sadd.s32 $0x31830, s5;
	s7 =	sshrl.u32 s14, $0x3;
	[dreg:$0x19] =	wrdreg s11  }
0x15: {  	s17 =	sadd.s32 $0x319C0, s5;
	s8 =	sshrl.u32 s16, $0x3;
	[dreg:$0x1a] =	wrdreg s12  }
0x16: {  	s19 =	sor.u32 $0xA280, s6;
	s22 =	sadd.s32 $0x31B50, s5;
	[dreg:$0x1b] =	wrdreg s13  }
0x17: {  	s23 =	sadd.s32 s21, s0;
	s14 =	sor.u32 $0x5780, s6;
	[dreg:$0x1c] =	wrdreg s15  }
0x18: {  	s1 =	simm.s32 $0x7D00;
	[dreg:$0x1d] =	wrdreg s17;
	s7 =	sadd.s32 s7, s0  }
0x19: {  	s18 =	sadd.s32 s8, s0;
	s20 =	sshrl.u32 s19, $0x3;
	[dreg:$0x1e] =	wrdreg s22  }
0x1a: {  	s24 =	sor.u32 $0x8980, s6;
	s4 =	sadd.s32 s4, s23;
	s26 =	sor.u32 $0x7D00, s6  }
0x1b: {  	s12 =	sor.u32 $0x7080, s6;
	s15 =	sadd.s32 $0x31CE0, s5;
	s17 =	sor.u32 $0x4B00, s6  }
0x1c: {  	s19 =	sor.u32 $0x3E80, s6;
	s5 =	sadd.s32 $0x31E70, s5;
	[dreg:$0x3] =	wrdreg s7  }
0x1d: {  	s22 =	sor.u32 $0xED80, s6;
	s8 =	simm.s32 $0xBB80;
	[dreg:$0x4] =	wrdreg s18  }
0x1e: {  	s7 =	sadd.s32 s20, s0;
	s25 =	sshrl.u32 s24, $0x3;
	[dreg:$0x6] =	wrdreg s4  }
0x1f: {  	s10 =	sshrl.u32 s26, $0x3;
	s13 =	sshrl.u32 s12, $0x3;
	[dreg:$0x1f] =	wrdreg s15  }
0x20: {  	s18 =	sshrl.u32 s17, $0x3;
	[smem:$0x7FC] =	sst s5;
	s20 =	sshrl.u32 s19, $0x3  }
0x21: {  	s23 =	sshrl.u32 s22, $0x3;
	s24 =	sor.u32 $0xE100, s6;
	s6 =	sor.u32 $0xD480, s6  }
0x22: {  	s12 =	simm.s32 $0xE100;
	s15 =	simm.s32 $0x4;
	s17 =	simm.s32 $0x11300  }
0x23: {  	[dreg:$0x5] =	wrdreg s7;
	s9 =	sadd.s32 s25, s0;
	s11 =	sadd.s32 s10, s0  }
0x24: {  	s4 =	sadd.s32 s13, s0;
	s7 =	sshrl.u32 s14, $0x3;
	s21 =	sadd.s32 s20, s0  }
0x25: {  	s5 =	sshrl.u32 s24, $0x3;
	s26 =	sshrl.u32 s6, $0x3;
	s24 =	simm.s32 $0x6400  }
0x26: {  	s10 =	simm.s32 $0x3;
	s13 =	simm.s32 $0xED80;
	[dreg:$0x7] =	wrdreg s9  }
0x27: {  	s14 =	simm.s32 $0x7;
	s6 =	simm.s32 $0x0;
	[dreg:$0x8] =	wrdreg s11  }
0x28: {  	[dreg:$0x9] =	wrdreg s4;
	s16 =	sadd.s32 s7, s0;
	s4 =	sadd.s32 s18, s0  }
0x29: {  	[dreg:$0xc] =	wrdreg s21;
	s25 =	sadd.s32 s5, s0;
	s5 =	simm.s32 $0x2  }
0x2a: {  	s9 =	simm.s32 $0x6;
	s11 =	simm.s32 $0xD480;
	[dreg:$0xa] =	wrdreg s16  }
0x2b: {  	s18 =	simm.s32 $0x11F80;
	[dreg:$0xb] =	wrdreg s4;
	s4 =	sadd.s32 s23, s0  }
0x2c: {  	[dreg:$0xe] =	wrdreg s25;
	s0 =	sadd.s32 s26, s0;
	s23 =	simm.s32 $0xC8  }
0x2d: {  	s25 =	simm.s32 $0x9600;
	s26 =	simm.s32 $0x7080;
	[dreg:$0xd] =	wrdreg s4  }
0x2e: {  	s16 =	simm.s32 $0x10680;
	[dreg:$0xf] =	wrdreg s0;
	s4 =	simm.s32 $0x8  }
.LBB2_1:
0x2f: {  	[smem:$0x7FB] =	sst s6  }
0x30: {  	s0 =	rddreg [dreg:$0x11];
	s21 =	simm.s32 $0x9  }
0x31: {  	[tilespmem:s2], [sflag:$0x9] =	stream.linear.gather [hbm4b:s0+s2], $0x6400, $0x38;
	[tilespmem:$0x12C00] =	vst v63  }
0x32: {  	_ =	swait.ge [sflag:s21], $0x6400  }
0x33: {  	[sflag:s21] =	ssyncset.done $0x0  }
0x34: {  	[sflag:s21] =	ssyncadd.s32 $0xFFFF9C00  }
0x35: {  	[tilespmem:s24], [sflag:$0x1] =	stream.indirect.gather [hbm4b:s3+s23], $0x40, s2, s23, $0xb8;
	[tilespmem:$0x12C00] =	vst v63  }
0x36: {  	_ = 	snop  }
0x37: {  	[tilespmem:s25], [sflag:$0x2] =	stream.indirect.gather [hbm4b:s3+s23], $0x40, s23, s23, $0xb8;
	[tilespmem:$0x12C00] =	vst v63  }
0x38: {  	s22 =	simm.s32 $0x190  }
0x39: {  	[tilespmem:s28], [sflag:$0x3] =	stream.indirect.gather [hbm4b:s3+s23], $0x40, s22, s23, $0xb8;
	[tilespmem:$0x12C00] =	vst v63  }
0x3a: {  	s6 =	simm.s32 $0x258  }
0x3b: {  	[tilespmem:s30], [sflag:$0x4] =	stream.indirect.gather [hbm4b:s3+s23], $0x40, s6, s23, $0xb8;
	[tilespmem:$0x12C00] =	vst v63  }
0x3c: {  	_ =	swait.ge [sflag:s31], $0x3200  }
0x3d: {  	[sflag:s31] =	ssyncset.done $0x0  }
0x3e: {  	s7 =	rddreg [dreg:$0x10];
	[sflag:s31] =	ssyncadd.s32 $0xFFFFCE00  }
0x3f: {  	[hbm4b:s7+s2] =	stream.linear.scatter [tilespmem:s24], [sflag:$0x5], $0xC80, $0x38;
	[tilespmem:$0x12C00] =	vst v63  }
0x40: {  	s19 =	rddreg [dreg:$0x12]  }
0x41: {  	[hbm4b:s19+s2] =	stream.linear.scatter [tilespmem:s26], [sflag:$0x5], $0xC80, $0x38;
	[tilespmem:$0x12C00] =	vst v63  }
0x42: {  	s20 =	rddreg [dreg:$0x13]  }
0x43: {  	[hbm4b:s20+s2] =	stream.linear.scatter [tilespmem:s1], [sflag:$0x5], $0xC80, $0x38;
	[tilespmem:$0x12C00] =	vst v63  }
0x44: {  	s22 =	simm.s32 $0x8980;
	s21 =	rddreg [dreg:$0x14]  }
0x45: {  	[hbm4b:s21+s2] =	stream.linear.scatter [tilespmem:s22], [sflag:$0x5], $0xC80, $0x38;
	[tilespmem:$0x12C00] =	vst v63  }
0x46: {  	_ =	swait.ge [sflag:s29], $0xC80  }
0x47: {  	[sflag:s29] =	ssyncset.done $0x0  }
0x48: {  	[sflag:s29] =	ssyncadd.s32 $0xFFFFF380  }
0x49: {  	_ =	swait.ge [sflag:s29], $0xC80  }
0x4a: {  	[sflag:s29] =	ssyncset.done $0x0  }
0x4b: {  	[sflag:s29] =	ssyncadd.s32 $0xFFFFF380  }
0x4c: {  	_ =	swait.ge [sflag:s29], $0xC80  }
0x4d: {  	[sflag:s29] =	ssyncset.done $0x0  }
0x4e: {  	[sflag:s29] =	ssyncadd.s32 $0xFFFFF380  }
0x4f: {  	_ =	swait.ge [sflag:s29], $0xC80  }
0x50: {  	[sflag:s29] =	ssyncset.done $0x0  }
0x51: {  	s19 =	simm.s32 $0x320;
	[sflag:s29] =	ssyncadd.s32 $0xFFFFF380  }
0x52: {  	[tilespmem:s24], [sflag:$0x1] =	stream.indirect.gather [hbm4b:s3+s23], $0x40, s19, s23, $0xb8;
	[tilespmem:$0x12C00] =	vst v63  }
0x53: {  	_ =	swait.ge [sflag:s5], $0x3200  }
0x54: {  	s6 =	rddreg [dreg:$0x6]  }
0x55: {  	[sflag:s5] =	ssyncset.done $0x0;
	s19 =	sadd.s32 $0x0, s6  }
0x56: {  	s20 =	rddreg [dreg:$0xc];
	[sflag:s5] =	ssyncadd.s32 $0xFFFFCE00;
	s21 =	sadd.s32 $0x640, s19  }
0x57: {  	[hbm4b:s21+s2] =	stream.linear.scatter [tilespmem:s25], [sflag:$0x6], $0xC80, $0x38;
	[tilespmem:$0x12C00] =	vst v63  }
0x58: {  	s22 =	simm.s32 $0xA280;
	s7 =	rddreg [dreg:$0xb];
	s20 =	sadd.s32 $0x0, s20  }
0x59: {  	[hbm4b:s20+s2] =	stream.linear.scatter [tilespmem:s22], [sflag:$0x6], $0xC80, $0x38;
	[tilespmem:$0x12C00] =	vst v63  }
0x5a: {  	s6 =	rddreg [dreg:$0xa];
	s21 =	sadd.s32 $0x0, s7;
	s7 =	simm.s32 $0xAF00  }
0x5b: {  	[hbm4b:s21+s2] =	stream.linear.scatter [tilespmem:s7], [sflag:$0x6], $0xC80, $0x38;
	[tilespmem:$0x12C00] =	vst v63  }
0x5c: {  	s20 =	sadd.s32 $0x0, s6  }
0x5d: {  	[hbm4b:s20+s2] =	stream.linear.scatter [tilespmem:s8], [sflag:$0x6], $0xC80, $0x38;
	[tilespmem:$0x12C00] =	vst v63  }
0x5e: {  	_ =	swait.ge [sflag:s9], $0xC80  }
0x5f: {  	[sflag:s9] =	ssyncset.done $0x0  }
0x60: {  	[sflag:s9] =	ssyncadd.s32 $0xFFFFF380  }
0x61: {  	_ =	swait.ge [sflag:s9], $0xC80  }
0x62: {  	[sflag:s9] =	ssyncset.done $0x0  }
0x63: {  	[sflag:s9] =	ssyncadd.s32 $0xFFFFF380  }
0x64: {  	_ =	swait.ge [sflag:s9], $0xC80  }
0x65: {  	[sflag:s9] =	ssyncset.done $0x0  }
0x66: {  	[sflag:s9] =	ssyncadd.s32 $0xFFFFF380  }
0x67: {  	_ =	swait.ge [sflag:s9], $0xC80  }
0x68: {  	[sflag:s9] =	ssyncset.done $0x0  }
0x69: {  	s21 =	simm.s32 $0x3E8;
	[sflag:s9] =	ssyncadd.s32 $0xFFFFF380  }
0x6a: {  	[tilespmem:s25], [sflag:$0x2] =	stream.indirect.gather [hbm4b:s3+s23], $0x40, s21, s23, $0xb8;
	[tilespmem:$0x12C00] =	vst v63  }
0x6b: {  	_ =	swait.ge [sflag:s10], $0x3200  }
0x6c: {  	[sflag:s10] =	ssyncset.done $0x0  }
0x6d: {  	s0 =	sadd.s32 $0xC80, s19;
	s22 =	rddreg [dreg:$0x9];
	[sflag:s10] =	ssyncadd.s32 $0xFFFFCE00  }
0x6e: {  	[hbm4b:s0+s2] =	stream.linear.scatter [tilespmem:s28], [sflag:$0x7], $0xC80, $0x38;
	[tilespmem:$0x12C00] =	vst v63  }
0x6f: {  	s6 =	rddreg [dreg:$0x8];
	s20 =	sadd.s32 $0x0, s22  }
0x70: {  	[hbm4b:s20+s2] =	stream.linear.scatter [tilespmem:s11], [sflag:$0x7], $0xC80, $0x38;
	[tilespmem:$0x12C00] =	vst v63  }
0x71: {  	s7 =	rddreg [dreg:$0x7];
	s21 =	sadd.s32 $0x0, s6  }
0x72: {  	[hbm4b:s21+s2] =	stream.linear.scatter [tilespmem:s12], [sflag:$0x7], $0xC80, $0x38;
	[tilespmem:$0x12C00] =	vst v63  }
0x73: {  	s20 =	sadd.s32 $0x0, s7  }
0x74: {  	[hbm4b:s20+s2] =	stream.linear.scatter [tilespmem:s13], [sflag:$0x7], $0xC80, $0x38;
	[tilespmem:$0x12C00] =	vst v63  }
0x75: {  	_ =	swait.ge [sflag:s14], $0xC80  }
0x76: {  	[sflag:s14] =	ssyncset.done $0x0  }
0x77: {  	[sflag:s14] =	ssyncadd.s32 $0xFFFFF380  }
0x78: {  	_ =	swait.ge [sflag:s14], $0xC80  }
0x79: {  	[sflag:s14] =	ssyncset.done $0x0  }
0x7a: {  	[sflag:s14] =	ssyncadd.s32 $0xFFFFF380  }
0x7b: {  	_ =	swait.ge [sflag:s14], $0xC80  }
0x7c: {  	[sflag:s14] =	ssyncset.done $0x0  }
0x7d: {  	[sflag:s14] =	ssyncadd.s32 $0xFFFFF380  }
0x7e: {  	_ =	swait.ge [sflag:s14], $0xC80  }
0x7f: {  	[sflag:s14] =	ssyncset.done $0x0  }
0x80: {  	s22 =	simm.s32 $0x4B0;
	[sflag:s14] =	ssyncadd.s32 $0xFFFFF380  }
0x81: {  	[tilespmem:s28], [sflag:$0x3] =	stream.indirect.gather [hbm4b:s3+s23], $0x40, s22, s23, $0xb8;
	[tilespmem:$0x12C00] =	vst v63  }
0x82: {  	_ =	swait.ge [sflag:s15], $0x3200  }
0x83: {  	[sflag:s15] =	ssyncset.done $0x0  }
0x84: {  	s6 =	sadd.s32 $0x12C0, s19;
	s0 =	rddreg [dreg:$0x5];
	[sflag:s15] =	ssyncadd.s32 $0xFFFFCE00  }
0x85: {  	[hbm4b:s6+s2] =	stream.linear.scatter [tilespmem:s30], [sflag:$0x8], $0xC80, $0x38;
	[tilespmem:$0x12C00] =	vst v63  }
0x86: {  	s7 =	rddreg [dreg:$0x4];
	s20 =	sadd.s32 $0x0, s0  }
0x87: {  	[hbm4b:s20+s2] =	stream.linear.scatter [tilespmem:s16], [sflag:$0x8], $0xC80, $0x38;
	[tilespmem:$0x12C00] =	vst v63  }
0x88: {  	s22 =	rddreg [dreg:$0x3];
	s21 =	sadd.s32 $0x0, s7  }
0x89: {  	[hbm4b:s21+s2] =	stream.linear.scatter [tilespmem:s17], [sflag:$0x8], $0xC80, $0x38;
	[tilespmem:$0x12C00] =	vst v63  }
0x8a: {  	s20 =	sadd.s32 $0x0, s22  }
0x8b: {  	[hbm4b:s20+s2] =	stream.linear.scatter [tilespmem:s18], [sflag:$0x8], $0xC80, $0x38;
	[tilespmem:$0x12C00] =	vst v63  }
0x8c: {  	_ =	swait.ge [sflag:s4], $0xC80  }
0x8d: {  	[sflag:s4] =	ssyncset.done $0x0  }
0x8e: {  	[sflag:s4] =	ssyncadd.s32 $0xFFFFF380  }
0x8f: {  	_ =	swait.ge [sflag:s4], $0xC80  }
0x90: {  	[sflag:s4] =	ssyncset.done $0x0  }
0x91: {  	[sflag:s4] =	ssyncadd.s32 $0xFFFFF380  }
0x92: {  	_ =	swait.ge [sflag:s4], $0xC80  }
0x93: {  	[sflag:s4] =	ssyncset.done $0x0  }
0x94: {  	[sflag:s4] =	ssyncadd.s32 $0xFFFFF380  }
0x95: {  	_ =	swait.ge [sflag:s4], $0xC80  }
0x96: {  	[sflag:s4] =	ssyncset.done $0x0  }
0x97: {  	s0 =	simm.s32 $0x578;
	[sflag:s4] =	ssyncadd.s32 $0xFFFFF380  }
0x98: {  	[tilespmem:s30], [sflag:$0x4] =	stream.indirect.gather [hbm4b:s3+s23], $0x40, s0, s23, $0xb8;
	[tilespmem:$0x12C00] =	vst v63  }
0x99: {  	_ =	swait.ge [sflag:s31], $0x3200  }
0x9a: {  	s19 =	sadd.s32 $0x1900, s19;
	[sflag:s31] =	ssyncset.done $0x0;
	s6 =	rddreg [dreg:$0xf]  }
0x9b: {  	s21 =	simm.s32 $0x898;
	s7 =	rddreg [dreg:$0xe];
	[sflag:s31] =	ssyncadd.s32 $0xFFFFCE00  }
0x9c: {  	[hbm4b:s19+s2] =	stream.linear.scatter [tilespmem:s24], [sflag:$0x5], $0xC80, $0x38;
	[tilespmem:$0x12C00] =	vst v63  }
0x9d: {  	s22 =	rddreg [dreg:$0xd];
	s20 =	sadd.s32 $0x0, s6;
	s6 =	simm.s32 $0x7D00  }
0x9e: {  	[hbm4b:s20+s2] =	stream.linear.scatter [tilespmem:s26], [sflag:$0x5], $0xC80, $0x38;
	[tilespmem:$0x12C00] =	vst v63  }
0x9f: {  	s19 =	sadd.s32 $0x0, s22;
	s26 =	sadd.s32 $0x0, s7;
	s20 =	simm.s32 $0x1900  }
0xa0: {  	[hbm4b:s26+s2] =	stream.linear.scatter [tilespmem:s1], [sflag:$0x5], $0xC80, $0x38;
	[tilespmem:$0x12C00] =	vst v63  }
.LBB2_2:
0xa1: {  	s0 =	simm.s32 $0x8980  }
0xa2: {  	[hbm4b:s19+s2] =	stream.linear.scatter [tilespmem:s0], [sflag:$0x5], $0xC80, $0x38;
	[tilespmem:$0x12C00] =	vst v63  }
0xa3: {  	_ =	swait.ge [sflag:s29], $0xC80  }
0xa4: {  	[sflag:s29] =	ssyncset.done $0x0  }
0xa5: {  	[sflag:s29] =	ssyncadd.s32 $0xFFFFF380  }
0xa6: {  	_ =	swait.ge [sflag:s29], $0xC80  }
0xa7: {  	[sflag:s29] =	ssyncset.done $0x0  }
0xa8: {  	[sflag:s29] =	ssyncadd.s32 $0xFFFFF380  }
0xa9: {  	_ =	swait.ge [sflag:s29], $0xC80  }
0xaa: {  	[sflag:s29] =	ssyncset.done $0x0  }
0xab: {  	[sflag:s29] =	ssyncadd.s32 $0xFFFFF380  }
0xac: {  	_ =	swait.ge [sflag:s29], $0xC80  }
0xad: {  	[sflag:s29] =	ssyncset.done $0x0  }
0xae: {  	s0 =	sadd.s32 $0xFFFFFDA8, s21;
	[sflag:s29] =	ssyncadd.s32 $0xFFFFF380  }
0xaf: {  	[tilespmem:s24], [sflag:$0x1] =	stream.indirect.gather [hbm4b:s3+s23], $0x40, s0, s23, $0xb8;
	[tilespmem:$0x12C00] =	vst v63  }
0xb0: {  	_ =	swait.ge [sflag:s5], $0x3200  }
0xb1: {  	s22 =	smov.u32 s20;
	s1 =	rddreg [dreg:$0x6]  }
0xb2: {  	[sflag:s5] =	ssyncset.done $0x0;
	s19 =	sadd.s32 s22, s1  }
0xb3: {  	s1 =	rddreg [dreg:$0xc];
	[sflag:s5] =	ssyncadd.s32 $0xFFFFCE00;
	s7 =	sadd.s32 $0x640, s19  }
0xb4: {  	[hbm4b:s7+s2] =	stream.linear.scatter [tilespmem:s25], [sflag:$0x6], $0xC80, $0x38;
	[tilespmem:$0x12C00] =	vst v63  }
0xb5: {  	s26 =	rddreg [dreg:$0xb];
	s0 =	sadd.s32 s22, s1;
	s7 =	simm.s32 $0xA280  }
0xb6: {  	[hbm4b:s0+s2] =	stream.linear.scatter [tilespmem:s7], [sflag:$0x6], $0xC80, $0x38;
	[tilespmem:$0x12C00] =	vst v63  }
0xb7: {  	s1 =	rddreg [dreg:$0xa];
	s7 =	sadd.s32 s22, s26;
	s26 =	simm.s32 $0xAF00  }
0xb8: {  	[hbm4b:s7+s2] =	stream.linear.scatter [tilespmem:s26], [sflag:$0x6], $0xC80, $0x38;
	[tilespmem:$0x12C00] =	vst v63  }
0xb9: {  	s26 =	sadd.s32 s22, s1  }
0xba: {  	[hbm4b:s26+s2] =	stream.linear.scatter [tilespmem:s8], [sflag:$0x6], $0xC80, $0x38;
	[tilespmem:$0x12C00] =	vst v63  }
0xbb: {  	_ =	swait.ge [sflag:s9], $0xC80  }
0xbc: {  	[sflag:s9] =	ssyncset.done $0x0  }
0xbd: {  	[sflag:s9] =	ssyncadd.s32 $0xFFFFF380  }
0xbe: {  	_ =	swait.ge [sflag:s9], $0xC80  }
0xbf: {  	[sflag:s9] =	ssyncset.done $0x0  }
0xc0: {  	[sflag:s9] =	ssyncadd.s32 $0xFFFFF380  }
0xc1: {  	_ =	swait.ge [sflag:s9], $0xC80  }
0xc2: {  	[sflag:s9] =	ssyncset.done $0x0  }
0xc3: {  	[sflag:s9] =	ssyncadd.s32 $0xFFFFF380  }
0xc4: {  	_ =	swait.ge [sflag:s9], $0xC80  }
0xc5: {  	[sflag:s9] =	ssyncset.done $0x0  }
0xc6: {  	s1 =	sadd.s32 $0xFFFFFE70, s21;
	[sflag:s9] =	ssyncadd.s32 $0xFFFFF380  }
0xc7: {  	[tilespmem:s25], [sflag:$0x2] =	stream.indirect.gather [hbm4b:s3+s23], $0x40, s1, s23, $0xb8;
	[tilespmem:$0x12C00] =	vst v63  }
0xc8: {  	_ =	swait.ge [sflag:s10], $0x3200  }
0xc9: {  	[sflag:s10] =	ssyncset.done $0x0  }
0xca: {  	s7 =	sadd.s32 $0xC80, s19;
	s0 =	rddreg [dreg:$0x9];
	[sflag:s10] =	ssyncadd.s32 $0xFFFFCE00  }
0xcb: {  	[hbm4b:s7+s2] =	stream.linear.scatter [tilespmem:s28], [sflag:$0x7], $0xC80, $0x38;
	[tilespmem:$0x12C00] =	vst v63  }
0xcc: {  	s26 =	rddreg [dreg:$0x8];
	s0 =	sadd.s32 s22, s0  }
0xcd: {  	[hbm4b:s0+s2] =	stream.linear.scatter [tilespmem:s11], [sflag:$0x7], $0xC80, $0x38;
	[tilespmem:$0x12C00] =	vst v63  }
0xce: {  	s26 =	sadd.s32 s22, s26;
	s7 =	rddreg [dreg:$0x7]  }
0xcf: {  	[hbm4b:s26+s2] =	stream.linear.scatter [tilespmem:s12], [sflag:$0x7], $0xC80, $0x38;
	[tilespmem:$0x12C00] =	vst v63  }
0xd0: {  	s1 =	sadd.s32 s22, s7  }
0xd1: {  	[hbm4b:s1+s2] =	stream.linear.scatter [tilespmem:s13], [sflag:$0x7], $0xC80, $0x38;
	[tilespmem:$0x12C00] =	vst v63  }
0xd2: {  	_ =	swait.ge [sflag:s14], $0xC80  }
0xd3: {  	[sflag:s14] =	ssyncset.done $0x0  }
0xd4: {  	[sflag:s14] =	ssyncadd.s32 $0xFFFFF380  }
0xd5: {  	_ =	swait.ge [sflag:s14], $0xC80  }
0xd6: {  	[sflag:s14] =	ssyncset.done $0x0  }
0xd7: {  	[sflag:s14] =	ssyncadd.s32 $0xFFFFF380  }
0xd8: {  	_ =	swait.ge [sflag:s14], $0xC80  }
0xd9: {  	[sflag:s14] =	ssyncset.done $0x0  }
0xda: {  	[sflag:s14] =	ssyncadd.s32 $0xFFFFF380  }
0xdb: {  	_ =	swait.ge [sflag:s14], $0xC80  }
0xdc: {  	[sflag:s14] =	ssyncset.done $0x0  }
0xdd: {  	s7 =	sadd.s32 $0xFFFFFF38, s21;
	[sflag:s14] =	ssyncadd.s32 $0xFFFFF380  }
0xde: {  	[tilespmem:s28], [sflag:$0x3] =	stream.indirect.gather [hbm4b:s3+s23], $0x40, s7, s23, $0xb8;
	[tilespmem:$0x12C00] =	vst v63  }
0xdf: {  	_ =	swait.ge [sflag:s15], $0x3200  }
0xe0: {  	[sflag:s15] =	ssyncset.done $0x0  }
0xe1: {  	s26 =	sadd.s32 $0x12C0, s19;
	s0 =	rddreg [dreg:$0x5];
	[sflag:s15] =	ssyncadd.s32 $0xFFFFCE00  }
0xe2: {  	[hbm4b:s26+s2] =	stream.linear.scatter [tilespmem:s30], [sflag:$0x8], $0xC80, $0x38;
	[tilespmem:$0x12C00] =	vst v63  }
0xe3: {  	s7 =	rddreg [dreg:$0x4];
	s0 =	sadd.s32 s22, s0  }
0xe4: {  	[hbm4b:s0+s2] =	stream.linear.scatter [tilespmem:s16], [sflag:$0x8], $0xC80, $0x38;
	[tilespmem:$0x12C00] =	vst v63  }
0xe5: {  	s1 =	rddreg [dreg:$0x3];
	s7 =	sadd.s32 s22, s7  }
0xe6: {  	[hbm4b:s7+s2] =	stream.linear.scatter [tilespmem:s17], [sflag:$0x8], $0xC80, $0x38;
	[tilespmem:$0x12C00] =	vst v63  }
0xe7: {  	s1 =	sadd.s32 s22, s1  }
0xe8: {  	[hbm4b:s1+s2] =	stream.linear.scatter [tilespmem:s18], [sflag:$0x8], $0xC80, $0x38;
	[tilespmem:$0x12C00] =	vst v63  }
0xe9: {  	_ =	swait.ge [sflag:s4], $0xC80  }
0xea: {  	[sflag:s4] =	ssyncset.done $0x0  }
0xeb: {  	[sflag:s4] =	ssyncadd.s32 $0xFFFFF380  }
0xec: {  	_ =	swait.ge [sflag:s4], $0xC80  }
0xed: {  	[sflag:s4] =	ssyncset.done $0x0  }
0xee: {  	[sflag:s4] =	ssyncadd.s32 $0xFFFFF380  }
0xef: {  	_ =	swait.ge [sflag:s4], $0xC80  }
0xf0: {  	[sflag:s4] =	ssyncset.done $0x0  }
0xf1: {  	[sflag:s4] =	ssyncadd.s32 $0xFFFFF380  }
0xf2: {  	_ =	swait.ge [sflag:s4], $0xC80  }
0xf3: {  	[sflag:s4] =	ssyncset.done $0x0  }
0xf4: {  	[sflag:s4] =	ssyncadd.s32 $0xFFFFF380  }
0xf5: {  	[tilespmem:s30], [sflag:$0x4] =	stream.indirect.gather [hbm4b:s3+s23], $0x40, s21, s23, $0xb8;
	[tilespmem:$0x12C00] =	vst v63  }
0xf6: {  	_ =	swait.ge [sflag:s31], $0x3200  }
0xf7: {  	p0 =	sne.s32 s20, $0x2EE00;
	s26 =	simm.s32 $0x7080;
	[sflag:s31] =	ssyncset.done $0x0  }
0xf8: {  	s7 =	sadd.s32 $0x1900, s19;
	s0 =	rddreg [dreg:$0xf];
	[sflag:s31] =	ssyncadd.s32 $0xFFFFCE00  }
0xf9: {  	[hbm4b:s7+s2] =	stream.linear.scatter [tilespmem:s24], [sflag:$0x5], $0xC80, $0x38;
	[tilespmem:$0x12C00] =	vst v63  }
.Ltmp0:
0xfa: {  	s19 =	rddreg [dreg:$0xe];
	s0 =	sadd.s32 s22, s0;
	(pc) =	sbr.rel @p0 .LBB2_2-.Ltmp0, $4  }
0xfb: {  	[hbm4b:s0+s2] =	stream.linear.scatter [tilespmem:s26], [sflag:$0x5], $0xC80, $0x38;
	[tilespmem:$0x12C00] =	vst v63  }
0xfc: {  	s19 =	sadd.s32 s22, s19;
	s7 =	rddreg [dreg:$0xd]  }
0xfd: {  	[hbm4b:s19+s2] =	stream.linear.scatter [tilespmem:s6], [sflag:$0x5], $0xC80, $0x38;
	[tilespmem:$0x12C00] =	vst v63  }
0xfe: {  	s20 =	sadd.s32 $0x1900, s20;
	s21 =	sadd.s32 $0x320, s21;
	s19 =	sadd.s32 s22, s7  }
0xff: {  	s0 =	simm.s32 $0x8980  }
0x100: {  	[hbm4b:s19+s2] =	stream.linear.scatter [tilespmem:s0], [sflag:$0x5], $0xC80, $0x38;
	[tilespmem:$0x12C00] =	vst v63  }
0x101: {  	_ =	swait.ge [sflag:s5], $0x3200  }
0x102: {  	[sflag:s5] =	ssyncset.done $0x0  }
0x103: {  	s1 =	rddreg [dreg:$0x15];
	[sflag:s5] =	ssyncadd.s32 $0xFFFFCE00  }
0x104: {  	[hbm4b:s1+s2] =	stream.linear.scatter [tilespmem:s25], [sflag:$0x6], $0xC80, $0x38;
	[tilespmem:$0x12C00] =	vst v63  }
0x105: {  	s6 =	rddreg [dreg:$0x16];
	s1 =	simm.s32 $0xA280  }
0x106: {  	[hbm4b:s6+s2] =	stream.linear.scatter [tilespmem:s1], [sflag:$0x6], $0xC80, $0x38;
	[tilespmem:$0x12C00] =	vst v63  }
0x107: {  	s19 =	simm.s32 $0xAF00;
	s7 =	rddreg [dreg:$0x17]  }
0x108: {  	[hbm4b:s7+s2] =	stream.linear.scatter [tilespmem:s19], [sflag:$0x6], $0xC80, $0x38;
	[tilespmem:$0x12C00] =	vst v63  }
0x109: {  	s20 =	rddreg [dreg:$0x18]  }
0x10a: {  	[hbm4b:s20+s2] =	stream.linear.scatter [tilespmem:s8], [sflag:$0x6], $0xC80, $0x38;
	[tilespmem:$0x12C00] =	vst v63  }
0x10b: {  	_ =	swait.ge [sflag:s10], $0x3200  }
0x10c: {  	[sflag:s10] =	ssyncset.done $0x0  }
0x10d: {  	s21 =	rddreg [dreg:$0x19];
	[sflag:s10] =	ssyncadd.s32 $0xFFFFCE00  }
0x10e: {  	[hbm4b:s21+s2] =	stream.linear.scatter [tilespmem:s28], [sflag:$0x7], $0xC80, $0x38;
	[tilespmem:$0x12C00] =	vst v63  }
0x10f: {  	s22 =	rddreg [dreg:$0x1a]  }
0x110: {  	[hbm4b:s22+s2] =	stream.linear.scatter [tilespmem:s11], [sflag:$0x7], $0xC80, $0x38;
	[tilespmem:$0x12C00] =	vst v63  }
0x111: {  	s1 =	rddreg [dreg:$0x1b]  }
0x112: {  	[hbm4b:s1+s2] =	stream.linear.scatter [tilespmem:s12], [sflag:$0x7], $0xC80, $0x38;
	[tilespmem:$0x12C00] =	vst v63  }
0x113: {  	s6 =	rddreg [dreg:$0x1c]  }
0x114: {  	[hbm4b:s6+s2] =	stream.linear.scatter [tilespmem:s13], [sflag:$0x7], $0xC80, $0x38;
	[tilespmem:$0x12C00] =	vst v63  }
0x115: {  	_ =	swait.ge [sflag:s15], $0x3200  }
0x116: {  	[sflag:s15] =	ssyncset.done $0x0;
	s7 =	rddreg [dreg:$0x1d]  }
0x117: {  	s19 =	rddreg [dreg:$0x1e];
	[sflag:s15] =	ssyncadd.s32 $0xFFFFCE00  }
0x118: {  	[hbm4b:s7+s2] =	stream.linear.scatter [tilespmem:s30], [sflag:$0x8], $0xC80, $0x38;
	[tilespmem:$0x12C00] =	vst v63  }
0x119: {  	s20 =	rddreg [dreg:$0x1f]  }
0x11a: {  	[hbm4b:s19+s2] =	stream.linear.scatter [tilespmem:s16], [sflag:$0x8], $0xC80, $0x38;
	[tilespmem:$0x12C00] =	vst v63  }
0x11b: {  	s21 =	sld [smem:$0x7FC]  }
0x11c: {  	[hbm4b:s20+s2] =	stream.linear.scatter [tilespmem:s17], [sflag:$0x8], $0xC80, $0x38;
	[tilespmem:$0x12C00] =	vst v63  }
0x11d: {  	_ = 	snop  }
0x11e: {  	[hbm4b:s21+s2] =	stream.linear.scatter [tilespmem:s18], [sflag:$0x8], $0xC80, $0x38;
	[tilespmem:$0x12C00] =	vst v63  }
0x11f: {  	_ =	swait.ge [sflag:s29], $0xC80  }
0x120: {  	[sflag:s29] =	ssyncset.done $0x0  }
0x121: {  	[sflag:s29] =	ssyncadd.s32 $0xFFFFF380  }
0x122: {  	_ =	swait.ge [sflag:s29], $0xC80  }
0x123: {  	[sflag:s29] =	ssyncset.done $0x0  }
0x124: {  	[sflag:s29] =	ssyncadd.s32 $0xFFFFF380  }
0x125: {  	_ =	swait.ge [sflag:s29], $0xC80  }
0x126: {  	[sflag:s29] =	ssyncset.done $0x0  }
0x127: {  	[sflag:s29] =	ssyncadd.s32 $0xFFFFF380  }
0x128: {  	_ =	swait.ge [sflag:s29], $0xC80  }
0x129: {  	[sflag:s29] =	ssyncset.done $0x0  }
0x12a: {  	[sflag:s29] =	ssyncadd.s32 $0xFFFFF380  }
0x12b: {  	_ =	swait.ge [sflag:s9], $0xC80  }
0x12c: {  	[sflag:s9] =	ssyncset.done $0x0  }
0x12d: {  	[sflag:s9] =	ssyncadd.s32 $0xFFFFF380  }
0x12e: {  	_ =	swait.ge [sflag:s9], $0xC80  }
0x12f: {  	[sflag:s9] =	ssyncset.done $0x0  }
0x130: {  	[sflag:s9] =	ssyncadd.s32 $0xFFFFF380  }
0x131: {  	_ =	swait.ge [sflag:s9], $0xC80  }
0x132: {  	[sflag:s9] =	ssyncset.done $0x0  }
0x133: {  	[sflag:s9] =	ssyncadd.s32 $0xFFFFF380  }
0x134: {  	_ =	swait.ge [sflag:s9], $0xC80  }
0x135: {  	[sflag:s9] =	ssyncset.done $0x0  }
0x136: {  	[sflag:s9] =	ssyncadd.s32 $0xFFFFF380  }
0x137: {  	_ =	swait.ge [sflag:s14], $0xC80  }
0x138: {  	[sflag:s14] =	ssyncset.done $0x0  }
0x139: {  	[sflag:s14] =	ssyncadd.s32 $0xFFFFF380  }
0x13a: {  	_ =	swait.ge [sflag:s14], $0xC80  }
0x13b: {  	[sflag:s14] =	ssyncset.done $0x0  }
0x13c: {  	[sflag:s14] =	ssyncadd.s32 $0xFFFFF380  }
0x13d: {  	_ =	swait.ge [sflag:s14], $0xC80  }
0x13e: {  	[sflag:s14] =	ssyncset.done $0x0  }
0x13f: {  	[sflag:s14] =	ssyncadd.s32 $0xFFFFF380  }
0x140: {  	_ =	swait.ge [sflag:s14], $0xC80  }
0x141: {  	[sflag:s14] =	ssyncset.done $0x0  }
0x142: {  	[sflag:s14] =	ssyncadd.s32 $0xFFFFF380  }
0x143: {  	_ =	swait.ge [sflag:s4], $0xC80  }
0x144: {  	[sflag:s4] =	ssyncset.done $0x0  }
0x145: {  	[sflag:s4] =	ssyncadd.s32 $0xFFFFF380  }
0x146: {  	_ =	swait.ge [sflag:s4], $0xC80  }
0x147: {  	[sflag:s4] =	ssyncset.done $0x0  }
0x148: {  	[sflag:s4] =	ssyncadd.s32 $0xFFFFF380  }
0x149: {  	_ =	swait.ge [sflag:s4], $0xC80  }
0x14a: {  	[sflag:s4] =	ssyncset.done $0x0  }
0x14b: {  	[sflag:s4] =	ssyncadd.s32 $0xFFFFF380  }
0x14c: {  	_ =	swait.ge [sflag:s4], $0xC80  }
0x14d: {  	s6 =	sld [smem:$0x7FB]  }
0x14e: {  	s22 =	sld [smem:$0x7FD];
	_ =	sdelay $0x1  }
0x14f: {  	s6 =	sadd.s32 $0x1, s6  }
0x150: {  	p0 =	sne.s32 s6, s22  }
.Ltmp1:
0x151: {  	_ = 	snop;
	(pc) =	sbr.rel @p0 .LBB2_1-.Ltmp1, $3  }
0x152: {  	_ =	sdelay $0x1  }
0x153: {  	[sflag:s4] =	ssyncset.done $0x0  }
0x154: {  	s1 =	simm.s32 $0x7D00;
	[sflag:s4] =	ssyncadd.s32 $0xFFFFF380  }
0x155: {  	_ =	sfence.sel $0x180000  }
0x156: {  	[bflag:$0x0] =	sbarrier.arrive $0xFFFF  }
0x157: {  	_ =	strace $0x9000004A  }
0x158: {  	s0 =	stileid.u32;
	[bflag:$0x2] =	sbarrier.arrive $0xFFFF  }
0x159: {  	p0 =	sne.s32 s0, $0x0;
	s0 =	rddreg [dreg:$0x2]  }
0x15a: {  	s0 =	sadd.s32 @!p0 $0x100000, s0  }
0x15b: {  	[sflag:s0] =	ssyncadd.tile.s32 @!p0 $0x1;
	_ =	shalt  }
.Lfunc_end2:
_tile_overlayer_lowered:
.L_overlay_start_2:
0x15c: {  	(tag) =	ssettag $0x2  }
0x15d: {  	s0 =	rddreg [dreg:$0x0];
	s2 =	stileid.u32  }
0x15e: {  	s1 =	rddreg [dreg:$0x1];
	p0 =	sne.s32 s2, $0x0  }
0x15f: {  	s3 =	rddreg [dreg:$0x2];
	[bflag:$0x3] =	sbarrier.arrive $0xFFFF;
	s2 =	simm.s32 @!p0 $0x1C09  }
0x160: {  	[timem:s3], [sflag:s2] =	dma.local @!p0 [hbm:s0], s1  }
0x161: {  	s0 =	simm.s32 @!p0 $0x9  }
0x162: {  	_ =	swait.ge @!p0 [sflag:s0], s1  }
0x163: {  	s1 =	ssub.s32 @!p0 $0x0, s1;
	[sflag:s0] =	ssyncset.done @!p0 $0x0  }
0x164: {  	[sflag:s0] =	ssyncadd.s32 @!p0 s1  }
0x165: {  	[bflag:$0x3] =	sbarrier.arrive $0xFFFF  }
0x166: {  	_ =	shalt  }

// kernel: sparse-core-data-format-call.cloned.1.call-start
scs
called_computation_lowered:
.L_overlay_start_0:
0x0: {  	s2 =	sld [smem:$0x3FD9]  }
0x1: {  	s3 =	sld [smem:$0x3FFE];
	_ =	sdelay $0x1  }
0x2: {  	s1 =	srdreg.scid  }
0x3: {  	s0 =	sand.u32 $0x1, s1  }
0x4: {  	s18 =	sshll.u32 s0, $0xA;
	s2 =	sadd.s32 s3, s2  }
0x5: {  	s2 =	sadd.s32 s2, s18  }
0x6: {  	[smem:$0x3FC6] =	sst s2  }
0x7: {  	_ = 	snop  }
0x8: {  	s2 =	sld [smem:$0x3FD0];
	(tm) =	ssettm $0x1  }
0x9: {  	s19 =	sld [smem:$0x3FFB];
	_ =	sdelay $0x3  }
0xa: {  	_ =	strace s19  }
0xb: {  	s3 =	sld [smem:$0x3FFC];
	_ =	sdelay $0x3  }
0xc: {  	_ =	strace s3  }
0xd: {  	s3 =	sld [smem:$0x3FFD];
	_ =	sdelay $0x3  }
0xe: {  	_ =	strace s3  }
0xf: {  	_ =	strace $0x8FFFFFFF  }
0x10: {  	s20 =	sld [smem:$0x3FDB];
	_ =	sdelay $0x1  }
0x11: {  	s4 =	simm.s32 $_scs_section_size  }
0x12: {  	s5 =	simm.s32 $_size__tile_overlayer_lowered;
	s6 =	simm.s32 $_tile_overlayer_lowered  }
0x13: {  	s23 =	simm.s32 $0x1BFF;
	s22 =	sshll.u32 s6, $0x1;
	s3 =	sadd.s32 s4, s20  }
0x14: {  	s7 =	simm.s32 $0x0;
	s21 =	sshll.u32 s5, $0x1;
	s5 =	sadd.s32 s22, s3  }
0x15: {  	[timem:s7], [sflag:s23] =	dma.local [hbm:s5], s21  }
0x16: {  	_ =	swait.ge [sflag:s23], s21  }
0x17: {  	s4 =	ssub.s32 $0x0, s21;
	[sflag:s23] =	ssyncset.done $0x0  }
0x18: {  	[sflag:s23] =	ssyncadd.s32 s4;
	_ =	sdelay $0x1  }
0x19: {  	s24 =	simm.s32 $0x1B8B  }
0x1a: {  	_ =	swait.ge [sflag:s24], $0x1  }
0x1b: {  	[sflag:s24] =	ssyncset.done $0x0  }
0x1c: {  	s26 =	simm.s32 $0x1B8E;
	s25 =	sld [smem:$0x3FFE];
	[sflag:s24] =	ssyncadd.s32 $0xFFFFFFFF  }
0x1d: {  	s27 =	simm.s32 $execute0_lowered;
	[smem:$0x3FD2] =	sst s26  }
0x1e: {  	s5 =	sshll.u32 s27, $0x1;
	_ =	strace $0x8000004C;
	[dreg:$0x1] =	wrdreg $0xFFFFFFFF  }
0x1f: {  	s28 =	simm.s32 $_size_execute0_lowered;
	s3 =	sadd.s32 s3, s5;
	[dreg:$0x0] =	wrdreg $0x0  }
0x20: {  	s5 =	sshll.u32 s28, $0x1;
	[dreg:$0x2] =	wrdreg s3  }
0x21: {  	[dreg:$0x3] =	wrdreg s5  }
0x22: {  	[dreg:$0x4] =	wrdreg $0xC0  }
0x23: {  	_ =	task [dreg:s7], $0x5FFFF  }
0x24: {  	[dreg:$0x1] =	wrdreg $0xFFFFFFFF  }
0x25: {  	[dreg:$0x0] =	wrdreg $0x60  }
0x26: {  	[dreg:$0x2] =	wrdreg s25  }
0x27: {  	[dreg:$0x3] =	wrdreg s2  }
0x28: {  	[dreg:$0x4] =	wrdreg $0x9  }
0x29: {  	_ =	task.clear_ibuf [dreg:s7], $0x5FFFF;
	_ =	strace $0x9000004C  }
0x2a: {  	s29 =	simm.s32 $0x9;
	_ =	strace $0x8000004E  }
0x2b: {  	_ =	swait.ge [sflag:s29], $0x1  }
0x2c: {  	[sflag:s29] =	ssyncadd.s32 $0xFFFFFFFF  }
0x2d: {  	_ =	strace $0x9000004E  }
0x2e: {  	_ =	sfence  }
0x2f: {  	s30 =	sld [smem:$0x0];
	_ =	sdelay $0x2  }
0x30: {  	s31 =	sshll.u32 s1, $0xD;
	s1 =	sshrl.u32 s1, $0x2  }
0x31: {  	s3 =	sand.u32 $0x4000, s31;
	s1 =	sadd.s32 s1, s30  }
0x32: {  	s0 =	sor.u32 s3, s0;
	s1 =	sshll.u32 s1, $0x11  }
0x33: {  	s0 =	sor.u32 s1, s0  }
0x34: {  	s0 =	sadd.s32 $0x8F2B, s0  }
0x35: {  	[sflag:s0] =	ssyncadd.remote.s32 $0x1  }
0x36: {  	_ =	sfence.sel $0xFFFF  }
0x37: {  	[dreg:$0x0] =	wrdreg $0xFFFFFFFF;
	(pc) =	sbr.abs _section_cstart, $3  }
0x38: {  	[dreg:$0x1] =	wrdreg $0xFFFFFFFF  }
0x39: {  	_ =	task.clear_ibuf [dreg:s7], $0x2FFFF;
	_ =	strace $0x9FFFFFFF  }
0x3a: {  	(tm) =	ssettm $0x7FFFFFFF  }
0x3b: {  	_ =	shalt  }
tec
execute0_lowered:
.L_overlay_start_1:
0x0: {  	(tag) =	ssettag $0x1  }
0x1: {  	s0 =	srdreg.scid  }
0x2: {  	s1 =	sshll.u32 s0, $0x4  }
0x3: {  	s0 =	stileid.u32;
	s1 =	sand.u32 $0x10, s1  }
0x4: {  	s1 =	sor.u32 s0, s1  }
0x5: {  	s6 =	rddreg [dreg:$0x0];
	s4 =	simm.s32 $0x1;
	s2 =	sshll.u32 s1, $0x7  }
0x6: {  	s7 =	simm.s32 $0x2;
	s12 =	simm.s32 $0x0;
	s1 =	ssub.s32 $0x4000, s2  }
0x7: {  	s8 =	simm.s32 $0x20000;
	s13 =	simm.s32 $0x0;
	s3 =	sand.u32 $0xF80, s1  }
0x8: {  	s9 =	simm.s32 $0x0;
	s5 =	sshrl.u32 s1, $0xC;
	p0 =	sne.s32 s3, $0x0  }
.Ltmp0:
0x9: {  	s1 =	rddreg [dreg:$0x2];
	s4 =	simm.s32 @!p0 $0x0;
	(pc) =	sbr.rel .LBB1_1-.Ltmp0, $4  }
0xa: {  	s11 =	simm.s32 $0x0;
	s3 =	rddreg [dreg:$0x1];
	s5 =	sadd.s32 s4, s5  }
0xb: {  	_ =	strace $0x8000004D;
	s4 =	simm.s32 $0x1;
	s5 =	smul.u32 $0x32, s5  }
0xc: {  	s6 =	sadd.s32 $0xC00, s6;
	s10 =	smov.u32 s2;
	[sflag:s4] =	ssyncpa.u1 $0x0  }
0xd: {  	p0 =	por $0x0, $0x0;
	[sflag:s7] =	ssyncpa.u1 $0x0;
	s7 =	sor.u32 $0x1, s5  }
.LBB1_4:
0xe: {  	s16 =	sshll.u32 s13, $0x3;
	s17 =	sand.u32 $0x78, s13  }
0xf: {  	s30 =	sand.u32 $0x1F800, s13;
	s12 =	sshll.u32 s12, $0x11;
	s16 =	sand.u32 $0x3C00, s16  }
0x10: {  	[tilespmem:s15+$0x810 ss:$0x81] =	vst.msk $0xffff, v2;
	s31 =	sand.u32 $0x7, s13;
	s16 =	sor.u32 s17, s16;
	s17 =	sadd.s32 s3, s30  }
0x11: {  	[tilespmem:s15+$0x1020 ss:$0x81] =	vst.msk $0xffff, v0;
	s13 =	sshll.u32 s31, $0x12;
	s12 =	sadd.s32 s12, s17;
	s16 =	sshrl.u32 s16, $0x3  }
0x12: {  	[tilespmem:s15+$0x0 ss:$0x81] =	vst.msk $0xffff, v1;
	s13 =	sor.u32 $0x400, s13;
	s12 =	sadd.s32 s16, s12  }
0x13: {  	[hbm4b:s12+s13] =	stream.strided.scatter [tilespmem:s14], [sflag:$0x2], $0x2000, s8, s13, $0x20;
	[tilespmem:$0x8080] =	vst v63  }
.LBB1_5:
0x14: {  	s14 =	sadd.s32 $0x1, s9  }
0x15: {  	s12 =	sadd.s32 $0x1000, s10;
	s16 =	smov.u32 s10;
	p2 =	sgt.s32 s14, $0x31  }
0x16: {  	s16 =	smov.u32 @p2 s12  }
0x17: {  	s14 =	simm.s32 @p2 $0x0;
	p2 =	sgt.s32 s16, $0x3FFF  }
0x18: {  	s16 =	smov.u32 @p2 s2;
	p2 =	sne.s32 s11, s7  }
.Ltmp1:
0x19: {  	p1 =	slt.u32 s11, $0x2;
	(pc) =	sbr.rel @!p2 .LBB1_6-.Ltmp1, $4  }
0x1a: {  	s15 =	simm.s32 @!p1 $0x2  }
0x1b: {  	s13 =	smov.u32 s10;
	p0 =	por !p0, !p0;
	_ =	swait.ge @!p1 [sflag:s15], $0x2000  }
0x1c: {  	s12 =	smov.u32 s9;
	[sflag:s15] =	ssyncset.done @!p1 $0x0;
	s9 =	smov.u32 s14  }
0x1d: {  	s11 =	sadd.s32 $0x1, s11;
	[sflag:s15] =	ssyncadd.s32 @!p1 $0xFFFFE000;
	s10 =	smov.u32 s16  }
.LBB1_1:
0x1e: {  	p1 =	sge.u32 s11, s5  }
0x1f: {  	s14 =	sand.u32 @!p1 $0x1FFFFFF, s9  }
0x20: {  	s15 =	smulhi.u32 @!p1 $0x4924925, s14;
	_ =	sdelay $0x1  }
0x21: {  	s15 =	smul.u32 @!p1 $0x38, s15  }
0x22: {  	s16 =	sxor.u32 @!p1 $0xFFFFFFFF, s11;
	s17 =	smul.u32 @!p1 $0x380, s10  }
0x23: {  	s31 =	sadd.s32 $0xFFFFFFFF, s11;
	s16 =	sshll.u32 @!p1 s16, $0xD;
	s14 =	ssub.s32 @!p1 s14, s15  }
0x24: {  	s15 =	sand.u32 @!p1 $0x2000, s16;
	s16 =	sadd.s32 @!p1 s6, s17;
	s14 =	sshll.u32 @!p1 s14, $0x4  }
0x25: {  	s17 =	simm.s32 @!p1 $0x1C00;
	s14 =	sadd.s32 @!p1 s14, s16;
	s16 =	simm.s32 @!p1 $0x40  }
0x26: {  	[tilespmem:s15], [sflag:$0x1] =	stream.strided.gather @!p1 [hbm4b:s14+s16], $0x2000, s17, s16, $0x38;
	[tilespmem:$0x8080] =	vst v63  }
0x27: {  	p1 =	sge.u32 s31, s5  }
.Ltmp2:
0x28: {  	_ = 	snop;
	(pc) =	sbr.rel @p1 .LBB1_5-.Ltmp2, $1  }
0x29: {  	_ =	sdelay $0x3  }
0x2a: {  	s14 =	simm.s32 $0x1  }
0x2b: {  	_ =	swait.ge [sflag:s4], $0x2000;
	s14 =	simm.s32 @!p0 $0x0  }
0x2c: {  	[sflag:s4] =	ssyncset.done $0x0;
	s15 =	sshll.u32 s14, $0xD  }
0x2d: {  	[sflag:s4] =	ssyncadd.s32 $0xFFFFE000;
	s18 =	sor.u32 $0x20, s15  }
0x2e: {  	s14 =	smul.u32 $0x8100, s14;
	v3 =	vld [tilespmem:s18+$0x10]  }
0x2f: {  	s30 =	sand.u32 $0x1, s11;
	v2 =	vld [tilespmem:s18+$0xFFFFFFF0]  }
0x30: {  	s15 =	smul.u32 $0x8100, s30;
	s14 =	sshrl.u32 s14, $0x2;
	v0 =	vld [tilespmem:s18+$0x0]  }
0x31: {  	v1 =	vld [tilespmem:s18+$0xFFFFFFE0];
	s16 =	sor.u32 $0x4000, s14  }
0x32: {  	s31 =	sshrl.u32 s15, $0x2;
	s15 =	sadd.s32 $0x0, s16  }
0x33: {  	s17 =	simm.s32 $0x4;
	s18 =	sadd.s32 $0x40, s18;
	s14 =	sor.u32 $0x4000, s31;
	[tilespmem:s15+$0x1830 ss:$0x81] =	vst.msk $0xffff, v3  }
.LBB1_3:
0x34: {  	v3 =	vld [tilespmem:s18+$0x10];
	p1 =	sne.s32 s17, $0x1FC;
	[tilespmem:s15+$0x810 ss:$0x81] =	vst.msk $0xffff, v2;
	s19 =	smov.u32 s17;
	s17 =	sadd.s32 $0x4, s17  }
.Ltmp3:
0x35: {  	v2 =	vld [tilespmem:s18+$0xFFFFFFF0];
	[tilespmem:s15+$0x1020 ss:$0x81] =	vst.msk $0xffff, v0;
	(pc) =	sbr.rel @p1 .LBB1_3-.Ltmp3, $4  }
0x36: {  	v0 =	vld [tilespmem:s18+$0x0];
	[tilespmem:s15+$0x0 ss:$0x81] =	vst.msk $0xffff, v1  }
0x37: {  	s15 =	sshra.s32 s19, $0x2;
	v1 =	vld [tilespmem:s18+$0xFFFFFFE0]  }
0x38: {  	s15 =	sadd.s32 s15, s16  }
0x39: {  	s18 =	sadd.s32 $0x40, s18;
	[tilespmem:s15+$0x1830 ss:$0x81] =	vst.msk $0xffff, v3  }
.Ltmp4:
0x3a: {  	_ = 	snop;
	(pc) =	sbr.rel .LBB1_4-.Ltmp4, $1  }
0x3b: {  	_ =	sdelay $0x3  }
.LBB1_6:
0x3c: {  	_ =	sfence.sel $0x180000  }
0x3d: {  	s2 =	simm.s32 $0x1;
	[bflag:$0x0] =	sbarrier.arrive $0xFFFF  }
0x3e: {  	s31 =	simm.s32 $0x2;
	[sflag:s2] =	ssyncpa.u1 $0x1  }
0x3f: {  	[sflag:s31] =	ssyncpa.u1 $0x1  }
0x40: {  	p0 =	sne.s32 s0, $0x0;
	_ =	strace $0x9000004D  }
0x41: {  	s0 =	sadd.s32 @!p0 $0x100000, s1;
	[bflag:$0x2] =	sbarrier.arrive $0xFFFF  }
0x42: {  	[sflag:s0] =	ssyncadd.tile.s32 @!p0 $0x1;
	_ =	shalt  }
.Lfunc_end1:
_tile_overlayer_lowered:
.L_overlay_start_2:
0x43: {  	(tag) =	ssettag $0x2  }
0x44: {  	s0 =	rddreg [dreg:$0x0];
	s2 =	stileid.u32  }
0x45: {  	s1 =	rddreg [dreg:$0x1];
	p0 =	sne.s32 s2, $0x0  }
0x46: {  	s3 =	rddreg [dreg:$0x2];
	[bflag:$0x3] =	sbarrier.arrive $0xFFFF;
	s2 =	simm.s32 @!p0 $0x1C01  }
0x47: {  	[timem:s3], [sflag:s2] =	dma.local @!p0 [hbm:s0], s1  }
0x48: {  	s0 =	simm.s32 @!p0 $0x1  }
0x49: {  	_ =	swait.ge @!p0 [sflag:s0], s1  }
0x4a: {  	s1 =	ssub.s32 @!p0 $0x0, s1;
	[sflag:s0] =	ssyncset.done @!p0 $0x0  }
0x4b: {  	[sflag:s0] =	ssyncadd.s32 @!p0 s1  }
0x4c: {  	[bflag:$0x3] =	sbarrier.arrive $0xFFFF  }
0x4d: {  	_ =	shalt  }

</sc_bundles>
